<compile_context>
chip_gen: v7x
topology: tpu7x:2x2x1
jax: 0.10.2.dev20260603
libtpu: 0.0.44.dev20260713+nightly
codegen_flags: <defaults>
</compile_context>

<pallas_src>
import jax
import jax.numpy as jnp
from jax import lax
from jax.experimental import pallas as pl
from jax.experimental.pallas import tpu as pltpu
from jax.experimental.pallas import tpu_sc as plsc

GRID = 64
NVOX = GRID ** 3
C = 128
NC, NS = 2, 16
NW = NC * NS
CHUNK = 4096
CHUNK_SHIFT = 12
NCHUNKS = NVOX // CHUNK
CH_PER_SC = NCHUNKS // NC
TROWS = CHUNK + 128
DRAIN = CHUNK // NS
CNT_WORDS = CH_PER_SC * CHUNK + 128
CNT_PER_TILE = CNT_WORDS // NS
CNT_DRAIN = (CH_PER_SC * CHUNK) // NS
BATCH = 128
NPAD = 102400
PERTILE = NPAD // NS
PERW = NPAD // NW
LISTCAP = PERTILE + BATCH
BIG = 0x7FFFFFF

B1 = 2000
B4 = 2048


def _k1_body(pc_ref, ws_ref, vox_ref, g_ref):
    x = pc_ref[...]
    cx = jnp.clip(x[:, 0:1], 0.0, GRID - 1.0)
    cy = jnp.clip(x[:, 1:2], 0.0, GRID - 1.0)
    cz = jnp.clip(x[:, 2:3], 0.0, GRID - 1.0)
    vox_ref[...] = ((cx * GRID + cy) * GRID + cz).astype(jnp.int32)
    g_ref[...] = jnp.dot(x[:, 4:4 + C], ws_ref[...],
                         preferred_element_type=jnp.float32)


def _k1(pc, ws):
    n = pc.shape[0]
    return pl.pallas_call(
        _k1_body,
        grid=(n // B1,),
        in_specs=[
            pl.BlockSpec((B1, 4 + C), lambda i: (i, 0)),
            pl.BlockSpec((C, C), lambda i: (0, 0)),
        ],
        out_specs=[
            pl.BlockSpec((B1, 1), lambda i: (i, 0)),
            pl.BlockSpec((B1, C), lambda i: (i, 0)),
        ],
        out_shape=[
            jax.ShapeDtypeStruct((n, 1), jnp.int32),
            jax.ShapeDtypeStruct((n, C), jnp.float32),
        ],
    )(pc, ws)


def _k4_body(s_ref, n_ref, bs_ref, w1_ref, b1_ref, w2_ref, b2_ref, y_ref):
    n = jnp.maximum(n_ref[...], 1.0)
    h0 = jnp.maximum(s_ref[...] / n + bs_ref[...], 0.0)
    h1 = jnp.maximum(
        jnp.dot(h0, w1_ref[...], preferred_element_type=jnp.float32)
        + b1_ref[...], 0.0)
    y_ref[...] = (jnp.dot(h1, w2_ref[...], preferred_element_type=jnp.float32)
                  + b2_ref[...])


def _k4(sums, cnts, bs, w1, b1, w2, b2):
    return pl.pallas_call(
        _k4_body,
        grid=(NVOX // B4,),
        in_specs=[
            pl.BlockSpec((B4, C), lambda i: (i, 0)),
            pl.BlockSpec((B4, 1), lambda i: (i, 0)),
            pl.BlockSpec((1, C), lambda i: (0, 0)),
            pl.BlockSpec((C, C), lambda i: (0, 0)),
            pl.BlockSpec((1, C), lambda i: (0, 0)),
            pl.BlockSpec((C, 1), lambda i: (0, 0)),
            pl.BlockSpec((1, 1), lambda i: (0, 0)),
        ],
        out_specs=pl.BlockSpec((B4, 1), lambda i: (i, 0)),
        out_shape=jax.ShapeDtypeStruct((NVOX, 1), jnp.float32),
    )(sums, cnts, bs, w1, b1, w2, b2)


def _k3_body(vox_hbm, g_hbm, zb_hbm, zc_hbm, sums_hbm, cnts_hbm,
             vox_v, list_v, cnt_v, st_v, st0_v, idsb_v, locb_v, loccb_v,
             rows_v, onesf_v, zbuf_v, zcnt_v, tabs_s, tabc_s):
    cid = lax.axis_index("c")
    sid = lax.axis_index("s")
    lane = lax.iota(jnp.int32, 16)
    pltpu.sync_copy(vox_hbm.at[pl.ds(sid * PERTILE, PERTILE)], vox_v)
    pltpu.sync_copy(zb_hbm, zbuf_v)
    pltpu.sync_copy(zc_hbm, zcnt_v)
    for t in range(BATCH // 16):
        onesf_v[pl.ds(t * 16, 16)] = jnp.full((16,), 1.0, jnp.float32)
    pltpu.sync_copy(zcnt_v, tabc_s.at[pl.ds(sid * CNT_PER_TILE,
                                            CNT_PER_TILE)])
    for t in range(CH_PER_SC // 16):
        cnt_v[pl.ds(t * 16, 16)] = jnp.zeros((16,), jnp.int32)

    rc, _ = plsc.scan_count(jnp.zeros((16,), jnp.int32))
    adj = 16 - jnp.sum(jnp.where(lane == 15, rc, 0))

    binbase = cid * CH_PER_SC

    def count_body(j, _):
        v = vox_v[pl.ds(j * 16, 16)]
        b = (v >> CHUNK_SHIFT) - binbase
        m = (v >= 0) & (b >= 0) & (b < CH_PER_SC)
        k = jnp.where(m, b, BIG)
        ks, _vs = plsc.sort_key_val(k, b)
        ms = ks < BIG
        r1, lastm = plsc.scan_count(ks, mask=ms)
        lm = lastm & ms
        bsafe = ks & (CH_PER_SC - 1)
        c0 = plsc.load_gather(cnt_v, [bsafe], mask=lm)
        plsc.store_scatter(cnt_v, [bsafe], c0 + r1 + adj, mask=lm)
        return 0

    lax.fori_loop(0, PERTILE // 16, count_body, 0)

    carry = jnp.int32(0)
    for t in range(CH_PER_SC // 16):
        c16 = cnt_v[pl.ds(t * 16, 16)]
        cs = plsc.cumsum(c16)
        st = carry + cs - c16
        st_v[pl.ds(t * 16, 16)] = st
        st0_v[pl.ds(t * 16, 16)] = st
        carry = carry + jnp.sum(c16)

    def fill_body(j, _):
        v = vox_v[pl.ds(j * 16, 16)]
        b = (v >> CHUNK_SHIFT) - binbase
        m = (v >= 0) & (b >= 0) & (b < CH_PER_SC)
        ids = sid * PERTILE + j * 16 + lane
        pack = (ids << CHUNK_SHIFT) | (v & (CHUNK - 1))
        k = jnp.where(m, b, BIG)
        ks, ps = plsc.sort_key_val(k, pack)
        ms = ks < BIG
        r1, lastm = plsc.scan_count(ks, mask=ms)
        lm = lastm & ms
        bsafe = ks & (CH_PER_SC - 1)
        s = plsc.load_gather(st_v, [bsafe], mask=ms)
        pos = s + r1 + adj - 1
        plsc.store_scatter(list_v, [pos], ps, mask=ms)
        plsc.store_scatter(st_v, [bsafe], pos + 1, mask=lm)
        return 0

    lax.fori_loop(0, PERTILE // 16, fill_body, 0)

    pltpu.sync_copy(zbuf_v, tabs_s.at[pl.ds(sid * DRAIN, DRAIN)])
    plsc.subcore_barrier()

    def chunk_body(c_local, _):
        lo = c_local < 16
        sel = lane == (c_local & 15)
        c16 = jnp.where(lo, cnt_v[pl.ds(0, 16)], cnt_v[pl.ds(16, 16)])
        s16 = jnp.where(lo, st0_v[pl.ds(0, 16)], st0_v[pl.ds(16, 16)])
        cnt_c = jnp.sum(jnp.where(sel, c16, 0))
        st_c = jnp.sum(jnp.where(sel, s16, 0))
        end_c = st_c + cnt_c
        nb = (cnt_c + BATCH - 1) // BATCH

        def batch_body(bi, _):
            for t in range(BATCH // 16):
                idx = st_c + bi * BATCH + t * 16 + lane
                valid = idx < end_c
                idxc = jnp.maximum(jnp.minimum(idx, end_c - 1), 0)
                p = plsc.load_gather(list_v, [idxc])
                pid = p >> CHUNK_SHIFT
                loc = p & (CHUNK - 1)
                idsb_v[pl.ds(t * 16, 16)] = jnp.where(valid, pid, 0)
                locb_v[pl.ds(t * 16, 16)] = jnp.where(valid, loc,
                                                      CHUNK + lane)
                loccb_v[pl.ds(t * 16, 16)] = jnp.where(
                    valid, c_local * CHUNK + loc,
                    CH_PER_SC * CHUNK + lane)
            pltpu.sync_copy(g_hbm.at[idsb_v], rows_v)
            pltpu.sync_copy(rows_v, tabs_s.at[locb_v], add=True)
            pltpu.sync_copy(onesf_v, tabc_s.at[loccb_v], add=True)
            return 0

        lax.fori_loop(0, nb, batch_body, 0)
        plsc.subcore_barrier()

        d0 = sid * DRAIN
        h0 = (binbase + c_local) * CHUNK + d0
        pltpu.sync_copy(tabs_s.at[pl.ds(d0, DRAIN)],
                        sums_hbm.at[pl.ds(h0, DRAIN)])
        pltpu.sync_copy(zbuf_v, tabs_s.at[pl.ds(d0, DRAIN)])
        plsc.subcore_barrier()
        return 0

    lax.fori_loop(0, CH_PER_SC, chunk_body, 0)

    pltpu.sync_copy(
        tabc_s.at[pl.ds(sid * CNT_DRAIN, CNT_DRAIN)],
        cnts_hbm.at[pl.ds(cid * CH_PER_SC * CHUNK + sid * CNT_DRAIN,
                          CNT_DRAIN)])


def _k3(vox_pad, g, zb, zc):
    mesh = plsc.VectorSubcoreMesh(core_axis_name="c", subcore_axis_name="s",
                                  num_cores=NC, num_subcores=NS)
    f = pl.kernel(
        _k3_body,
        out_type=[
            jax.ShapeDtypeStruct((NVOX, C), jnp.float32),
            jax.ShapeDtypeStruct((NVOX,), jnp.float32),
        ],
        mesh=mesh,
        compiler_params=pltpu.CompilerParams(needs_layout_passes=False,
                                             use_tc_tiling_on_sc=True),
        scratch_types=[
            pltpu.VMEM((PERTILE,), jnp.int32),
            pltpu.VMEM((LISTCAP,), jnp.int32),
            pltpu.VMEM((CH_PER_SC,), jnp.int32),
            pltpu.VMEM((CH_PER_SC,), jnp.int32),
            pltpu.VMEM((CH_PER_SC,), jnp.int32),
            pltpu.VMEM((BATCH,), jnp.int32),
            pltpu.VMEM((BATCH,), jnp.int32),
            pltpu.VMEM((BATCH,), jnp.int32),
            pltpu.VMEM((BATCH, C), jnp.float32),
            pltpu.VMEM((BATCH,), jnp.float32),
            pltpu.VMEM((DRAIN, C), jnp.float32),
            pltpu.VMEM((CNT_PER_TILE,), jnp.float32),
            pltpu.VMEM_SHARED((TROWS, C), jnp.float32),
            pltpu.VMEM_SHARED((CNT_WORDS,), jnp.float32),
        ],
    )
    return f(vox_pad, g, zb, zc)


def _k5_body(vox_hbm, y_hbm, out_hbm, vq_v, vqb_v, valsb_v, vals_v):
    cid = lax.axis_index("c")
    sid = lax.axis_index("s")
    w = sid * NC + cid
    base = w * PERW
    pltpu.sync_copy(vox_hbm.at[pl.ds(base, PERW)], vq_v)

    def b_body(b, _):
        for t in range(BATCH // 16):
            v = vq_v[pl.ds(b * BATCH + t * 16, 16)]
            vqb_v[pl.ds(t * 16, 16)] = jnp.maximum(v, 0)
        pltpu.sync_copy(y_hbm.at[vqb_v], valsb_v)
        for t in range(BATCH // 16):
            vals_v[pl.ds(b * BATCH + t * 16, 16)] = valsb_v[pl.ds(t * 16, 16)]
        return 0

    lax.fori_loop(0, PERW // BATCH, b_body, 0)
    pltpu.sync_copy(vals_v, out_hbm.at[pl.ds(base, PERW)])


def _k5(vox_pad, y):
    mesh = plsc.VectorSubcoreMesh(core_axis_name="c", subcore_axis_name="s",
                                  num_cores=NC, num_subcores=NS)
    f = pl.kernel(
        _k5_body,
        out_type=jax.ShapeDtypeStruct((NPAD,), jnp.float32),
        mesh=mesh,
        compiler_params=pltpu.CompilerParams(needs_layout_passes=False),
        scratch_types=[
            pltpu.VMEM((PERW,), jnp.int32),
            pltpu.VMEM((BATCH,), jnp.int32),
            pltpu.VMEM((BATCH,), jnp.float32),
            pltpu.VMEM((PERW,), jnp.float32),
        ],
    )
    return f(vox_pad, y)


def kernel(point_cloud, W_sparse, b_sparse, W1, b1, W2, b2):
    pc = point_cloud[0]
    n = pc.shape[0]
    vox2, g = _k1(pc, W_sparse)
    vox_pad = jnp.concatenate(
        [vox2[:, 0], jnp.full((NPAD - n,), -1, jnp.int32)])
    zb = jnp.zeros((DRAIN, C), jnp.float32)
    zc = jnp.zeros((CNT_PER_TILE,), jnp.float32)
    sums, cnts = _k3(vox_pad, g, zb, zc)
    y2 = _k4(sums, cnts.reshape(NVOX, 1), b_sparse.reshape(1, C),
             W1, b1.reshape(1, C), W2, b2.reshape(1, 1))
    out_pad = _k5(vox_pad, y2[:, 0])
    return out_pad[:n].reshape(1, n, 1)

# --- scband reference (transcript-rebuilt; emitter-appended) ---
"""Pipeline reference for scband-charge-sparse-cell-net-7215545057806 (READ-ONLY COPY).

The authoritative reference and input builder live on the scoring server;
editing this copy changes nothing except your own understanding.
"""

import jax, jax.numpy as jnp
import numpy as np

N = 100000
C = 128
GRID = 64
NUM_VOX = GRID ** 3


def setup_inputs(seed: int = 0) -> dict:
    key = jax.random.key(seed)
    k1, k2, k3, k4, k5 = jax.random.split(key, 5)
    # point cloud: 3 integer voxel coords + batch index (0, since batch size = 1) + features
    coords = jax.random.randint(k1, (N, 3), 0, GRID).astype(jnp.float32)
    bidx = jnp.zeros((N, 1), dtype=jnp.float32)
    feats = jax.random.normal(k2, (N, C), dtype=jnp.float32)
    point_cloud = jnp.concatenate([coords, bidx, feats], axis=1)[None]  # [1, N, 4+C]
    # SparseCellNet parameters (voxel-cell aggregation + linear)
    W_sparse = jax.random.normal(k3, (C, C), dtype=jnp.float32) * 0.05
    b_sparse = jnp.zeros((C,), dtype=jnp.float32)
    # head MLP: nHiddenLayers=1 -> Linear(C,C)+ReLU, then Linear(C,1)
    W1 = jax.random.normal(k4, (C, C), dtype=jnp.float32) * 0.05
    b1 = jnp.zeros((C,), dtype=jnp.float32)
    W2 = jax.random.normal(k5, (C, 1), dtype=jnp.float32) * 0.05
    b2 = jnp.zeros((1,), dtype=jnp.float32)
    return {
        'point_cloud': point_cloud,
        'W_sparse': W_sparse, 'b_sparse': b_sparse,
        'W1': W1, 'b1': b1, 'W2': W2, 'b2': b2,
    }


def reference(point_cloud, W_sparse, b_sparse, W1, b1, W2, b2):
    # point_cloud: [1, N, 4 + C]; squeeze batch dim
    pc = point_cloud[0]
    coords = pc[:, :4].astype(jnp.int32)  # 3 spatial coords + batch index
    feats = pc[:, 4:]
    # SparseCellNet: group points into sparse voxel cells, aggregate (mean),
    # transform per-cell features, then gather back to the points.
    cx = jnp.clip(coords[:, 0], 0, GRID - 1)
    cy = jnp.clip(coords[:, 1], 0, GRID - 1)
    cz = jnp.clip(coords[:, 2], 0, GRID - 1)
    vox = cx * (GRID * GRID) + cy * GRID + cz  # batch index is 0 for all points
    sums = jax.ops.segment_sum(feats, vox, num_segments=NUM_VOX)
    cnts = jax.ops.segment_sum(jnp.ones((feats.shape[0], 1), dtype=feats.dtype), vox, num_segments=NUM_VOX)
    mean = sums / jnp.maximum(cnts, 1.0)
    vfeat = jax.nn.relu(mean @ W_sparse + b_sparse)  # per-cell transform
    x = jnp.take(vfeat, vox, axis=0)  # gather cell features back to points: [N, C]
    # head MLP: Linear(C,C) + ReLU, then Linear(C,1)
    x = jax.nn.relu(x @ W1 + b1)
    x = x @ W2 + b2  # [N, 1]
    return x[None]  # [1, N, 1]

if __name__ == "__main__":
    import jax
    _d = setup_inputs()
    print(jax.jit(kernel)(*tuple(_d.values())))

</pallas_src>

<mosaic_0001>
#map = affine_map<(d0, d1) -> (0)>
module attributes {stable_mosaic.version = 14 : i64} {
  func.func @_k5_body(%arg0: i32, %arg1: i32, %arg2: memref<102400xi32, #tpu.memory_space<hbm>>, %arg3: memref<262144xf32, #tpu.memory_space<hbm>>, %arg4: memref<102400xf32, #tpu.memory_space<hbm>>, %arg5: memref<3200xi32, #tpu.memory_space<vmem>>, %arg6: memref<128xi32, #tpu.memory_space<vmem>>, %arg7: memref<128xf32, #tpu.memory_space<vmem>>, %arg8: memref<3200xf32, #tpu.memory_space<vmem>>) attributes {dimension_semantics = [#tpu.dimension_semantics<core_parallel>, #tpu.dimension_semantics<subcore_parallel>], iteration_bounds = array<i64: 2, 16>, scalar_prefetch = 0 : i64, scratch_operands = 4 : i64, tpu.core_type = #tpu.core_type<sc_vector_subcore>, window_params = [{transform_indices = #map}, {transform_indices = #map}, {transform_indices = #map}]} {
    %mul3A = arith.constant 2 : i32
    %mul3A_0 = arith.muli %arg1, %mul3A : i32
    %add3A = arith.addi %mul3A_0, %arg0 : i32
    %mul3A_1 = arith.constant 3200 : i32
    %mul3A_2 = arith.muli %add3A, %mul3A_1 : i32
    "tpu.region"() ({
      %run_scoped3A = tpu.sem_alloc : memref<!tpu.dma_semaphore, #tpu.memory_space<semaphore_mem>>
      %dma_start3A = tpu.memref_slice %arg2[%mul3A_2] : memref<102400xi32, #tpu.memory_space<hbm>> -> memref<3200xi32, #tpu.memory_space<hbm>>
      %dma_start3A_9 = tpu.memref_slice %arg2[%mul3A_2] : memref<102400xi32, #tpu.memory_space<hbm>> -> memref<3200xi32, #tpu.memory_space<hbm>>
      tpu.enqueue_dma source(%dma_start3A_9 : memref<3200xi32, #tpu.memory_space<hbm>>) target(%arg5 : memref<3200xi32, #tpu.memory_space<vmem>>) target_semaphore(%run_scoped3A : memref<!tpu.dma_semaphore, #tpu.memory_space<semaphore_mem>>)
      %dma_wait3A = tpu.memref_slice %arg2[%mul3A_2] : memref<102400xi32, #tpu.memory_space<hbm>> -> memref<3200xi32, #tpu.memory_space<hbm>>
      %dma_wait3A_10 = tpu.memref_slice %arg2[%mul3A_2] : memref<102400xi32, #tpu.memory_space<hbm>> -> memref<3200xi32, #tpu.memory_space<hbm>>
      tpu.wait_dma2 semaphore(%run_scoped3A : memref<!tpu.dma_semaphore, #tpu.memory_space<semaphore_mem>>) src(%dma_wait3A_10 : memref<3200xi32, #tpu.memory_space<hbm>>) dst(%arg5 : memref<3200xi32, #tpu.memory_space<vmem>>)
      tpu.yield
    }) : () -> ()
    %scan3A = arith.constant 0 : i32
    %scan3A_3 = arith.constant 0 : i32
    %scan3A_4 = arith.constant 25 : i32
    %scan3A_5 = arith.addi %scan3A_3, %scan3A_4 : i32
    %scan3A_6 = arith.constant 1 : i32
    %scan3A_7 = scf.for %scan3A_9 = %scan3A_3 to %scan3A_5 step %scan3A_6 iter_args(%scan3A_10 = %scan3A) -> (i32)  : i32 {
      %mul3A_11 = arith.constant 128 : i32
      %mul3A_12 = arith.muli %scan3A_9, %mul3A_11 : i32
      %add3A_13 = arith.constant 0 : i32
      %add3A_14 = arith.addi %mul3A_12, %add3A_13 : i32
      %get3A = arith.index_cast %add3A_14 : i32 to index
      %get3A_15 = tpu.vector_load %arg5[%get3A] {strides = array<i32>} : memref<3200xi32, #tpu.memory_space<vmem>>, vector<16xi32>,
      %max3A = arith.constant 0 : i32
      %max3A_16 = vector.broadcast %max3A : i32 to vector<16xi32>
      %max3A_17 = arith.maxsi %get3A_15, %max3A_16 : vector<16xi32>
      %swap3A = arith.constant 0 : index
      %swap3A_18 = tpu.vector_load %arg6[%swap3A] {strides = array<i32>} : memref<128xi32, #tpu.memory_space<vmem>>, vector<16xi32>,
      tpu.vector_store %arg6[%swap3A], %max3A_17 {strides = array<i32>} : memref<128xi32, #tpu.memory_space<vmem>>, vector<16xi32>,
      %mul3A_19 = arith.constant 128 : i32
      %mul3A_20 = arith.muli %scan3A_9, %mul3A_19 : i32
      %add3A_21 = arith.constant 16 : i32
      %add3A_22 = arith.addi %mul3A_20, %add3A_21 : i32
      %get3A_23 = arith.index_cast %add3A_22 : i32 to index
      %get3A_24 = tpu.vector_load %arg5[%get3A_23] {strides = array<i32>} : memref<3200xi32, #tpu.memory_space<vmem>>, vector<16xi32>,
      %max3A_25 = arith.constant 0 : i32
      %max3A_26 = vector.broadcast %max3A_25 : i32 to vector<16xi32>
      %max3A_27 = arith.maxsi %get3A_24, %max3A_26 : vector<16xi32>
      %swap3A_28 = arith.constant 16 : index
      %swap3A_29 = tpu.vector_load %arg6[%swap3A_28] {strides = array<i32>} : memref<128xi32, #tpu.memory_space<vmem>>, vector<16xi32>,
      tpu.vector_store %arg6[%swap3A_28], %max3A_27 {strides = array<i32>} : memref<128xi32, #tpu.memory_space<vmem>>, vector<16xi32>,
      %mul3A_30 = arith.constant 128 : i32
      %mul3A_31 = arith.muli %scan3A_9, %mul3A_30 : i32
      %add3A_32 = arith.constant 32 : i32
      %add3A_33 = arith.addi %mul3A_31, %add3A_32 : i32
      %get3A_34 = arith.index_cast %add3A_33 : i32 to index
      %get3A_35 = tpu.vector_load %arg5[%get3A_34] {strides = array<i32>} : memref<3200xi32, #tpu.memory_space<vmem>>, vector<16xi32>,
      %max3A_36 = arith.constant 0 : i32
      %max3A_37 = vector.broadcast %max3A_36 : i32 to vector<16xi32>
      %max3A_38 = arith.maxsi %get3A_35, %max3A_37 : vector<16xi32>
      %swap3A_39 = arith.constant 32 : index
      %swap3A_40 = tpu.vector_load %arg6[%swap3A_39] {strides = array<i32>} : memref<128xi32, #tpu.memory_space<vmem>>, vector<16xi32>,
      tpu.vector_store %arg6[%swap3A_39], %max3A_38 {strides = array<i32>} : memref<128xi32, #tpu.memory_space<vmem>>, vector<16xi32>,
      %mul3A_41 = arith.constant 128 : i32
      %mul3A_42 = arith.muli %scan3A_9, %mul3A_41 : i32
      %add3A_43 = arith.constant 48 : i32
      %add3A_44 = arith.addi %mul3A_42, %add3A_43 : i32
      %get3A_45 = arith.index_cast %add3A_44 : i32 to index
      %get3A_46 = tpu.vector_load %arg5[%get3A_45] {strides = array<i32>} : memref<3200xi32, #tpu.memory_space<vmem>>, vector<16xi32>,
      %max3A_47 = arith.constant 0 : i32
      %max3A_48 = vector.broadcast %max3A_47 : i32 to vector<16xi32>
      %max3A_49 = arith.maxsi %get3A_46, %max3A_48 : vector<16xi32>
      %swap3A_50 = arith.constant 48 : index
      %swap3A_51 = tpu.vector_load %arg6[%swap3A_50] {strides = array<i32>} : memref<128xi32, #tpu.memory_space<vmem>>, vector<16xi32>,
      tpu.vector_store %arg6[%swap3A_50], %max3A_49 {strides = array<i32>} : memref<128xi32, #tpu.memory_space<vmem>>, vector<16xi32>,
      %mul3A_52 = arith.constant 128 : i32
      %mul3A_53 = arith.muli %scan3A_9, %mul3A_52 : i32
      %add3A_54 = arith.constant 64 : i32
      %add3A_55 = arith.addi %mul3A_53, %add3A_54 : i32
      %get3A_56 = arith.index_cast %add3A_55 : i32 to index
      %get3A_57 = tpu.vector_load %arg5[%get3A_56] {strides = array<i32>} : memref<3200xi32, #tpu.memory_space<vmem>>, vector<16xi32>,
      %max3A_58 = arith.constant 0 : i32
      %max3A_59 = vector.broadcast %max3A_58 : i32 to vector<16xi32>
      %max3A_60 = arith.maxsi %get3A_57, %max3A_59 : vector<16xi32>
      %swap3A_61 = arith.constant 64 : index
      %swap3A_62 = tpu.vector_load %arg6[%swap3A_61] {strides = array<i32>} : memref<128xi32, #tpu.memory_space<vmem>>, vector<16xi32>,
      tpu.vector_store %arg6[%swap3A_61], %max3A_60 {strides = array<i32>} : memref<128xi32, #tpu.memory_space<vmem>>, vector<16xi32>,
      %mul3A_63 = arith.constant 128 : i32
      %mul3A_64 = arith.muli %scan3A_9, %mul3A_63 : i32
      %add3A_65 = arith.constant 80 : i32
      %add3A_66 = arith.addi %mul3A_64, %add3A_65 : i32
      %get3A_67 = arith.index_cast %add3A_66 : i32 to index
      %get3A_68 = tpu.vector_load %arg5[%get3A_67] {strides = array<i32>} : memref<3200xi32, #tpu.memory_space<vmem>>, vector<16xi32>,
      %max3A_69 = arith.constant 0 : i32
      %max3A_70 = vector.broadcast %max3A_69 : i32 to vector<16xi32>
      %max3A_71 = arith.maxsi %get3A_68, %max3A_70 : vector<16xi32>
      %swap3A_72 = arith.constant 80 : index
      %swap3A_73 = tpu.vector_load %arg6[%swap3A_72] {strides = array<i32>} : memref<128xi32, #tpu.memory_space<vmem>>, vector<16xi32>,
      tpu.vector_store %arg6[%swap3A_72], %max3A_71 {strides = array<i32>} : memref<128xi32, #tpu.memory_space<vmem>>, vector<16xi32>,
      %mul3A_74 = arith.constant 128 : i32
      %mul3A_75 = arith.muli %scan3A_9, %mul3A_74 : i32
      %add3A_76 = arith.constant 96 : i32
      %add3A_77 = arith.addi %mul3A_75, %add3A_76 : i32
      %get3A_78 = arith.index_cast %add3A_77 : i32 to index
      %get3A_79 = tpu.vector_load %arg5[%get3A_78] {strides = array<i32>} : memref<3200xi32, #tpu.memory_space<vmem>>, vector<16xi32>,
      %max3A_80 = arith.constant 0 : i32
      %max3A_81 = vector.broadcast %max3A_80 : i32 to vector<16xi32>
      %max3A_82 = arith.maxsi %get3A_79, %max3A_81 : vector<16xi32>
      %swap3A_83 = arith.constant 96 : index
      %swap3A_84 = tpu.vector_load %arg6[%swap3A_83] {strides = array<i32>} : memref<128xi32, #tpu.memory_space<vmem>>, vector<16xi32>,
      tpu.vector_store %arg6[%swap3A_83], %max3A_82 {strides = array<i32>} : memref<128xi32, #tpu.memory_space<vmem>>, vector<16xi32>,
      %mul3A_85 = arith.constant 128 : i32
      %mul3A_86 = arith.muli %scan3A_9, %mul3A_85 : i32
      %add3A_87 = arith.constant 112 : i32
      %add3A_88 = arith.addi %mul3A_86, %add3A_87 : i32
      %get3A_89 = arith.index_cast %add3A_88 : i32 to index
      %get3A_90 = tpu.vector_load %arg5[%get3A_89] {strides = array<i32>} : memref<3200xi32, #tpu.memory_space<vmem>>, vector<16xi32>,
      %max3A_91 = arith.constant 0 : i32
      %max3A_92 = vector.broadcast %max3A_91 : i32 to vector<16xi32>
      %max3A_93 = arith.maxsi %get3A_90, %max3A_92 : vector<16xi32>
      %swap3A_94 = arith.constant 112 : index
      %swap3A_95 = tpu.vector_load %arg6[%swap3A_94] {strides = array<i32>} : memref<128xi32, #tpu.memory_space<vmem>>, vector<16xi32>,
      tpu.vector_store %arg6[%swap3A_94], %max3A_93 {strides = array<i32>} : memref<128xi32, #tpu.memory_space<vmem>>, vector<16xi32>,
      "tpu.region"() ({
        %run_scoped3A = tpu.sem_alloc : memref<!tpu.dma_semaphore, #tpu.memory_space<semaphore_mem>>
        %dma_start3A = arith.constant 0 : i32
        %dma_start3A_161 = tpu.memref_slice %arg3[%dma_start3A] : memref<262144xf32, #tpu.memory_space<hbm>> -> memref<262144xf32, #tpu.memory_space<hbm>>
        tpu.enqueue_indirect_dma source(%dma_start3A_161 : memref<262144xf32, #tpu.memory_space<hbm>>) target(%arg7 : memref<128xf32, #tpu.memory_space<vmem>>) offsets(%arg6 : memref<128xi32, #tpu.memory_space<vmem>>) semaphore(%run_scoped3A : memref<!tpu.dma_semaphore, #tpu.memory_space<semaphore_mem>>)
        %dma_wait3A = arith.constant 0 : i32
        %dma_wait3A_162 = tpu.memref_slice %arg3[%dma_wait3A] : memref<262144xf32, #tpu.memory_space<hbm>> -> memref<262144xf32, #tpu.memory_space<hbm>>
        tpu.wait_indirect_dma semaphore(%run_scoped3A : memref<!tpu.dma_semaphore, #tpu.memory_space<semaphore_mem>>) src(%dma_wait3A_162 : memref<262144xf32, #tpu.memory_space<hbm>>) dst(%arg7 : memref<128xf32, #tpu.memory_space<vmem>>)
        tpu.yield
      }) : () -> ()
      %get3A_96 = arith.constant 0 : index
      %get3A_97 = tpu.vector_load %arg7[%get3A_96] {strides = array<i32>} : memref<128xf32, #tpu.memory_space<vmem>>, vector<16xf32>,
      %mul3A_98 = arith.constant 128 : i32
      %mul3A_99 = arith.muli %scan3A_9, %mul3A_98 : i32
      %add3A_100 = arith.constant 0 : i32
      %add3A_101 = arith.addi %mul3A_99, %add3A_100 : i32
      %swap3A_102 = arith.index_cast %add3A_101 : i32 to index
      %swap3A_103 = tpu.vector_load %arg8[%swap3A_102] {strides = array<i32>} : memref<3200xf32, #tpu.memory_space<vmem>>, vector<16xf32>,
      tpu.vector_store %arg8[%swap3A_102], %get3A_97 {strides = array<i32>} : memref<3200xf32, #tpu.memory_space<vmem>>, vector<16xf32>,
      %get3A_104 = arith.constant 16 : index
      %get3A_105 = tpu.vector_load %arg7[%get3A_104] {strides = array<i32>} : memref<128xf32, #tpu.memory_space<vmem>>, vector<16xf32>,
      %mul3A_106 = arith.constant 128 : i32
      %mul3A_107 = arith.muli %scan3A_9, %mul3A_106 : i32
      %add3A_108 = arith.constant 16 : i32
      %add3A_109 = arith.addi %mul3A_107, %add3A_108 : i32
      %swap3A_110 = arith.index_cast %add3A_109 : i32 to index
      %swap3A_111 = tpu.vector_load %arg8[%swap3A_110] {strides = array<i32>} : memref<3200xf32, #tpu.memory_space<vmem>>, vector<16xf32>,
      tpu.vector_store %arg8[%swap3A_110], %get3A_105 {strides = array<i32>} : memref<3200xf32, #tpu.memory_space<vmem>>, vector<16xf32>,
      %get3A_112 = arith.constant 32 : index
      %get3A_113 = tpu.vector_load %arg7[%get3A_112] {strides = array<i32>} : memref<128xf32, #tpu.memory_space<vmem>>, vector<16xf32>,
      %mul3A_114 = arith.constant 128 : i32
      %mul3A_115 = arith.muli %scan3A_9, %mul3A_114 : i32
      %add3A_116 = arith.constant 32 : i32
      %add3A_117 = arith.addi %mul3A_115, %add3A_116 : i32
      %swap3A_118 = arith.index_cast %add3A_117 : i32 to index
      %swap3A_119 = tpu.vector_load %arg8[%swap3A_118] {strides = array<i32>} : memref<3200xf32, #tpu.memory_space<vmem>>, vector<16xf32>,
      tpu.vector_store %arg8[%swap3A_118], %get3A_113 {strides = array<i32>} : memref<3200xf32, #tpu.memory_space<vmem>>, vector<16xf32>,
      %get3A_120 = arith.constant 48 : index
      %get3A_121 = tpu.vector_load %arg7[%get3A_120] {strides = array<i32>} : memref<128xf32, #tpu.memory_space<vmem>>, vector<16xf32>,
      %mul3A_122 = arith.constant 128 : i32
      %mul3A_123 = arith.muli %scan3A_9, %mul3A_122 : i32
      %add3A_124 = arith.constant 48 : i32
      %add3A_125 = arith.addi %mul3A_123, %add3A_124 : i32
      %swap3A_126 = arith.index_cast %add3A_125 : i32 to index
      %swap3A_127 = tpu.vector_load %arg8[%swap3A_126] {strides = array<i32>} : memref<3200xf32, #tpu.memory_space<vmem>>, vector<16xf32>,
      tpu.vector_store %arg8[%swap3A_126], %get3A_121 {strides = array<i32>} : memref<3200xf32, #tpu.memory_space<vmem>>, vector<16xf32>,
      %get3A_128 = arith.constant 64 : index
      %get3A_129 = tpu.vector_load %arg7[%get3A_128] {strides = array<i32>} : memref<128xf32, #tpu.memory_space<vmem>>, vector<16xf32>,
      %mul3A_130 = arith.constant 128 : i32
      %mul3A_131 = arith.muli %scan3A_9, %mul3A_130 : i32
      %add3A_132 = arith.constant 64 : i32
      %add3A_133 = arith.addi %mul3A_131, %add3A_132 : i32
      %swap3A_134 = arith.index_cast %add3A_133 : i32 to index
      %swap3A_135 = tpu.vector_load %arg8[%swap3A_134] {strides = array<i32>} : memref<3200xf32, #tpu.memory_space<vmem>>, vector<16xf32>,
      tpu.vector_store %arg8[%swap3A_134], %get3A_129 {strides = array<i32>} : memref<3200xf32, #tpu.memory_space<vmem>>, vector<16xf32>,
      %get3A_136 = arith.constant 80 : index
      %get3A_137 = tpu.vector_load %arg7[%get3A_136] {strides = array<i32>} : memref<128xf32, #tpu.memory_space<vmem>>, vector<16xf32>,
      %mul3A_138 = arith.constant 128 : i32
      %mul3A_139 = arith.muli %scan3A_9, %mul3A_138 : i32
      %add3A_140 = arith.constant 80 : i32
      %add3A_141 = arith.addi %mul3A_139, %add3A_140 : i32
      %swap3A_142 = arith.index_cast %add3A_141 : i32 to index
      %swap3A_143 = tpu.vector_load %arg8[%swap3A_142] {strides = array<i32>} : memref<3200xf32, #tpu.memory_space<vmem>>, vector<16xf32>,
      tpu.vector_store %arg8[%swap3A_142], %get3A_137 {strides = array<i32>} : memref<3200xf32, #tpu.memory_space<vmem>>, vector<16xf32>,
      %get3A_144 = arith.constant 96 : index
      %get3A_145 = tpu.vector_load %arg7[%get3A_144] {strides = array<i32>} : memref<128xf32, #tpu.memory_space<vmem>>, vector<16xf32>,
      %mul3A_146 = arith.constant 128 : i32
      %mul3A_147 = arith.muli %scan3A_9, %mul3A_146 : i32
      %add3A_148 = arith.constant 96 : i32
      %add3A_149 = arith.addi %mul3A_147, %add3A_148 : i32
      %swap3A_150 = arith.index_cast %add3A_149 : i32 to index
      %swap3A_151 = tpu.vector_load %arg8[%swap3A_150] {strides = array<i32>} : memref<3200xf32, #tpu.memory_space<vmem>>, vector<16xf32>,
      tpu.vector_store %arg8[%swap3A_150], %get3A_145 {strides = array<i32>} : memref<3200xf32, #tpu.memory_space<vmem>>, vector<16xf32>,
      %get3A_152 = arith.constant 112 : index
      %get3A_153 = tpu.vector_load %arg7[%get3A_152] {strides = array<i32>} : memref<128xf32, #tpu.memory_space<vmem>>, vector<16xf32>,
      %mul3A_154 = arith.constant 128 : i32
      %mul3A_155 = arith.muli %scan3A_9, %mul3A_154 : i32
      %add3A_156 = arith.constant 112 : i32
      %add3A_157 = arith.addi %mul3A_155, %add3A_156 : i32
      %swap3A_158 = arith.index_cast %add3A_157 : i32 to index
      %swap3A_159 = tpu.vector_load %arg8[%swap3A_158] {strides = array<i32>} : memref<3200xf32, #tpu.memory_space<vmem>>, vector<16xf32>,
      tpu.vector_store %arg8[%swap3A_158], %get3A_153 {strides = array<i32>} : memref<3200xf32, #tpu.memory_space<vmem>>, vector<16xf32>,
      %scan3A_160 = arith.constant 0 : i32
      scf.yield %scan3A_160 : i32
    }
    %scan3A_8 = arith.constant 25 : i32
    "tpu.region"() ({
      %run_scoped3A = tpu.sem_alloc : memref<!tpu.dma_semaphore, #tpu.memory_space<semaphore_mem>>
      %dma_start3A = tpu.memref_slice %arg4[%mul3A_2] : memref<102400xf32, #tpu.memory_space<hbm>> -> memref<3200xf32, #tpu.memory_space<hbm>>
      %dma_start3A_9 = tpu.memref_slice %arg4[%mul3A_2] : memref<102400xf32, #tpu.memory_space<hbm>> -> memref<3200xf32, #tpu.memory_space<hbm>>
      tpu.enqueue_dma source(%arg8 : memref<3200xf32, #tpu.memory_space<vmem>>) target(%dma_start3A_9 : memref<3200xf32, #tpu.memory_space<hbm>>) target_semaphore(%run_scoped3A : memref<!tpu.dma_semaphore, #tpu.memory_space<semaphore_mem>>)
      %dma_wait3A = tpu.memref_slice %arg4[%mul3A_2] : memref<102400xf32, #tpu.memory_space<hbm>> -> memref<3200xf32, #tpu.memory_space<hbm>>
      %dma_wait3A_10 = tpu.memref_slice %arg4[%mul3A_2] : memref<102400xf32, #tpu.memory_space<hbm>> -> memref<3200xf32, #tpu.memory_space<hbm>>
      tpu.wait_dma2 semaphore(%run_scoped3A : memref<!tpu.dma_semaphore, #tpu.memory_space<semaphore_mem>>) src(%arg8 : memref<3200xf32, #tpu.memory_space<vmem>>) dst(%dma_wait3A_10 : memref<3200xf32, #tpu.memory_space<hbm>>)
      tpu.yield
    }) : () -> ()
    return
  }
}

#map = affine_map<(d0, d1) -> (0)>
#map1 = affine_map<(d0, d1) -> (0, 0)>
module attributes {stable_mosaic.version = 14 : i64} {
  func.func @_k3_body(%arg0: i32, %arg1: i32, %arg2: memref<102400xi32, #tpu.memory_space<hbm>>, %arg3: memref<100000x128xf32, #tpu.memory_space<hbm>>, %arg4: memref<256x128xf32, #tpu.memory_space<hbm>>, %arg5: memref<8200xf32, #tpu.memory_space<hbm>>, %arg6: memref<262144x128xf32, #tpu.memory_space<hbm>>, %arg7: memref<262144xf32, #tpu.memory_space<hbm>>, %arg8: memref<6400xi32, #tpu.memory_space<vmem>>, %arg9: memref<6528xi32, #tpu.memory_space<vmem>>, %arg10: memref<32xi32, #tpu.memory_space<vmem>>, %arg11: memref<32xi32, #tpu.memory_space<vmem>>, %arg12: memref<32xi32, #tpu.memory_space<vmem>>, %arg13: memref<128xi32, #tpu.memory_space<vmem>>, %arg14: memref<128xi32, #tpu.memory_space<vmem>>, %arg15: memref<128xi32, #tpu.memory_space<vmem>>, %arg16: memref<128x128xf32, #tpu.memory_space<vmem>>, %arg17: memref<128xf32, #tpu.memory_space<vmem>>, %arg18: memref<256x128xf32, #tpu.memory_space<vmem>>, %arg19: memref<8200xf32, #tpu.memory_space<vmem>>, %arg20: memref<4224x128xf32, #tpu.memory_space<vmem_shared>>, %arg21: memref<131200xf32, #tpu.memory_space<vmem_shared>>) attributes {dimension_semantics = [#tpu.dimension_semantics<core_parallel>, #tpu.dimension_semantics<subcore_parallel>], iteration_bounds = array<i64: 2, 16>, scalar_prefetch = 0 : i64, scratch_operands = 14 : i64, tpu.core_type = #tpu.core_type<sc_vector_subcore>, window_params = [{transform_indices = #map}, {transform_indices = #map1}, {transform_indices = #map1}, {transform_indices = #map}, {transform_indices = #map1}, {transform_indices = #map}]} {
    %iota3A = tpu.iota {dimensions = array<i32: 0>} : vector<16xi32>
    %mul3A = arith.constant 6400 : i32
    %mul3A_0 = arith.muli %arg1, %mul3A : i32
    "tpu.region"() ({
      %run_scoped3A = tpu.sem_alloc : memref<!tpu.dma_semaphore, #tpu.memory_space<semaphore_mem>>
      %dma_start3A = tpu.memref_slice %arg2[%mul3A_0] : memref<102400xi32, #tpu.memory_space<hbm>> -> memref<6400xi32, #tpu.memory_space<hbm>>
      %dma_start3A_119 = tpu.memref_slice %arg2[%mul3A_0] : memref<102400xi32, #tpu.memory_space<hbm>> -> memref<6400xi32, #tpu.memory_space<hbm>>
      tpu.enqueue_dma source(%dma_start3A_119 : memref<6400xi32, #tpu.memory_space<hbm>>) target(%arg8 : memref<6400xi32, #tpu.memory_space<vmem>>) target_semaphore(%run_scoped3A : memref<!tpu.dma_semaphore, #tpu.memory_space<semaphore_mem>>)
      %dma_wait3A = tpu.memref_slice %arg2[%mul3A_0] : memref<102400xi32, #tpu.memory_space<hbm>> -> memref<6400xi32, #tpu.memory_space<hbm>>
      %dma_wait3A_120 = tpu.memref_slice %arg2[%mul3A_0] : memref<102400xi32, #tpu.memory_space<hbm>> -> memref<6400xi32, #tpu.memory_space<hbm>>
      tpu.wait_dma2 semaphore(%run_scoped3A : memref<!tpu.dma_semaphore, #tpu.memory_space<semaphore_mem>>) src(%dma_wait3A_120 : memref<6400xi32, #tpu.memory_space<hbm>>) dst(%arg8 : memref<6400xi32, #tpu.memory_space<vmem>>)
      tpu.yield
    }) : () -> ()
    "tpu.region"() ({
      %run_scoped3A = tpu.sem_alloc : memref<!tpu.dma_semaphore, #tpu.memory_space<semaphore_mem>>
      tpu.enqueue_dma source(%arg4 : memref<256x128xf32, #tpu.memory_space<hbm>>) target(%arg18 : memref<256x128xf32, #tpu.memory_space<vmem>>) target_semaphore(%run_scoped3A : memref<!tpu.dma_semaphore, #tpu.memory_space<semaphore_mem>>)
      tpu.wait_dma2 semaphore(%run_scoped3A : memref<!tpu.dma_semaphore, #tpu.memory_space<semaphore_mem>>) src(%arg4 : memref<256x128xf32, #tpu.memory_space<hbm>>) dst(%arg18 : memref<256x128xf32, #tpu.memory_space<vmem>>)
      tpu.yield
    }) : () -> ()
    "tpu.region"() ({
      %run_scoped3A = tpu.sem_alloc : memref<!tpu.dma_semaphore, #tpu.memory_space<semaphore_mem>>
      tpu.enqueue_dma source(%arg5 : memref<8200xf32, #tpu.memory_space<hbm>>) target(%arg19 : memref<8200xf32, #tpu.memory_space<vmem>>) target_semaphore(%run_scoped3A : memref<!tpu.dma_semaphore, #tpu.memory_space<semaphore_mem>>)
      tpu.wait_dma2 semaphore(%run_scoped3A : memref<!tpu.dma_semaphore, #tpu.memory_space<semaphore_mem>>) src(%arg5 : memref<8200xf32, #tpu.memory_space<hbm>>) dst(%arg19 : memref<8200xf32, #tpu.memory_space<vmem>>)
      tpu.yield
    }) : () -> ()
    %broadcast_in_dim3A = arith.constant 1.000000e+00 : f32
    %broadcast_in_dim3A_1 = vector.broadcast %broadcast_in_dim3A : f32 to vector<16xf32>
    %swap3A = arith.constant 0 : index
    %swap3A_2 = tpu.vector_load %arg17[%swap3A] {strides = array<i32>} : memref<128xf32, #tpu.memory_space<vmem>>, vector<16xf32>,
    tpu.vector_store %arg17[%swap3A], %broadcast_in_dim3A_1 {strides = array<i32>} : memref<128xf32, #tpu.memory_space<vmem>>, vector<16xf32>,
    %broadcast_in_dim3A_3 = arith.constant 1.000000e+00 : f32
    %broadcast_in_dim3A_4 = vector.broadcast %broadcast_in_dim3A_3 : f32 to vector<16xf32>
    %swap3A_5 = arith.constant 16 : index
    %swap3A_6 = tpu.vector_load %arg17[%swap3A_5] {strides = array<i32>} : memref<128xf32, #tpu.memory_space<vmem>>, vector<16xf32>,
    tpu.vector_store %arg17[%swap3A_5], %broadcast_in_dim3A_4 {strides = array<i32>} : memref<128xf32, #tpu.memory_space<vmem>>, vector<16xf32>,
    %broadcast_in_dim3A_7 = arith.constant 1.000000e+00 : f32
    %broadcast_in_dim3A_8 = vector.broadcast %broadcast_in_dim3A_7 : f32 to vector<16xf32>
    %swap3A_9 = arith.constant 32 : index
    %swap3A_10 = tpu.vector_load %arg17[%swap3A_9] {strides = array<i32>} : memref<128xf32, #tpu.memory_space<vmem>>, vector<16xf32>,
    tpu.vector_store %arg17[%swap3A_9], %broadcast_in_dim3A_8 {strides = array<i32>} : memref<128xf32, #tpu.memory_space<vmem>>, vector<16xf32>,
    %broadcast_in_dim3A_11 = arith.constant 1.000000e+00 : f32
    %broadcast_in_dim3A_12 = vector.broadcast %broadcast_in_dim3A_11 : f32 to vector<16xf32>
    %swap3A_13 = arith.constant 48 : index
    %swap3A_14 = tpu.vector_load %arg17[%swap3A_13] {strides = array<i32>} : memref<128xf32, #tpu.memory_space<vmem>>, vector<16xf32>,
    tpu.vector_store %arg17[%swap3A_13], %broadcast_in_dim3A_12 {strides = array<i32>} : memref<128xf32, #tpu.memory_space<vmem>>, vector<16xf32>,
    %broadcast_in_dim3A_15 = arith.constant 1.000000e+00 : f32
    %broadcast_in_dim3A_16 = vector.broadcast %broadcast_in_dim3A_15 : f32 to vector<16xf32>
    %swap3A_17 = arith.constant 64 : index
    %swap3A_18 = tpu.vector_load %arg17[%swap3A_17] {strides = array<i32>} : memref<128xf32, #tpu.memory_space<vmem>>, vector<16xf32>,
    tpu.vector_store %arg17[%swap3A_17], %broadcast_in_dim3A_16 {strides = array<i32>} : memref<128xf32, #tpu.memory_space<vmem>>, vector<16xf32>,
    %broadcast_in_dim3A_19 = arith.constant 1.000000e+00 : f32
    %broadcast_in_dim3A_20 = vector.broadcast %broadcast_in_dim3A_19 : f32 to vector<16xf32>
    %swap3A_21 = arith.constant 80 : index
    %swap3A_22 = tpu.vector_load %arg17[%swap3A_21] {strides = array<i32>} : memref<128xf32, #tpu.memory_space<vmem>>, vector<16xf32>,
    tpu.vector_store %arg17[%swap3A_21], %broadcast_in_dim3A_20 {strides = array<i32>} : memref<128xf32, #tpu.memory_space<vmem>>, vector<16xf32>,
    %broadcast_in_dim3A_23 = arith.constant 1.000000e+00 : f32
    %broadcast_in_dim3A_24 = vector.broadcast %broadcast_in_dim3A_23 : f32 to vector<16xf32>
    %swap3A_25 = arith.constant 96 : index
    %swap3A_26 = tpu.vector_load %arg17[%swap3A_25] {strides = array<i32>} : memref<128xf32, #tpu.memory_space<vmem>>, vector<16xf32>,
    tpu.vector_store %arg17[%swap3A_25], %broadcast_in_dim3A_24 {strides = array<i32>} : memref<128xf32, #tpu.memory_space<vmem>>, vector<16xf32>,
    %broadcast_in_dim3A_27 = arith.constant 1.000000e+00 : f32
    %broadcast_in_dim3A_28 = vector.broadcast %broadcast_in_dim3A_27 : f32 to vector<16xf32>
    %swap3A_29 = arith.constant 112 : index
    %swap3A_30 = tpu.vector_load %arg17[%swap3A_29] {strides = array<i32>} : memref<128xf32, #tpu.memory_space<vmem>>, vector<16xf32>,
    tpu.vector_store %arg17[%swap3A_29], %broadcast_in_dim3A_28 {strides = array<i32>} : memref<128xf32, #tpu.memory_space<vmem>>, vector<16xf32>,
    %mul3A_31 = arith.constant 8200 : i32
    %mul3A_32 = arith.muli %arg1, %mul3A_31 : i32
    "tpu.region"() ({
      %run_scoped3A = tpu.sem_alloc : memref<!tpu.dma_semaphore, #tpu.memory_space<semaphore_mem>>
      %dma_start3A = tpu.memref_slice %arg21[%mul3A_32] : memref<131200xf32, #tpu.memory_space<vmem_shared>> -> memref<8200xf32, #tpu.memory_space<vmem_shared>>
      %dma_start3A_119 = tpu.memref_slice %arg21[%mul3A_32] : memref<131200xf32, #tpu.memory_space<vmem_shared>> -> memref<8200xf32, #tpu.memory_space<vmem_shared>>
      tpu.enqueue_dma source(%arg19 : memref<8200xf32, #tpu.memory_space<vmem>>) target(%dma_start3A_119 : memref<8200xf32, #tpu.memory_space<vmem_shared>>) target_semaphore(%run_scoped3A : memref<!tpu.dma_semaphore, #tpu.memory_space<semaphore_mem>>)
      %dma_wait3A = tpu.memref_slice %arg21[%mul3A_32] : memref<131200xf32, #tpu.memory_space<vmem_shared>> -> memref<8200xf32, #tpu.memory_space<vmem_shared>>
      %dma_wait3A_120 = tpu.memref_slice %arg21[%mul3A_32] : memref<131200xf32, #tpu.memory_space<vmem_shared>> -> memref<8200xf32, #tpu.memory_space<vmem_shared>>
      tpu.wait_dma2 semaphore(%run_scoped3A : memref<!tpu.dma_semaphore, #tpu.memory_space<semaphore_mem>>) src(%arg19 : memref<8200xf32, #tpu.memory_space<vmem>>) dst(%dma_wait3A_120 : memref<8200xf32, #tpu.memory_space<vmem_shared>>)
      tpu.yield
    }) : () -> ()
    %broadcast_in_dim3A_33 = arith.constant 0 : i32
    %broadcast_in_dim3A_34 = vector.broadcast %broadcast_in_dim3A_33 : i32 to vector<16xi32>
    %swap3A_35 = arith.constant 0 : index
    %swap3A_36 = tpu.vector_load %arg10[%swap3A_35] {strides = array<i32>} : memref<32xi32, #tpu.memory_space<vmem>>, vector<16xi32>,
    tpu.vector_store %arg10[%swap3A_35], %broadcast_in_dim3A_34 {strides = array<i32>} : memref<32xi32, #tpu.memory_space<vmem>>, vector<16xi32>,
    %broadcast_in_dim3A_37 = arith.constant 0 : i32
    %broadcast_in_dim3A_38 = vector.broadcast %broadcast_in_dim3A_37 : i32 to vector<16xi32>
    %swap3A_39 = arith.constant 16 : index
    %swap3A_40 = tpu.vector_load %arg10[%swap3A_39] {strides = array<i32>} : memref<32xi32, #tpu.memory_space<vmem>>, vector<16xi32>,
    tpu.vector_store %arg10[%swap3A_39], %broadcast_in_dim3A_38 {strides = array<i32>} : memref<32xi32, #tpu.memory_space<vmem>>, vector<16xi32>,
    %broadcast_in_dim3A_41 = arith.constant 0 : i32
    %broadcast_in_dim3A_42 = vector.broadcast %broadcast_in_dim3A_41 : i32 to vector<16xi32>
    %broadcast_in_dim3A_43 = arith.constant true
    %broadcast_in_dim3A_44 = vector.broadcast %broadcast_in_dim3A_43 : i1 to vector<16xi1>
    %unique3A, %unique3A_45 = tpu.scan_count mask(%broadcast_in_dim3A_44 : vector<16xi1>) value(%broadcast_in_dim3A_42 : vector<16xi32>) : vector<16xi1>, vector<16xi32>
    %eq3A = arith.constant 15 : i32
    %eq3A_46 = vector.broadcast %eq3A : i32 to vector<16xi32>
    %eq3A_47 = arith.cmpi eq, %iota3A, %eq3A_46 : vector<16xi32>
    %jit3A = arith.constant 0 : i32
    %broadcast_in_dim3A_48 = vector.broadcast %jit3A : i32 to vector<16xi32>
    %select_n3A = arith.select %eq3A_47, %unique3A_45, %broadcast_in_dim3A_48 : vector<16xi1>, vector<16xi32>
    %reduce_sum3A = arith.constant true
    %reduce_sum3A_49 = vector.broadcast %reduce_sum3A : i1 to vector<16xi1>
    %reduce_sum3A_50 = tpu.scan <sum>, %select_n3A masked %reduce_sum3A_49 : vector<16xi32>, vector<16xi1> -> vector<16xi32>
    %reduce_sum3A_51 = vector.extract %reduce_sum3A_50[15] : i32 from vector<16xi32>
    %sub3A = arith.constant 16 : i32
    %sub3A_52 = arith.subi %sub3A, %reduce_sum3A_51 : i32
    %mul3A_53 = arith.constant 32 : i32
    %mul3A_54 = arith.muli %arg0, %mul3A_53 : i32
    %scan3A = arith.constant 0 : i32
    %scan3A_55 = arith.constant 0 : i32
    %scan3A_56 = arith.constant 400 : i32
    %scan3A_57 = arith.addi %scan3A_55, %scan3A_56 : i32
    %scan3A_58 = arith.constant 1 : i32
    %scan3A_59 = scf.for %scan3A_119 = %scan3A_55 to %scan3A_57 step %scan3A_58 iter_args(%scan3A_120 = %scan3A) -> (i32)  : i32 {
      %mul3A_121 = arith.constant 16 : i32
      %mul3A_122 = arith.muli %scan3A_119, %mul3A_121 : i32
      %get3A_123 = arith.index_cast %mul3A_122 : i32 to index
      %get3A_124 = tpu.vector_load %arg8[%get3A_123] {strides = array<i32>} : memref<6400xi32, #tpu.memory_space<vmem>>, vector<16xi32>,
      %shift_right_arithmetic3A = arith.constant 12 : i32
      %shift_right_arithmetic3A_125 = vector.broadcast %shift_right_arithmetic3A : i32 to vector<16xi32>
      %shift_right_arithmetic3A_126 = arith.shrsi %get3A_124, %shift_right_arithmetic3A_125 : vector<16xi32>
      %sub3A_127 = vector.broadcast %mul3A_54 : i32 to vector<16xi32>
      %sub3A_128 = arith.subi %shift_right_arithmetic3A_126, %sub3A_127 : vector<16xi32>
      %ge3A = arith.constant 0 : i32
      %ge3A_129 = vector.broadcast %ge3A : i32 to vector<16xi32>
      %ge3A_130 = arith.cmpi sge, %get3A_124, %ge3A_129 : vector<16xi32>
      %ge3A_131 = arith.constant 0 : i32
      %ge3A_132 = vector.broadcast %ge3A_131 : i32 to vector<16xi32>
      %ge3A_133 = arith.cmpi sge, %sub3A_128, %ge3A_132 : vector<16xi32>
      %and3A = arith.andi %ge3A_130, %ge3A_133 : vector<16xi1>
      %lt3A = arith.constant 32 : i32
      %lt3A_134 = vector.broadcast %lt3A : i32 to vector<16xi32>
      %lt3A_135 = arith.cmpi slt, %sub3A_128, %lt3A_134 : vector<16xi32>
      %and3A_136 = arith.andi %and3A, %lt3A_135 : vector<16xi1>
      %jit3A_137 = arith.constant 134217727 : i32
      %broadcast_in_dim3A_138 = vector.broadcast %jit3A_137 : i32 to vector<16xi32>
      %select_n3A_139 = arith.select %and3A_136, %sub3A_128, %broadcast_in_dim3A_138 : vector<16xi1>, vector<16xi32>
      %masked_sort3A = arith.constant dense<true> : vector<16xi1>
      %masked_sort3A_140 = arith.constant -2147483648 : i32
      %masked_sort3A_141 = vector.broadcast %masked_sort3A_140 : i32 to vector<16xi32>
      %masked_sort3A_142 = arith.xori %select_n3A_139, %masked_sort3A_141 : vector<16xi32>
      %masked_sort3A_143, %masked_sort3A_144, %masked_sort3A_145 = tpu.sort %masked_sort3A_142, %sub3A_128 masked %masked_sort3A : (vector<16xi32>, vector<16xi32>, vector<16xi1>) -> (vector<16xi1>, vector<16xi32>, vector<16xi32>)
      %masked_sort3A_146 = arith.xori %masked_sort3A_144, %masked_sort3A_141 : vector<16xi32>
      %lt3A_147 = arith.constant 134217727 : i32
      %lt3A_148 = vector.broadcast %lt3A_147 : i32 to vector<16xi32>
      %lt3A_149 = arith.cmpi slt, %masked_sort3A_146, %lt3A_148 : vector<16xi32>
      %unique3A_150, %unique3A_151 = tpu.scan_count mask(%lt3A_149 : vector<16xi1>) value(%masked_sort3A_146 : vector<16xi32>) : vector<16xi1>, vector<16xi32>
      %and3A_152 = arith.andi %unique3A_150, %lt3A_149 : vector<16xi1>
      %and3A_153 = arith.constant 31 : i32
      %and3A_154 = vector.broadcast %and3A_153 : i32 to vector<16xi32>
      %and3A_155 = arith.andi %masked_sort3A_146, %and3A_154 : vector<16xi32>
      %gather3A = tpu.vector_load_idx %arg10[%and3A_155] masked %and3A_152 : memref<32xi32, #tpu.memory_space<vmem>>[vector<16xi32>], vector<16xi32>, vector<16xi1>
      %add3A_156 = arith.addi %gather3A, %unique3A_151 : vector<16xi32>
      %add3A_157 = vector.broadcast %sub3A_52 : i32 to vector<16xi32>
      %add3A_158 = arith.addi %add3A_156, %add3A_157 : vector<16xi32>
      tpu.vector_store_idx %arg10[%and3A_155], %add3A_158 masked %and3A_152 : memref<32xi32, #tpu.memory_space<vmem>>[vector<16xi32>], vector<16xi32>, vector<16xi1>
      %scan3A_159 = arith.constant 0 : i32
      scf.yield %scan3A_159 : i32
    }
    %scan3A_60 = arith.constant 400 : i32
    %get3A = arith.constant 0 : index
    %get3A_61 = tpu.vector_load %arg10[%get3A] {strides = array<i32>} : memref<32xi32, #tpu.memory_space<vmem>>, vector<16xi32>,
    %broadcast_in_dim3A_62 = arith.constant true
    %broadcast_in_dim3A_63 = vector.broadcast %broadcast_in_dim3A_62 : i1 to vector<16xi1>
    %masked_cumsum3A = tpu.scan <sum>, %get3A_61 masked %broadcast_in_dim3A_63 : vector<16xi32>, vector<16xi1> -> vector<16xi32>
    %add3A = arith.constant 0 : i32
    %add3A_64 = vector.broadcast %add3A : i32 to vector<16xi32>
    %add3A_65 = arith.addi %add3A_64, %masked_cumsum3A : vector<16xi32>
    %sub3A_66 = arith.subi %add3A_65, %get3A_61 : vector<16xi32>
    %swap3A_67 = arith.constant 0 : index
    %swap3A_68 = tpu.vector_load %arg11[%swap3A_67] {strides = array<i32>} : memref<32xi32, #tpu.memory_space<vmem>>, vector<16xi32>,
    tpu.vector_store %arg11[%swap3A_67], %sub3A_66 {strides = array<i32>} : memref<32xi32, #tpu.memory_space<vmem>>, vector<16xi32>,
    %swap3A_69 = arith.constant 0 : index
    %swap3A_70 = tpu.vector_load %arg12[%swap3A_69] {strides = array<i32>} : memref<32xi32, #tpu.memory_space<vmem>>, vector<16xi32>,
    tpu.vector_store %arg12[%swap3A_69], %sub3A_66 {strides = array<i32>} : memref<32xi32, #tpu.memory_space<vmem>>, vector<16xi32>,
    %reduce_sum3A_71 = arith.constant true
    %reduce_sum3A_72 = vector.broadcast %reduce_sum3A_71 : i1 to vector<16xi1>
    %reduce_sum3A_73 = tpu.scan <sum>, %get3A_61 masked %reduce_sum3A_72 : vector<16xi32>, vector<16xi1> -> vector<16xi32>
    %reduce_sum3A_74 = vector.extract %reduce_sum3A_73[15] : i32 from vector<16xi32>
    %add3A_75 = arith.constant 0 : i32
    %add3A_76 = arith.addi %add3A_75, %reduce_sum3A_74 : i32
    %get3A_77 = arith.constant 16 : index
    %get3A_78 = tpu.vector_load %arg10[%get3A_77] {strides = array<i32>} : memref<32xi32, #tpu.memory_space<vmem>>, vector<16xi32>,
    %broadcast_in_dim3A_79 = arith.constant true
    %broadcast_in_dim3A_80 = vector.broadcast %broadcast_in_dim3A_79 : i1 to vector<16xi1>
    %masked_cumsum3A_81 = tpu.scan <sum>, %get3A_78 masked %broadcast_in_dim3A_80 : vector<16xi32>, vector<16xi1> -> vector<16xi32>
    %add3A_82 = vector.broadcast %add3A_76 : i32 to vector<16xi32>
    %add3A_83 = arith.addi %add3A_82, %masked_cumsum3A_81 : vector<16xi32>
    %sub3A_84 = arith.subi %add3A_83, %get3A_78 : vector<16xi32>
    %swap3A_85 = arith.constant 16 : index
    %swap3A_86 = tpu.vector_load %arg11[%swap3A_85] {strides = array<i32>} : memref<32xi32, #tpu.memory_space<vmem>>, vector<16xi32>,
    tpu.vector_store %arg11[%swap3A_85], %sub3A_84 {strides = array<i32>} : memref<32xi32, #tpu.memory_space<vmem>>, vector<16xi32>,
    %swap3A_87 = arith.constant 16 : index
    %swap3A_88 = tpu.vector_load %arg12[%swap3A_87] {strides = array<i32>} : memref<32xi32, #tpu.memory_space<vmem>>, vector<16xi32>,
    tpu.vector_store %arg12[%swap3A_87], %sub3A_84 {strides = array<i32>} : memref<32xi32, #tpu.memory_space<vmem>>, vector<16xi32>,
    %reduce_sum3A_89 = arith.constant true
    %reduce_sum3A_90 = vector.broadcast %reduce_sum3A_89 : i1 to vector<16xi1>
    %reduce_sum3A_91 = tpu.scan <sum>, %get3A_78 masked %reduce_sum3A_90 : vector<16xi32>, vector<16xi1> -> vector<16xi32>
    %reduce_sum3A_92 = vector.extract %reduce_sum3A_91[15] : i32 from vector<16xi32>
    %add3A_93 = arith.addi %add3A_76, %reduce_sum3A_92 : i32
    %scan3A_94 = arith.constant 0 : i32
    %scan3A_95 = arith.constant 0 : i32
    %scan3A_96 = arith.constant 400 : i32
    %scan3A_97 = arith.addi %scan3A_95, %scan3A_96 : i32
    %scan3A_98 = arith.constant 1 : i32
    %scan3A_99 = scf.for %scan3A_119 = %scan3A_95 to %scan3A_97 step %scan3A_98 iter_args(%scan3A_120 = %scan3A_94) -> (i32)  : i32 {
      %mul3A_121 = arith.constant 16 : i32
      %mul3A_122 = arith.muli %scan3A_119, %mul3A_121 : i32
      %get3A_123 = arith.index_cast %mul3A_122 : i32 to index
      %get3A_124 = tpu.vector_load %arg8[%get3A_123] {strides = array<i32>} : memref<6400xi32, #tpu.memory_space<vmem>>, vector<16xi32>,
      %shift_right_arithmetic3A = arith.constant 12 : i32
      %shift_right_arithmetic3A_125 = vector.broadcast %shift_right_arithmetic3A : i32 to vector<16xi32>
      %shift_right_arithmetic3A_126 = arith.shrsi %get3A_124, %shift_right_arithmetic3A_125 : vector<16xi32>
      %sub3A_127 = vector.broadcast %mul3A_54 : i32 to vector<16xi32>
      %sub3A_128 = arith.subi %shift_right_arithmetic3A_126, %sub3A_127 : vector<16xi32>
      %ge3A = arith.constant 0 : i32
      %ge3A_129 = vector.broadcast %ge3A : i32 to vector<16xi32>
      %ge3A_130 = arith.cmpi sge, %get3A_124, %ge3A_129 : vector<16xi32>
      %ge3A_131 = arith.constant 0 : i32
      %ge3A_132 = vector.broadcast %ge3A_131 : i32 to vector<16xi32>
      %ge3A_133 = arith.cmpi sge, %sub3A_128, %ge3A_132 : vector<16xi32>
      %and3A = arith.andi %ge3A_130, %ge3A_133 : vector<16xi1>
      %lt3A = arith.constant 32 : i32
      %lt3A_134 = vector.broadcast %lt3A : i32 to vector<16xi32>
      %lt3A_135 = arith.cmpi slt, %sub3A_128, %lt3A_134 : vector<16xi32>
      %and3A_136 = arith.andi %and3A, %lt3A_135 : vector<16xi1>
      %mul3A_137 = arith.constant 6400 : i32
      %mul3A_138 = arith.muli %arg1, %mul3A_137 : i32
      %mul3A_139 = arith.constant 16 : i32
      %mul3A_140 = arith.muli %scan3A_119, %mul3A_139 : i32
      %add3A_141 = arith.addi %mul3A_138, %mul3A_140 : i32
      %add3A_142 = vector.broadcast %add3A_141 : i32 to vector<16xi32>
      %add3A_143 = arith.addi %add3A_142, %iota3A : vector<16xi32>
      %shift_left3A = arith.constant 12 : i32
      %shift_left3A_144 = vector.broadcast %shift_left3A : i32 to vector<16xi32>
      %shift_left3A_145 = arith.shli %add3A_143, %shift_left3A_144 : vector<16xi32>
      %and3A_146 = arith.constant 4095 : i32
      %and3A_147 = vector.broadcast %and3A_146 : i32 to vector<16xi32>
      %and3A_148 = arith.andi %get3A_124, %and3A_147 : vector<16xi32>
      %or3A = arith.ori %shift_left3A_145, %and3A_148 : vector<16xi32>
      %jit3A_149 = arith.constant 134217727 : i32
      %broadcast_in_dim3A_150 = vector.broadcast %jit3A_149 : i32 to vector<16xi32>
      %select_n3A_151 = arith.select %and3A_136, %sub3A_128, %broadcast_in_dim3A_150 : vector<16xi1>, vector<16xi32>
      %masked_sort3A = arith.constant dense<true> : vector<16xi1>
      %masked_sort3A_152 = arith.constant -2147483648 : i32
      %masked_sort3A_153 = vector.broadcast %masked_sort3A_152 : i32 to vector<16xi32>
      %masked_sort3A_154 = arith.xori %select_n3A_151, %masked_sort3A_153 : vector<16xi32>
      %masked_sort3A_155, %masked_sort3A_156, %masked_sort3A_157 = tpu.sort %masked_sort3A_154, %or3A masked %masked_sort3A : (vector<16xi32>, vector<16xi32>, vector<16xi1>) -> (vector<16xi1>, vector<16xi32>, vector<16xi32>)
      %masked_sort3A_158 = arith.xori %masked_sort3A_156, %masked_sort3A_153 : vector<16xi32>
      %lt3A_159 = arith.constant 134217727 : i32
      %lt3A_160 = vector.broadcast %lt3A_159 : i32 to vector<16xi32>
      %lt3A_161 = arith.cmpi slt, %masked_sort3A_158, %lt3A_160 : vector<16xi32>
      %unique3A_162, %unique3A_163 = tpu.scan_count mask(%lt3A_161 : vector<16xi1>) value(%masked_sort3A_158 : vector<16xi32>) : vector<16xi1>, vector<16xi32>
      %and3A_164 = arith.andi %unique3A_162, %lt3A_161 : vector<16xi1>
      %and3A_165 = arith.constant 31 : i32
      %and3A_166 = vector.broadcast %and3A_165 : i32 to vector<16xi32>
      %and3A_167 = arith.andi %masked_sort3A_158, %and3A_166 : vector<16xi32>
      %gather3A = tpu.vector_load_idx %arg11[%and3A_167] masked %lt3A_161 : memref<32xi32, #tpu.memory_space<vmem>>[vector<16xi32>], vector<16xi32>, vector<16xi1>
      %add3A_168 = arith.addi %gather3A, %unique3A_163 : vector<16xi32>
      %add3A_169 = vector.broadcast %sub3A_52 : i32 to vector<16xi32>
      %add3A_170 = arith.addi %add3A_168, %add3A_169 : vector<16xi32>
      %sub3A_171 = arith.constant 1 : i32
      %sub3A_172 = vector.broadcast %sub3A_171 : i32 to vector<16xi32>
      %sub3A_173 = arith.subi %add3A_170, %sub3A_172 : vector<16xi32>
      tpu.vector_store_idx %arg9[%sub3A_173], %masked_sort3A_157 masked %lt3A_161 : memref<6528xi32, #tpu.memory_space<vmem>>[vector<16xi32>], vector<16xi32>, vector<16xi1>
      %add3A_174 = arith.constant 1 : i32
      %add3A_175 = vector.broadcast %add3A_174 : i32 to vector<16xi32>
      %add3A_176 = arith.addi %sub3A_173, %add3A_175 : vector<16xi32>
      tpu.vector_store_idx %arg11[%and3A_167], %add3A_176 masked %and3A_164 : memref<32xi32, #tpu.memory_space<vmem>>[vector<16xi32>], vector<16xi32>, vector<16xi1>
      %scan3A_177 = arith.constant 0 : i32
      scf.yield %scan3A_177 : i32
    }
    %scan3A_100 = arith.constant 400 : i32
    %mul3A_101 = arith.constant 256 : i32
    %mul3A_102 = arith.muli %arg1, %mul3A_101 : i32
    "tpu.region"() ({
      %run_scoped3A = tpu.sem_alloc : memref<!tpu.dma_semaphore, #tpu.memory_space<semaphore_mem>>
      %dma_start3A = arith.constant 0 : i32
      %dma_start3A_119 = tpu.memref_slice %arg20[%mul3A_102, %dma_start3A] : memref<4224x128xf32, #tpu.memory_space<vmem_shared>> -> memref<256x128xf32, #tpu.memory_space<vmem_shared>>
      %dma_start3A_120 = arith.constant 0 : i32
      %dma_start3A_121 = tpu.memref_slice %arg20[%mul3A_102, %dma_start3A_120] : memref<4224x128xf32, #tpu.memory_space<vmem_shared>> -> memref<256x128xf32, #tpu.memory_space<vmem_shared>>
      tpu.enqueue_dma source(%arg18 : memref<256x128xf32, #tpu.memory_space<vmem>>) target(%dma_start3A_121 : memref<256x128xf32, #tpu.memory_space<vmem_shared>>) target_semaphore(%run_scoped3A : memref<!tpu.dma_semaphore, #tpu.memory_space<semaphore_mem>>)
      %dma_wait3A = arith.constant 0 : i32
      %dma_wait3A_122 = tpu.memref_slice %arg20[%mul3A_102, %dma_wait3A] : memref<4224x128xf32, #tpu.memory_space<vmem_shared>> -> memref<256x128xf32, #tpu.memory_space<vmem_shared>>
      %dma_wait3A_123 = arith.constant 0 : i32
      %dma_wait3A_124 = tpu.memref_slice %arg20[%mul3A_102, %dma_wait3A_123] : memref<4224x128xf32, #tpu.memory_space<vmem_shared>> -> memref<256x128xf32, #tpu.memory_space<vmem_shared>>
      tpu.wait_dma2 semaphore(%run_scoped3A : memref<!tpu.dma_semaphore, #tpu.memory_space<semaphore_mem>>) src(%arg18 : memref<256x128xf32, #tpu.memory_space<vmem>>) dst(%dma_wait3A_124 : memref<256x128xf32, #tpu.memory_space<vmem_shared>>)
      tpu.yield
    }) : () -> ()
    %barrier3A = arith.constant 0 : index
    tpu.barrier barrier_id(%barrier3A)
    %scan3A_103 = arith.constant 0 : i32
    %scan3A_104 = arith.constant 0 : i32
    %scan3A_105 = arith.constant 32 : i32
    %scan3A_106 = arith.addi %scan3A_104, %scan3A_105 : i32
    %scan3A_107 = arith.constant 1 : i32
    %scan3A_108 = scf.for %scan3A_119 = %scan3A_104 to %scan3A_106 step %scan3A_107 iter_args(%scan3A_120 = %scan3A_103) -> (i32)  : i32 {
      %lt3A = arith.constant 16 : i32
      %lt3A_121 = arith.cmpi slt, %scan3A_119, %lt3A : i32
      %and3A = arith.constant 15 : i32
      %and3A_122 = arith.andi %scan3A_119, %and3A : i32
      %eq3A_123 = vector.broadcast %and3A_122 : i32 to vector<16xi32>
      %eq3A_124 = arith.cmpi eq, %iota3A, %eq3A_123 : vector<16xi32>
      %get3A_125 = arith.constant 0 : index
      %get3A_126 = tpu.vector_load %arg10[%get3A_125] {strides = array<i32>} : memref<32xi32, #tpu.memory_space<vmem>>, vector<16xi32>,
      %get3A_127 = arith.constant 16 : index
      %get3A_128 = tpu.vector_load %arg10[%get3A_127] {strides = array<i32>} : memref<32xi32, #tpu.memory_space<vmem>>, vector<16xi32>,
      %select_n3A_129 = arith.select %lt3A_121, %get3A_126, %get3A_128 : vector<16xi32>
      %get3A_130 = arith.constant 0 : index
      %get3A_131 = tpu.vector_load %arg12[%get3A_130] {strides = array<i32>} : memref<32xi32, #tpu.memory_space<vmem>>, vector<16xi32>,
      %get3A_132 = arith.constant 16 : index
      %get3A_133 = tpu.vector_load %arg12[%get3A_132] {strides = array<i32>} : memref<32xi32, #tpu.memory_space<vmem>>, vector<16xi32>,
      %select_n3A_134 = arith.select %lt3A_121, %get3A_131, %get3A_133 : vector<16xi32>
      %jit3A_135 = arith.constant 0 : i32
      %broadcast_in_dim3A_136 = vector.broadcast %jit3A_135 : i32 to vector<16xi32>
      %select_n3A_137 = arith.select %eq3A_124, %select_n3A_129, %broadcast_in_dim3A_136 : vector<16xi1>, vector<16xi32>
      %reduce_sum3A_138 = arith.constant true
      %reduce_sum3A_139 = vector.broadcast %reduce_sum3A_138 : i1 to vector<16xi1>
      %reduce_sum3A_140 = tpu.scan <sum>, %select_n3A_137 masked %reduce_sum3A_139 : vector<16xi32>, vector<16xi1> -> vector<16xi32>
      %reduce_sum3A_141 = vector.extract %reduce_sum3A_140[15] : i32 from vector<16xi32>
      %jit3A_142 = arith.constant 0 : i32
      %broadcast_in_dim3A_143 = vector.broadcast %jit3A_142 : i32 to vector<16xi32>
      %select_n3A_144 = arith.select %eq3A_124, %select_n3A_134, %broadcast_in_dim3A_143 : vector<16xi1>, vector<16xi32>
      %reduce_sum3A_145 = arith.constant true
      %reduce_sum3A_146 = vector.broadcast %reduce_sum3A_145 : i1 to vector<16xi1>
      %reduce_sum3A_147 = tpu.scan <sum>, %select_n3A_144 masked %reduce_sum3A_146 : vector<16xi32>, vector<16xi1> -> vector<16xi32>
      %reduce_sum3A_148 = vector.extract %reduce_sum3A_147[15] : i32 from vector<16xi32>
      %add3A_149 = arith.addi %reduce_sum3A_148, %reduce_sum3A_141 : i32
      %add3A_150 = arith.constant 128 : i32
      %add3A_151 = arith.addi %reduce_sum3A_141, %add3A_150 : i32
      %sub3A_152 = arith.constant 1 : i32
      %sub3A_153 = arith.subi %add3A_151, %sub3A_152 : i32
      %jit3A_154 = arith.constant 128 : i32
      %div3A = arith.divsi %sub3A_153, %jit3A_154 : i32
      %sign3A = arith.constant 0 : i32
      %sign3A_155 = arith.cmpi sgt, %sub3A_153, %sign3A : i32
      %sign3A_156 = arith.extui %sign3A_155 : i1 to i32
      %sign3A_157 = arith.constant 0 : i32
      %sign3A_158 = arith.cmpi slt, %sub3A_153, %sign3A_157 : i32
      %sign3A_159 = arith.extui %sign3A_158 : i1 to i32
      %sign3A_160 = arith.subi %sign3A_156, %sign3A_159 : i32
      %sign3A_161 = arith.constant 0 : i32
      %sign3A_162 = arith.cmpi sgt, %jit3A_154, %sign3A_161 : i32
      %sign3A_163 = arith.extui %sign3A_162 : i1 to i32
      %sign3A_164 = arith.constant 0 : i32
      %sign3A_165 = arith.cmpi slt, %jit3A_154, %sign3A_164 : i32
      %sign3A_166 = arith.extui %sign3A_165 : i1 to i32
      %sign3A_167 = arith.subi %sign3A_163, %sign3A_166 : i32
      %ne3A = arith.cmpi ne, %sign3A_160, %sign3A_167 : i32
      %rem3A = arith.remsi %sub3A_153, %jit3A_154 : i32
      %ne3A_168 = arith.constant 0 : i32
      %ne3A_169 = arith.cmpi ne, %rem3A, %ne3A_168 : i32
      %and3A_170 = arith.andi %ne3A, %ne3A_169 : i1
      %sub3A_171 = arith.constant 1 : i32
      %sub3A_172 = arith.subi %div3A, %sub3A_171 : i32
      %select_n3A_173 = arith.select %and3A_170, %sub3A_172, %div3A : i32
      %while3A = arith.constant 0 : i32
      %while3A_174 = arith.constant 0 : i32
      %while3A_175 = arith.subi %select_n3A_173, %while3A : i32
      %while3A_176 = arith.addi %while3A, %while3A_175 : i32
      %while3A_177 = arith.constant 1 : i32
      %while3A_178 = arith.divsi %while3A_175, %while3A_177 : i32
      %while3A_179 = arith.muli %while3A_178, %while3A_177 : i32
      %while3A_180 = arith.addi %while3A, %while3A_179 : i32
      %while3A_181 = arith.constant 1 : i32
      %while3A_182 = scf.for %while3A_194 = %while3A to %while3A_180 step %while3A_181 iter_args(%while3A_195 = %while3A_174) -> (i32)  : i32 {
        %mul3A_196 = arith.constant 128 : i32
        %mul3A_197 = arith.muli %while3A_194, %mul3A_196 : i32
        %add3A_198 = arith.addi %reduce_sum3A_148, %mul3A_197 : i32
        %add3A_199 = arith.constant 0 : i32
        %add3A_200 = arith.addi %add3A_198, %add3A_199 : i32
        %add3A_201 = vector.broadcast %add3A_200 : i32 to vector<16xi32>
        %add3A_202 = arith.addi %add3A_201, %iota3A : vector<16xi32>
        %lt3A_203 = vector.broadcast %add3A_149 : i32 to vector<16xi32>
        %lt3A_204 = arith.cmpi slt, %add3A_202, %lt3A_203 : vector<16xi32>
        %sub3A_205 = arith.constant 1 : i32
        %sub3A_206 = arith.subi %add3A_149, %sub3A_205 : i32
        %min3A = vector.broadcast %sub3A_206 : i32 to vector<16xi32>
        %min3A_207 = arith.minsi %add3A_202, %min3A : vector<16xi32>
        %max3A = arith.constant 0 : i32
        %max3A_208 = vector.broadcast %max3A : i32 to vector<16xi32>
        %max3A_209 = arith.maxsi %min3A_207, %max3A_208 : vector<16xi32>
        %gather3A = tpu.vector_load_idx %arg9[%max3A_209] : memref<6528xi32, #tpu.memory_space<vmem>>[vector<16xi32>], vector<16xi32>,
        %shift_right_arithmetic3A = arith.constant 12 : i32
        %shift_right_arithmetic3A_210 = vector.broadcast %shift_right_arithmetic3A : i32 to vector<16xi32>
        %shift_right_arithmetic3A_211 = arith.shrsi %gather3A, %shift_right_arithmetic3A_210 : vector<16xi32>
        %and3A_212 = arith.constant 4095 : i32
        %and3A_213 = vector.broadcast %and3A_212 : i32 to vector<16xi32>
        %and3A_214 = arith.andi %gather3A, %and3A_213 : vector<16xi32>
        %jit3A_215 = arith.constant 0 : i32
        %broadcast_in_dim3A_216 = vector.broadcast %jit3A_215 : i32 to vector<16xi32>
        %select_n3A_217 = arith.select %lt3A_204, %shift_right_arithmetic3A_211, %broadcast_in_dim3A_216 : vector<16xi1>, vector<16xi32>
        %swap3A_218 = arith.constant 0 : index
        %swap3A_219 = tpu.vector_load %arg13[%swap3A_218] {strides = array<i32>} : memref<128xi32, #tpu.memory_space<vmem>>, vector<16xi32>,
        tpu.vector_store %arg13[%swap3A_218], %select_n3A_217 {strides = array<i32>} : memref<128xi32, #tpu.memory_space<vmem>>, vector<16xi32>,
        %add3A_220 = arith.constant 4096 : i32
        %add3A_221 = vector.broadcast %add3A_220 : i32 to vector<16xi32>
        %add3A_222 = arith.addi %add3A_221, %iota3A : vector<16xi32>
        %select_n3A_223 = arith.select %lt3A_204, %and3A_214, %add3A_222 : vector<16xi1>, vector<16xi32>
        %swap3A_224 = arith.constant 0 : index
        %swap3A_225 = tpu.vector_load %arg14[%swap3A_224] {strides = array<i32>} : memref<128xi32, #tpu.memory_space<vmem>>, vector<16xi32>,
        tpu.vector_store %arg14[%swap3A_224], %select_n3A_223 {strides = array<i32>} : memref<128xi32, #tpu.memory_space<vmem>>, vector<16xi32>,
        %mul3A_226 = arith.constant 4096 : i32
        %mul3A_227 = arith.muli %scan3A_119, %mul3A_226 : i32
        %add3A_228 = vector.broadcast %mul3A_227 : i32 to vector<16xi32>
        %add3A_229 = arith.addi %add3A_228, %and3A_214 : vector<16xi32>
        %add3A_230 = arith.constant 131072 : i32
        %add3A_231 = vector.broadcast %add3A_230 : i32 to vector<16xi32>
        %add3A_232 = arith.addi %add3A_231, %iota3A : vector<16xi32>
        %select_n3A_233 = arith.select %lt3A_204, %add3A_229, %add3A_232 : vector<16xi1>, vector<16xi32>
        %swap3A_234 = arith.constant 0 : index
        %swap3A_235 = tpu.vector_load %arg15[%swap3A_234] {strides = array<i32>} : memref<128xi32, #tpu.memory_space<vmem>>, vector<16xi32>,
        tpu.vector_store %arg15[%swap3A_234], %select_n3A_233 {strides = array<i32>} : memref<128xi32, #tpu.memory_space<vmem>>, vector<16xi32>,
        %mul3A_236 = arith.constant 128 : i32
        %mul3A_237 = arith.muli %while3A_194, %mul3A_236 : i32
        %add3A_238 = arith.addi %reduce_sum3A_148, %mul3A_237 : i32
        %add3A_239 = arith.constant 16 : i32
        %add3A_240 = arith.addi %add3A_238, %add3A_239 : i32
        %add3A_241 = vector.broadcast %add3A_240 : i32 to vector<16xi32>
        %add3A_242 = arith.addi %add3A_241, %iota3A : vector<16xi32>
        %lt3A_243 = vector.broadcast %add3A_149 : i32 to vector<16xi32>
        %lt3A_244 = arith.cmpi slt, %add3A_242, %lt3A_243 : vector<16xi32>
        %sub3A_245 = arith.constant 1 : i32
        %sub3A_246 = arith.subi %add3A_149, %sub3A_245 : i32
        %min3A_247 = vector.broadcast %sub3A_246 : i32 to vector<16xi32>
        %min3A_248 = arith.minsi %add3A_242, %min3A_247 : vector<16xi32>
        %max3A_249 = arith.constant 0 : i32
        %max3A_250 = vector.broadcast %max3A_249 : i32 to vector<16xi32>
        %max3A_251 = arith.maxsi %min3A_248, %max3A_250 : vector<16xi32>
        %gather3A_252 = tpu.vector_load_idx %arg9[%max3A_251] : memref<6528xi32, #tpu.memory_space<vmem>>[vector<16xi32>], vector<16xi32>,
        %shift_right_arithmetic3A_253 = arith.constant 12 : i32
        %shift_right_arithmetic3A_254 = vector.broadcast %shift_right_arithmetic3A_253 : i32 to vector<16xi32>
        %shift_right_arithmetic3A_255 = arith.shrsi %gather3A_252, %shift_right_arithmetic3A_254 : vector<16xi32>
        %and3A_256 = arith.constant 4095 : i32
        %and3A_257 = vector.broadcast %and3A_256 : i32 to vector<16xi32>
        %and3A_258 = arith.andi %gather3A_252, %and3A_257 : vector<16xi32>
        %jit3A_259 = arith.constant 0 : i32
        %broadcast_in_dim3A_260 = vector.broadcast %jit3A_259 : i32 to vector<16xi32>
        %select_n3A_261 = arith.select %lt3A_244, %shift_right_arithmetic3A_255, %broadcast_in_dim3A_260 : vector<16xi1>, vector<16xi32>
        %swap3A_262 = arith.constant 16 : index
        %swap3A_263 = tpu.vector_load %arg13[%swap3A_262] {strides = array<i32>} : memref<128xi32, #tpu.memory_space<vmem>>, vector<16xi32>,
        tpu.vector_store %arg13[%swap3A_262], %select_n3A_261 {strides = array<i32>} : memref<128xi32, #tpu.memory_space<vmem>>, vector<16xi32>,
        %add3A_264 = arith.constant 4096 : i32
        %add3A_265 = vector.broadcast %add3A_264 : i32 to vector<16xi32>
        %add3A_266 = arith.addi %add3A_265, %iota3A : vector<16xi32>
        %select_n3A_267 = arith.select %lt3A_244, %and3A_258, %add3A_266 : vector<16xi1>, vector<16xi32>
        %swap3A_268 = arith.constant 16 : index
        %swap3A_269 = tpu.vector_load %arg14[%swap3A_268] {strides = array<i32>} : memref<128xi32, #tpu.memory_space<vmem>>, vector<16xi32>,
        tpu.vector_store %arg14[%swap3A_268], %select_n3A_267 {strides = array<i32>} : memref<128xi32, #tpu.memory_space<vmem>>, vector<16xi32>,
        %mul3A_270 = arith.constant 4096 : i32
        %mul3A_271 = arith.muli %scan3A_119, %mul3A_270 : i32
        %add3A_272 = vector.broadcast %mul3A_271 : i32 to vector<16xi32>
        %add3A_273 = arith.addi %add3A_272, %and3A_258 : vector<16xi32>
        %add3A_274 = arith.constant 131072 : i32
        %add3A_275 = vector.broadcast %add3A_274 : i32 to vector<16xi32>
        %add3A_276 = arith.addi %add3A_275, %iota3A : vector<16xi32>
        %select_n3A_277 = arith.select %lt3A_244, %add3A_273, %add3A_276 : vector<16xi1>, vector<16xi32>
        %swap3A_278 = arith.constant 16 : index
        %swap3A_279 = tpu.vector_load %arg15[%swap3A_278] {strides = array<i32>} : memref<128xi32, #tpu.memory_space<vmem>>, vector<16xi32>,
        tpu.vector_store %arg15[%swap3A_278], %select_n3A_277 {strides = array<i32>} : memref<128xi32, #tpu.memory_space<vmem>>, vector<16xi32>,
        %mul3A_280 = arith.constant 128 : i32
        %mul3A_281 = arith.muli %while3A_194, %mul3A_280 : i32
        %add3A_282 = arith.addi %reduce_sum3A_148, %mul3A_281 : i32
        %add3A_283 = arith.constant 32 : i32
        %add3A_284 = arith.addi %add3A_282, %add3A_283 : i32
        %add3A_285 = vector.broadcast %add3A_284 : i32 to vector<16xi32>
        %add3A_286 = arith.addi %add3A_285, %iota3A : vector<16xi32>
        %lt3A_287 = vector.broadcast %add3A_149 : i32 to vector<16xi32>
        %lt3A_288 = arith.cmpi slt, %add3A_286, %lt3A_287 : vector<16xi32>
        %sub3A_289 = arith.constant 1 : i32
        %sub3A_290 = arith.subi %add3A_149, %sub3A_289 : i32
        %min3A_291 = vector.broadcast %sub3A_290 : i32 to vector<16xi32>
        %min3A_292 = arith.minsi %add3A_286, %min3A_291 : vector<16xi32>
        %max3A_293 = arith.constant 0 : i32
        %max3A_294 = vector.broadcast %max3A_293 : i32 to vector<16xi32>
        %max3A_295 = arith.maxsi %min3A_292, %max3A_294 : vector<16xi32>
        %gather3A_296 = tpu.vector_load_idx %arg9[%max3A_295] : memref<6528xi32, #tpu.memory_space<vmem>>[vector<16xi32>], vector<16xi32>,
        %shift_right_arithmetic3A_297 = arith.constant 12 : i32
        %shift_right_arithmetic3A_298 = vector.broadcast %shift_right_arithmetic3A_297 : i32 to vector<16xi32>
        %shift_right_arithmetic3A_299 = arith.shrsi %gather3A_296, %shift_right_arithmetic3A_298 : vector<16xi32>
        %and3A_300 = arith.constant 4095 : i32
        %and3A_301 = vector.broadcast %and3A_300 : i32 to vector<16xi32>
        %and3A_302 = arith.andi %gather3A_296, %and3A_301 : vector<16xi32>
        %jit3A_303 = arith.constant 0 : i32
        %broadcast_in_dim3A_304 = vector.broadcast %jit3A_303 : i32 to vector<16xi32>
        %select_n3A_305 = arith.select %lt3A_288, %shift_right_arithmetic3A_299, %broadcast_in_dim3A_304 : vector<16xi1>, vector<16xi32>
        %swap3A_306 = arith.constant 32 : index
        %swap3A_307 = tpu.vector_load %arg13[%swap3A_306] {strides = array<i32>} : memref<128xi32, #tpu.memory_space<vmem>>, vector<16xi32>,
        tpu.vector_store %arg13[%swap3A_306], %select_n3A_305 {strides = array<i32>} : memref<128xi32, #tpu.memory_space<vmem>>, vector<16xi32>,
        %add3A_308 = arith.constant 4096 : i32
        %add3A_309 = vector.broadcast %add3A_308 : i32 to vector<16xi32>
        %add3A_310 = arith.addi %add3A_309, %iota3A : vector<16xi32>
        %select_n3A_311 = arith.select %lt3A_288, %and3A_302, %add3A_310 : vector<16xi1>, vector<16xi32>
        %swap3A_312 = arith.constant 32 : index
        %swap3A_313 = tpu.vector_load %arg14[%swap3A_312] {strides = array<i32>} : memref<128xi32, #tpu.memory_space<vmem>>, vector<16xi32>,
        tpu.vector_store %arg14[%swap3A_312], %select_n3A_311 {strides = array<i32>} : memref<128xi32, #tpu.memory_space<vmem>>, vector<16xi32>,
        %mul3A_314 = arith.constant 4096 : i32
        %mul3A_315 = arith.muli %scan3A_119, %mul3A_314 : i32
        %add3A_316 = vector.broadcast %mul3A_315 : i32 to vector<16xi32>
        %add3A_317 = arith.addi %add3A_316, %and3A_302 : vector<16xi32>
        %add3A_318 = arith.constant 131072 : i32
        %add3A_319 = vector.broadcast %add3A_318 : i32 to vector<16xi32>
        %add3A_320 = arith.addi %add3A_319, %iota3A : vector<16xi32>
        %select_n3A_321 = arith.select %lt3A_288, %add3A_317, %add3A_320 : vector<16xi1>, vector<16xi32>
        %swap3A_322 = arith.constant 32 : index
        %swap3A_323 = tpu.vector_load %arg15[%swap3A_322] {strides = array<i32>} : memref<128xi32, #tpu.memory_space<vmem>>, vector<16xi32>,
        tpu.vector_store %arg15[%swap3A_322], %select_n3A_321 {strides = array<i32>} : memref<128xi32, #tpu.memory_space<vmem>>, vector<16xi32>,
        %mul3A_324 = arith.constant 128 : i32
        %mul3A_325 = arith.muli %while3A_194, %mul3A_324 : i32
        %add3A_326 = arith.addi %reduce_sum3A_148, %mul3A_325 : i32
        %add3A_327 = arith.constant 48 : i32
        %add3A_328 = arith.addi %add3A_326, %add3A_327 : i32
        %add3A_329 = vector.broadcast %add3A_328 : i32 to vector<16xi32>
        %add3A_330 = arith.addi %add3A_329, %iota3A : vector<16xi32>
        %lt3A_331 = vector.broadcast %add3A_149 : i32 to vector<16xi32>
        %lt3A_332 = arith.cmpi slt, %add3A_330, %lt3A_331 : vector<16xi32>
        %sub3A_333 = arith.constant 1 : i32
        %sub3A_334 = arith.subi %add3A_149, %sub3A_333 : i32
        %min3A_335 = vector.broadcast %sub3A_334 : i32 to vector<16xi32>
        %min3A_336 = arith.minsi %add3A_330, %min3A_335 : vector<16xi32>
        %max3A_337 = arith.constant 0 : i32
        %max3A_338 = vector.broadcast %max3A_337 : i32 to vector<16xi32>
        %max3A_339 = arith.maxsi %min3A_336, %max3A_338 : vector<16xi32>
        %gather3A_340 = tpu.vector_load_idx %arg9[%max3A_339] : memref<6528xi32, #tpu.memory_space<vmem>>[vector<16xi32>], vector<16xi32>,
        %shift_right_arithmetic3A_341 = arith.constant 12 : i32
        %shift_right_arithmetic3A_342 = vector.broadcast %shift_right_arithmetic3A_341 : i32 to vector<16xi32>
        %shift_right_arithmetic3A_343 = arith.shrsi %gather3A_340, %shift_right_arithmetic3A_342 : vector<16xi32>
        %and3A_344 = arith.constant 4095 : i32
        %and3A_345 = vector.broadcast %and3A_344 : i32 to vector<16xi32>
        %and3A_346 = arith.andi %gather3A_340, %and3A_345 : vector<16xi32>
        %jit3A_347 = arith.constant 0 : i32
        %broadcast_in_dim3A_348 = vector.broadcast %jit3A_347 : i32 to vector<16xi32>
        %select_n3A_349 = arith.select %lt3A_332, %shift_right_arithmetic3A_343, %broadcast_in_dim3A_348 : vector<16xi1>, vector<16xi32>
        %swap3A_350 = arith.constant 48 : index
        %swap3A_351 = tpu.vector_load %arg13[%swap3A_350] {strides = array<i32>} : memref<128xi32, #tpu.memory_space<vmem>>, vector<16xi32>,
        tpu.vector_store %arg13[%swap3A_350], %select_n3A_349 {strides = array<i32>} : memref<128xi32, #tpu.memory_space<vmem>>, vector<16xi32>,
        %add3A_352 = arith.constant 4096 : i32
        %add3A_353 = vector.broadcast %add3A_352 : i32 to vector<16xi32>
        %add3A_354 = arith.addi %add3A_353, %iota3A : vector<16xi32>
        %select_n3A_355 = arith.select %lt3A_332, %and3A_346, %add3A_354 : vector<16xi1>, vector<16xi32>
        %swap3A_356 = arith.constant 48 : index
        %swap3A_357 = tpu.vector_load %arg14[%swap3A_356] {strides = array<i32>} : memref<128xi32, #tpu.memory_space<vmem>>, vector<16xi32>,
        tpu.vector_store %arg14[%swap3A_356], %select_n3A_355 {strides = array<i32>} : memref<128xi32, #tpu.memory_space<vmem>>, vector<16xi32>,
        %mul3A_358 = arith.constant 4096 : i32
        %mul3A_359 = arith.muli %scan3A_119, %mul3A_358 : i32
        %add3A_360 = vector.broadcast %mul3A_359 : i32 to vector<16xi32>
        %add3A_361 = arith.addi %add3A_360, %and3A_346 : vector<16xi32>
        %add3A_362 = arith.constant 131072 : i32
        %add3A_363 = vector.broadcast %add3A_362 : i32 to vector<16xi32>
        %add3A_364 = arith.addi %add3A_363, %iota3A : vector<16xi32>
        %select_n3A_365 = arith.select %lt3A_332, %add3A_361, %add3A_364 : vector<16xi1>, vector<16xi32>
        %swap3A_366 = arith.constant 48 : index
        %swap3A_367 = tpu.vector_load %arg15[%swap3A_366] {strides = array<i32>} : memref<128xi32, #tpu.memory_space<vmem>>, vector<16xi32>,
        tpu.vector_store %arg15[%swap3A_366], %select_n3A_365 {strides = array<i32>} : memref<128xi32, #tpu.memory_space<vmem>>, vector<16xi32>,
        %mul3A_368 = arith.constant 128 : i32
        %mul3A_369 = arith.muli %while3A_194, %mul3A_368 : i32
        %add3A_370 = arith.addi %reduce_sum3A_148, %mul3A_369 : i32
        %add3A_371 = arith.constant 64 : i32
        %add3A_372 = arith.addi %add3A_370, %add3A_371 : i32
        %add3A_373 = vector.broadcast %add3A_372 : i32 to vector<16xi32>
        %add3A_374 = arith.addi %add3A_373, %iota3A : vector<16xi32>
        %lt3A_375 = vector.broadcast %add3A_149 : i32 to vector<16xi32>
        %lt3A_376 = arith.cmpi slt, %add3A_374, %lt3A_375 : vector<16xi32>
        %sub3A_377 = arith.constant 1 : i32
        %sub3A_378 = arith.subi %add3A_149, %sub3A_377 : i32
        %min3A_379 = vector.broadcast %sub3A_378 : i32 to vector<16xi32>
        %min3A_380 = arith.minsi %add3A_374, %min3A_379 : vector<16xi32>
        %max3A_381 = arith.constant 0 : i32
        %max3A_382 = vector.broadcast %max3A_381 : i32 to vector<16xi32>
        %max3A_383 = arith.maxsi %min3A_380, %max3A_382 : vector<16xi32>
        %gather3A_384 = tpu.vector_load_idx %arg9[%max3A_383] : memref<6528xi32, #tpu.memory_space<vmem>>[vector<16xi32>], vector<16xi32>,
        %shift_right_arithmetic3A_385 = arith.constant 12 : i32
        %shift_right_arithmetic3A_386 = vector.broadcast %shift_right_arithmetic3A_385 : i32 to vector<16xi32>
        %shift_right_arithmetic3A_387 = arith.shrsi %gather3A_384, %shift_right_arithmetic3A_386 : vector<16xi32>
        %and3A_388 = arith.constant 4095 : i32
        %and3A_389 = vector.broadcast %and3A_388 : i32 to vector<16xi32>
        %and3A_390 = arith.andi %gather3A_384, %and3A_389 : vector<16xi32>
        %jit3A_391 = arith.constant 0 : i32
        %broadcast_in_dim3A_392 = vector.broadcast %jit3A_391 : i32 to vector<16xi32>
        %select_n3A_393 = arith.select %lt3A_376, %shift_right_arithmetic3A_387, %broadcast_in_dim3A_392 : vector<16xi1>, vector<16xi32>
        %swap3A_394 = arith.constant 64 : index
        %swap3A_395 = tpu.vector_load %arg13[%swap3A_394] {strides = array<i32>} : memref<128xi32, #tpu.memory_space<vmem>>, vector<16xi32>,
        tpu.vector_store %arg13[%swap3A_394], %select_n3A_393 {strides = array<i32>} : memref<128xi32, #tpu.memory_space<vmem>>, vector<16xi32>,
        %add3A_396 = arith.constant 4096 : i32
        %add3A_397 = vector.broadcast %add3A_396 : i32 to vector<16xi32>
        %add3A_398 = arith.addi %add3A_397, %iota3A : vector<16xi32>
        %select_n3A_399 = arith.select %lt3A_376, %and3A_390, %add3A_398 : vector<16xi1>, vector<16xi32>
        %swap3A_400 = arith.constant 64 : index
        %swap3A_401 = tpu.vector_load %arg14[%swap3A_400] {strides = array<i32>} : memref<128xi32, #tpu.memory_space<vmem>>, vector<16xi32>,
        tpu.vector_store %arg14[%swap3A_400], %select_n3A_399 {strides = array<i32>} : memref<128xi32, #tpu.memory_space<vmem>>, vector<16xi32>,
        %mul3A_402 = arith.constant 4096 : i32
        %mul3A_403 = arith.muli %scan3A_119, %mul3A_402 : i32
        %add3A_404 = vector.broadcast %mul3A_403 : i32 to vector<16xi32>
        %add3A_405 = arith.addi %add3A_404, %and3A_390 : vector<16xi32>
        %add3A_406 = arith.constant 131072 : i32
        %add3A_407 = vector.broadcast %add3A_406 : i32 to vector<16xi32>
        %add3A_408 = arith.addi %add3A_407, %iota3A : vector<16xi32>
        %select_n3A_409 = arith.select %lt3A_376, %add3A_405, %add3A_408 : vector<16xi1>, vector<16xi32>
        %swap3A_410 = arith.constant 64 : index
        %swap3A_411 = tpu.vector_load %arg15[%swap3A_410] {strides = array<i32>} : memref<128xi32, #tpu.memory_space<vmem>>, vector<16xi32>,
        tpu.vector_store %arg15[%swap3A_410], %select_n3A_409 {strides = array<i32>} : memref<128xi32, #tpu.memory_space<vmem>>, vector<16xi32>,
        %mul3A_412 = arith.constant 128 : i32
        %mul3A_413 = arith.muli %while3A_194, %mul3A_412 : i32
        %add3A_414 = arith.addi %reduce_sum3A_148, %mul3A_413 : i32
        %add3A_415 = arith.constant 80 : i32
        %add3A_416 = arith.addi %add3A_414, %add3A_415 : i32
        %add3A_417 = vector.broadcast %add3A_416 : i32 to vector<16xi32>
        %add3A_418 = arith.addi %add3A_417, %iota3A : vector<16xi32>
        %lt3A_419 = vector.broadcast %add3A_149 : i32 to vector<16xi32>
        %lt3A_420 = arith.cmpi slt, %add3A_418, %lt3A_419 : vector<16xi32>
        %sub3A_421 = arith.constant 1 : i32
        %sub3A_422 = arith.subi %add3A_149, %sub3A_421 : i32
        %min3A_423 = vector.broadcast %sub3A_422 : i32 to vector<16xi32>
        %min3A_424 = arith.minsi %add3A_418, %min3A_423 : vector<16xi32>
        %max3A_425 = arith.constant 0 : i32
        %max3A_426 = vector.broadcast %max3A_425 : i32 to vector<16xi32>
        %max3A_427 = arith.maxsi %min3A_424, %max3A_426 : vector<16xi32>
        %gather3A_428 = tpu.vector_load_idx %arg9[%max3A_427] : memref<6528xi32, #tpu.memory_space<vmem>>[vector<16xi32>], vector<16xi32>,
        %shift_right_arithmetic3A_429 = arith.constant 12 : i32
        %shift_right_arithmetic3A_430 = vector.broadcast %shift_right_arithmetic3A_429 : i32 to vector<16xi32>
        %shift_right_arithmetic3A_431 = arith.shrsi %gather3A_428, %shift_right_arithmetic3A_430 : vector<16xi32>
        %and3A_432 = arith.constant 4095 : i32
        %and3A_433 = vector.broadcast %and3A_432 : i32 to vector<16xi32>
        %and3A_434 = arith.andi %gather3A_428, %and3A_433 : vector<16xi32>
        %jit3A_435 = arith.constant 0 : i32
        %broadcast_in_dim3A_436 = vector.broadcast %jit3A_435 : i32 to vector<16xi32>
        %select_n3A_437 = arith.select %lt3A_420, %shift_right_arithmetic3A_431, %broadcast_in_dim3A_436 : vector<16xi1>, vector<16xi32>
        %swap3A_438 = arith.constant 80 : index
        %swap3A_439 = tpu.vector_load %arg13[%swap3A_438] {strides = array<i32>} : memref<128xi32, #tpu.memory_space<vmem>>, vector<16xi32>,
        tpu.vector_store %arg13[%swap3A_438], %select_n3A_437 {strides = array<i32>} : memref<128xi32, #tpu.memory_space<vmem>>, vector<16xi32>,
        %add3A_440 = arith.constant 4096 : i32
        %add3A_441 = vector.broadcast %add3A_440 : i32 to vector<16xi32>
        %add3A_442 = arith.addi %add3A_441, %iota3A : vector<16xi32>
        %select_n3A_443 = arith.select %lt3A_420, %and3A_434, %add3A_442 : vector<16xi1>, vector<16xi32>
        %swap3A_444 = arith.constant 80 : index
        %swap3A_445 = tpu.vector_load %arg14[%swap3A_444] {strides = array<i32>} : memref<128xi32, #tpu.memory_space<vmem>>, vector<16xi32>,
        tpu.vector_store %arg14[%swap3A_444], %select_n3A_443 {strides = array<i32>} : memref<128xi32, #tpu.memory_space<vmem>>, vector<16xi32>,
        %mul3A_446 = arith.constant 4096 : i32
        %mul3A_447 = arith.muli %scan3A_119, %mul3A_446 : i32
        %add3A_448 = vector.broadcast %mul3A_447 : i32 to vector<16xi32>
        %add3A_449 = arith.addi %add3A_448, %and3A_434 : vector<16xi32>
        %add3A_450 = arith.constant 131072 : i32
        %add3A_451 = vector.broadcast %add3A_450 : i32 to vector<16xi32>
        %add3A_452 = arith.addi %add3A_451, %iota3A : vector<16xi32>
        %select_n3A_453 = arith.select %lt3A_420, %add3A_449, %add3A_452 : vector<16xi1>, vector<16xi32>
        %swap3A_454 = arith.constant 80 : index
        %swap3A_455 = tpu.vector_load %arg15[%swap3A_454] {strides = array<i32>} : memref<128xi32, #tpu.memory_space<vmem>>, vector<16xi32>,
        tpu.vector_store %arg15[%swap3A_454], %select_n3A_453 {strides = array<i32>} : memref<128xi32, #tpu.memory_space<vmem>>, vector<16xi32>,
        %mul3A_456 = arith.constant 128 : i32
        %mul3A_457 = arith.muli %while3A_194, %mul3A_456 : i32
        %add3A_458 = arith.addi %reduce_sum3A_148, %mul3A_457 : i32
        %add3A_459 = arith.constant 96 : i32
        %add3A_460 = arith.addi %add3A_458, %add3A_459 : i32
        %add3A_461 = vector.broadcast %add3A_460 : i32 to vector<16xi32>
        %add3A_462 = arith.addi %add3A_461, %iota3A : vector<16xi32>
        %lt3A_463 = vector.broadcast %add3A_149 : i32 to vector<16xi32>
        %lt3A_464 = arith.cmpi slt, %add3A_462, %lt3A_463 : vector<16xi32>
        %sub3A_465 = arith.constant 1 : i32
        %sub3A_466 = arith.subi %add3A_149, %sub3A_465 : i32
        %min3A_467 = vector.broadcast %sub3A_466 : i32 to vector<16xi32>
        %min3A_468 = arith.minsi %add3A_462, %min3A_467 : vector<16xi32>
        %max3A_469 = arith.constant 0 : i32
        %max3A_470 = vector.broadcast %max3A_469 : i32 to vector<16xi32>
        %max3A_471 = arith.maxsi %min3A_468, %max3A_470 : vector<16xi32>
        %gather3A_472 = tpu.vector_load_idx %arg9[%max3A_471] : memref<6528xi32, #tpu.memory_space<vmem>>[vector<16xi32>], vector<16xi32>,
        %shift_right_arithmetic3A_473 = arith.constant 12 : i32
        %shift_right_arithmetic3A_474 = vector.broadcast %shift_right_arithmetic3A_473 : i32 to vector<16xi32>
        %shift_right_arithmetic3A_475 = arith.shrsi %gather3A_472, %shift_right_arithmetic3A_474 : vector<16xi32>
        %and3A_476 = arith.constant 4095 : i32
        %and3A_477 = vector.broadcast %and3A_476 : i32 to vector<16xi32>
        %and3A_478 = arith.andi %gather3A_472, %and3A_477 : vector<16xi32>
        %jit3A_479 = arith.constant 0 : i32
        %broadcast_in_dim3A_480 = vector.broadcast %jit3A_479 : i32 to vector<16xi32>
        %select_n3A_481 = arith.select %lt3A_464, %shift_right_arithmetic3A_475, %broadcast_in_dim3A_480 : vector<16xi1>, vector<16xi32>
        %swap3A_482 = arith.constant 96 : index
        %swap3A_483 = tpu.vector_load %arg13[%swap3A_482] {strides = array<i32>} : memref<128xi32, #tpu.memory_space<vmem>>, vector<16xi32>,
        tpu.vector_store %arg13[%swap3A_482], %select_n3A_481 {strides = array<i32>} : memref<128xi32, #tpu.memory_space<vmem>>, vector<16xi32>,
        %add3A_484 = arith.constant 4096 : i32
        %add3A_485 = vector.broadcast %add3A_484 : i32 to vector<16xi32>
        %add3A_486 = arith.addi %add3A_485, %iota3A : vector<16xi32>
        %select_n3A_487 = arith.select %lt3A_464, %and3A_478, %add3A_486 : vector<16xi1>, vector<16xi32>
        %swap3A_488 = arith.constant 96 : index
        %swap3A_489 = tpu.vector_load %arg14[%swap3A_488] {strides = array<i32>} : memref<128xi32, #tpu.memory_space<vmem>>, vector<16xi32>,
        tpu.vector_store %arg14[%swap3A_488], %select_n3A_487 {strides = array<i32>} : memref<128xi32, #tpu.memory_space<vmem>>, vector<16xi32>,
        %mul3A_490 = arith.constant 4096 : i32
        %mul3A_491 = arith.muli %scan3A_119, %mul3A_490 : i32
        %add3A_492 = vector.broadcast %mul3A_491 : i32 to vector<16xi32>
        %add3A_493 = arith.addi %add3A_492, %and3A_478 : vector<16xi32>
        %add3A_494 = arith.constant 131072 : i32
        %add3A_495 = vector.broadcast %add3A_494 : i32 to vector<16xi32>
        %add3A_496 = arith.addi %add3A_495, %iota3A : vector<16xi32>
        %select_n3A_497 = arith.select %lt3A_464, %add3A_493, %add3A_496 : vector<16xi1>, vector<16xi32>
        %swap3A_498 = arith.constant 96 : index
        %swap3A_499 = tpu.vector_load %arg15[%swap3A_498] {strides = array<i32>} : memref<128xi32, #tpu.memory_space<vmem>>, vector<16xi32>,
        tpu.vector_store %arg15[%swap3A_498], %select_n3A_497 {strides = array<i32>} : memref<128xi32, #tpu.memory_space<vmem>>, vector<16xi32>,
        %mul3A_500 = arith.constant 128 : i32
        %mul3A_501 = arith.muli %while3A_194, %mul3A_500 : i32
        %add3A_502 = arith.addi %reduce_sum3A_148, %mul3A_501 : i32
        %add3A_503 = arith.constant 112 : i32
        %add3A_504 = arith.addi %add3A_502, %add3A_503 : i32
        %add3A_505 = vector.broadcast %add3A_504 : i32 to vector<16xi32>
        %add3A_506 = arith.addi %add3A_505, %iota3A : vector<16xi32>
        %lt3A_507 = vector.broadcast %add3A_149 : i32 to vector<16xi32>
        %lt3A_508 = arith.cmpi slt, %add3A_506, %lt3A_507 : vector<16xi32>
        %sub3A_509 = arith.constant 1 : i32
        %sub3A_510 = arith.subi %add3A_149, %sub3A_509 : i32
        %min3A_511 = vector.broadcast %sub3A_510 : i32 to vector<16xi32>
        %min3A_512 = arith.minsi %add3A_506, %min3A_511 : vector<16xi32>
        %max3A_513 = arith.constant 0 : i32
        %max3A_514 = vector.broadcast %max3A_513 : i32 to vector<16xi32>
        %max3A_515 = arith.maxsi %min3A_512, %max3A_514 : vector<16xi32>
        %gather3A_516 = tpu.vector_load_idx %arg9[%max3A_515] : memref<6528xi32, #tpu.memory_space<vmem>>[vector<16xi32>], vector<16xi32>,
        %shift_right_arithmetic3A_517 = arith.constant 12 : i32
        %shift_right_arithmetic3A_518 = vector.broadcast %shift_right_arithmetic3A_517 : i32 to vector<16xi32>
        %shift_right_arithmetic3A_519 = arith.shrsi %gather3A_516, %shift_right_arithmetic3A_518 : vector<16xi32>
        %and3A_520 = arith.constant 4095 : i32
        %and3A_521 = vector.broadcast %and3A_520 : i32 to vector<16xi32>
        %and3A_522 = arith.andi %gather3A_516, %and3A_521 : vector<16xi32>
        %jit3A_523 = arith.constant 0 : i32
        %broadcast_in_dim3A_524 = vector.broadcast %jit3A_523 : i32 to vector<16xi32>
        %select_n3A_525 = arith.select %lt3A_508, %shift_right_arithmetic3A_519, %broadcast_in_dim3A_524 : vector<16xi1>, vector<16xi32>
        %swap3A_526 = arith.constant 112 : index
        %swap3A_527 = tpu.vector_load %arg13[%swap3A_526] {strides = array<i32>} : memref<128xi32, #tpu.memory_space<vmem>>, vector<16xi32>,
        tpu.vector_store %arg13[%swap3A_526], %select_n3A_525 {strides = array<i32>} : memref<128xi32, #tpu.memory_space<vmem>>, vector<16xi32>,
        %add3A_528 = arith.constant 4096 : i32
        %add3A_529 = vector.broadcast %add3A_528 : i32 to vector<16xi32>
        %add3A_530 = arith.addi %add3A_529, %iota3A : vector<16xi32>
        %select_n3A_531 = arith.select %lt3A_508, %and3A_522, %add3A_530 : vector<16xi1>, vector<16xi32>
        %swap3A_532 = arith.constant 112 : index
        %swap3A_533 = tpu.vector_load %arg14[%swap3A_532] {strides = array<i32>} : memref<128xi32, #tpu.memory_space<vmem>>, vector<16xi32>,
        tpu.vector_store %arg14[%swap3A_532], %select_n3A_531 {strides = array<i32>} : memref<128xi32, #tpu.memory_space<vmem>>, vector<16xi32>,
        %mul3A_534 = arith.constant 4096 : i32
        %mul3A_535 = arith.muli %scan3A_119, %mul3A_534 : i32
        %add3A_536 = vector.broadcast %mul3A_535 : i32 to vector<16xi32>
        %add3A_537 = arith.addi %add3A_536, %and3A_522 : vector<16xi32>
        %add3A_538 = arith.constant 131072 : i32
        %add3A_539 = vector.broadcast %add3A_538 : i32 to vector<16xi32>
        %add3A_540 = arith.addi %add3A_539, %iota3A : vector<16xi32>
        %select_n3A_541 = arith.select %lt3A_508, %add3A_537, %add3A_540 : vector<16xi1>, vector<16xi32>
        %swap3A_542 = arith.constant 112 : index
        %swap3A_543 = tpu.vector_load %arg15[%swap3A_542] {strides = array<i32>} : memref<128xi32, #tpu.memory_space<vmem>>, vector<16xi32>,
        tpu.vector_store %arg15[%swap3A_542], %select_n3A_541 {strides = array<i32>} : memref<128xi32, #tpu.memory_space<vmem>>, vector<16xi32>,
        "tpu.region"() ({
          %run_scoped3A = tpu.sem_alloc : memref<!tpu.dma_semaphore, #tpu.memory_space<semaphore_mem>>
          %dma_start3A = arith.constant 0 : i32
          %dma_start3A_545 = arith.constant 0 : i32
          %dma_start3A_546 = tpu.memref_slice %arg3[%dma_start3A, %dma_start3A_545] : memref<100000x128xf32, #tpu.memory_space<hbm>> -> memref<100000x128xf32, #tpu.memory_space<hbm>>
          tpu.enqueue_indirect_dma source(%dma_start3A_546 : memref<100000x128xf32, #tpu.memory_space<hbm>>) target(%arg16 : memref<128x128xf32, #tpu.memory_space<vmem>>) offsets(%arg13 : memref<128xi32, #tpu.memory_space<vmem>>) semaphore(%run_scoped3A : memref<!tpu.dma_semaphore, #tpu.memory_space<semaphore_mem>>)
          %dma_wait3A = arith.constant 0 : i32
          %dma_wait3A_547 = arith.constant 0 : i32
          %dma_wait3A_548 = tpu.memref_slice %arg3[%dma_wait3A, %dma_wait3A_547] : memref<100000x128xf32, #tpu.memory_space<hbm>> -> memref<100000x128xf32, #tpu.memory_space<hbm>>
          tpu.wait_indirect_dma semaphore(%run_scoped3A : memref<!tpu.dma_semaphore, #tpu.memory_space<semaphore_mem>>) src(%dma_wait3A_548 : memref<100000x128xf32, #tpu.memory_space<hbm>>) dst(%arg16 : memref<128x128xf32, #tpu.memory_space<vmem>>)
          tpu.yield
        }) : () -> ()
        "tpu.region"() ({
          %run_scoped3A = tpu.sem_alloc : memref<!tpu.dma_semaphore, #tpu.memory_space<semaphore_mem>>
          %dma_start3A = arith.constant 0 : i32
          %dma_start3A_545 = arith.constant 0 : i32
          %dma_start3A_546 = tpu.memref_slice %arg20[%dma_start3A, %dma_start3A_545] : memref<4224x128xf32, #tpu.memory_space<vmem_shared>> -> memref<4224x128xf32, #tpu.memory_space<vmem_shared>>
          tpu.enqueue_indirect_dma source(%arg16 : memref<128x128xf32, #tpu.memory_space<vmem>>) target(%dma_start3A_546 : memref<4224x128xf32, #tpu.memory_space<vmem_shared>>) offsets(%arg14 : memref<128xi32, #tpu.memory_space<vmem>>) semaphore(%run_scoped3A : memref<!tpu.dma_semaphore, #tpu.memory_space<semaphore_mem>>) {add = true}
          %dma_wait3A = arith.constant 0 : i32
          %dma_wait3A_547 = arith.constant 0 : i32
          %dma_wait3A_548 = tpu.memref_slice %arg20[%dma_wait3A, %dma_wait3A_547] : memref<4224x128xf32, #tpu.memory_space<vmem_shared>> -> memref<4224x128xf32, #tpu.memory_space<vmem_shared>>
          tpu.wait_indirect_dma semaphore(%run_scoped3A : memref<!tpu.dma_semaphore, #tpu.memory_space<semaphore_mem>>) src(%arg16 : memref<128x128xf32, #tpu.memory_space<vmem>>) dst(%dma_wait3A_548 : memref<4224x128xf32, #tpu.memory_space<vmem_shared>>)
          tpu.yield
        }) : () -> ()
        "tpu.region"() ({
          %run_scoped3A = tpu.sem_alloc : memref<!tpu.dma_semaphore, #tpu.memory_space<semaphore_mem>>
          %dma_start3A = arith.constant 0 : i32
          %dma_start3A_545 = tpu.memref_slice %arg21[%dma_start3A] : memref<131200xf32, #tpu.memory_space<vmem_shared>> -> memref<131200xf32, #tpu.memory_space<vmem_shared>>
          tpu.enqueue_indirect_dma source(%arg17 : memref<128xf32, #tpu.memory_space<vmem>>) target(%dma_start3A_545 : memref<131200xf32, #tpu.memory_space<vmem_shared>>) offsets(%arg15 : memref<128xi32, #tpu.memory_space<vmem>>) semaphore(%run_scoped3A : memref<!tpu.dma_semaphore, #tpu.memory_space<semaphore_mem>>) {add = true}
          %dma_wait3A = arith.constant 0 : i32
          %dma_wait3A_546 = tpu.memref_slice %arg21[%dma_wait3A] : memref<131200xf32, #tpu.memory_space<vmem_shared>> -> memref<131200xf32, #tpu.memory_space<vmem_shared>>
          tpu.wait_indirect_dma semaphore(%run_scoped3A : memref<!tpu.dma_semaphore, #tpu.memory_space<semaphore_mem>>) src(%arg17 : memref<128xf32, #tpu.memory_space<vmem>>) dst(%dma_wait3A_546 : memref<131200xf32, #tpu.memory_space<vmem_shared>>)
          tpu.yield
        }) : () -> ()
        %while3A_544 = arith.constant 0 : i32
        scf.yield %while3A_544 : i32
      }
      %while3A_183 = arith.constant 1 : i32
      %while3A_184 = scf.for %while3A_194 = %while3A_180 to %while3A_176 step %while3A_183 iter_args(%while3A_195 = %while3A_182) -> (i32)  : i32 {
        %mul3A_196 = arith.constant 128 : i32
        %mul3A_197 = arith.muli %while3A_194, %mul3A_196 : i32
        %add3A_198 = arith.addi %reduce_sum3A_148, %mul3A_197 : i32
        %add3A_199 = arith.constant 0 : i32
        %add3A_200 = arith.addi %add3A_198, %add3A_199 : i32
        %add3A_201 = vector.broadcast %add3A_200 : i32 to vector<16xi32>
        %add3A_202 = arith.addi %add3A_201, %iota3A : vector<16xi32>
        %lt3A_203 = vector.broadcast %add3A_149 : i32 to vector<16xi32>
        %lt3A_204 = arith.cmpi slt, %add3A_202, %lt3A_203 : vector<16xi32>
        %sub3A_205 = arith.constant 1 : i32
        %sub3A_206 = arith.subi %add3A_149, %sub3A_205 : i32
        %min3A = vector.broadcast %sub3A_206 : i32 to vector<16xi32>
        %min3A_207 = arith.minsi %add3A_202, %min3A : vector<16xi32>
        %max3A = arith.constant 0 : i32
        %max3A_208 = vector.broadcast %max3A : i32 to vector<16xi32>
        %max3A_209 = arith.maxsi %min3A_207, %max3A_208 : vector<16xi32>
        %gather3A = tpu.vector_load_idx %arg9[%max3A_209] : memref<6528xi32, #tpu.memory_space<vmem>>[vector<16xi32>], vector<16xi32>,
        %shift_right_arithmetic3A = arith.constant 12 : i32
        %shift_right_arithmetic3A_210 = vector.broadcast %shift_right_arithmetic3A : i32 to vector<16xi32>
        %shift_right_arithmetic3A_211 = arith.shrsi %gather3A, %shift_right_arithmetic3A_210 : vector<16xi32>
        %and3A_212 = arith.constant 4095 : i32
        %and3A_213 = vector.broadcast %and3A_212 : i32 to vector<16xi32>
        %and3A_214 = arith.andi %gather3A, %and3A_213 : vector<16xi32>
        %jit3A_215 = arith.constant 0 : i32
        %broadcast_in_dim3A_216 = vector.broadcast %jit3A_215 : i32 to vector<16xi32>
        %select_n3A_217 = arith.select %lt3A_204, %shift_right_arithmetic3A_211, %broadcast_in_dim3A_216 : vector<16xi1>, vector<16xi32>
        %swap3A_218 = arith.constant 0 : index
        %swap3A_219 = tpu.vector_load %arg13[%swap3A_218] {strides = array<i32>} : memref<128xi32, #tpu.memory_space<vmem>>, vector<16xi32>,
        tpu.vector_store %arg13[%swap3A_218], %select_n3A_217 {strides = array<i32>} : memref<128xi32, #tpu.memory_space<vmem>>, vector<16xi32>,
        %add3A_220 = arith.constant 4096 : i32
        %add3A_221 = vector.broadcast %add3A_220 : i32 to vector<16xi32>
        %add3A_222 = arith.addi %add3A_221, %iota3A : vector<16xi32>
        %select_n3A_223 = arith.select %lt3A_204, %and3A_214, %add3A_222 : vector<16xi1>, vector<16xi32>
        %swap3A_224 = arith.constant 0 : index
        %swap3A_225 = tpu.vector_load %arg14[%swap3A_224] {strides = array<i32>} : memref<128xi32, #tpu.memory_space<vmem>>, vector<16xi32>,
        tpu.vector_store %arg14[%swap3A_224], %select_n3A_223 {strides = array<i32>} : memref<128xi32, #tpu.memory_space<vmem>>, vector<16xi32>,
        %mul3A_226 = arith.constant 4096 : i32
        %mul3A_227 = arith.muli %scan3A_119, %mul3A_226 : i32
        %add3A_228 = vector.broadcast %mul3A_227 : i32 to vector<16xi32>
        %add3A_229 = arith.addi %add3A_228, %and3A_214 : vector<16xi32>
        %add3A_230 = arith.constant 131072 : i32
        %add3A_231 = vector.broadcast %add3A_230 : i32 to vector<16xi32>
        %add3A_232 = arith.addi %add3A_231, %iota3A : vector<16xi32>
        %select_n3A_233 = arith.select %lt3A_204, %add3A_229, %add3A_232 : vector<16xi1>, vector<16xi32>
        %swap3A_234 = arith.constant 0 : index
        %swap3A_235 = tpu.vector_load %arg15[%swap3A_234] {strides = array<i32>} : memref<128xi32, #tpu.memory_space<vmem>>, vector<16xi32>,
        tpu.vector_store %arg15[%swap3A_234], %select_n3A_233 {strides = array<i32>} : memref<128xi32, #tpu.memory_space<vmem>>, vector<16xi32>,
        %mul3A_236 = arith.constant 128 : i32
        %mul3A_237 = arith.muli %while3A_194, %mul3A_236 : i32
        %add3A_238 = arith.addi %reduce_sum3A_148, %mul3A_237 : i32
        %add3A_239 = arith.constant 16 : i32
        %add3A_240 = arith.addi %add3A_238, %add3A_239 : i32
        %add3A_241 = vector.broadcast %add3A_240 : i32 to vector<16xi32>
        %add3A_242 = arith.addi %add3A_241, %iota3A : vector<16xi32>
        %lt3A_243 = vector.broadcast %add3A_149 : i32 to vector<16xi32>
        %lt3A_244 = arith.cmpi slt, %add3A_242, %lt3A_243 : vector<16xi32>
        %sub3A_245 = arith.constant 1 : i32
        %sub3A_246 = arith.subi %add3A_149, %sub3A_245 : i32
        %min3A_247 = vector.broadcast %sub3A_246 : i32 to vector<16xi32>
        %min3A_248 = arith.minsi %add3A_242, %min3A_247 : vector<16xi32>
        %max3A_249 = arith.constant 0 : i32
        %max3A_250 = vector.broadcast %max3A_249 : i32 to vector<16xi32>
        %max3A_251 = arith.maxsi %min3A_248, %max3A_250 : vector<16xi32>
        %gather3A_252 = tpu.vector_load_idx %arg9[%max3A_251] : memref<6528xi32, #tpu.memory_space<vmem>>[vector<16xi32>], vector<16xi32>,
        %shift_right_arithmetic3A_253 = arith.constant 12 : i32
        %shift_right_arithmetic3A_254 = vector.broadcast %shift_right_arithmetic3A_253 : i32 to vector<16xi32>
        %shift_right_arithmetic3A_255 = arith.shrsi %gather3A_252, %shift_right_arithmetic3A_254 : vector<16xi32>
        %and3A_256 = arith.constant 4095 : i32
        %and3A_257 = vector.broadcast %and3A_256 : i32 to vector<16xi32>
        %and3A_258 = arith.andi %gather3A_252, %and3A_257 : vector<16xi32>
        %jit3A_259 = arith.constant 0 : i32
        %broadcast_in_dim3A_260 = vector.broadcast %jit3A_259 : i32 to vector<16xi32>
        %select_n3A_261 = arith.select %lt3A_244, %shift_right_arithmetic3A_255, %broadcast_in_dim3A_260 : vector<16xi1>, vector<16xi32>
        %swap3A_262 = arith.constant 16 : index
        %swap3A_263 = tpu.vector_load %arg13[%swap3A_262] {strides = array<i32>} : memref<128xi32, #tpu.memory_space<vmem>>, vector<16xi32>,
        tpu.vector_store %arg13[%swap3A_262], %select_n3A_261 {strides = array<i32>} : memref<128xi32, #tpu.memory_space<vmem>>, vector<16xi32>,
        %add3A_264 = arith.constant 4096 : i32
        %add3A_265 = vector.broadcast %add3A_264 : i32 to vector<16xi32>
        %add3A_266 = arith.addi %add3A_265, %iota3A : vector<16xi32>
        %select_n3A_267 = arith.select %lt3A_244, %and3A_258, %add3A_266 : vector<16xi1>, vector<16xi32>
        %swap3A_268 = arith.constant 16 : index
        %swap3A_269 = tpu.vector_load %arg14[%swap3A_268] {strides = array<i32>} : memref<128xi32, #tpu.memory_space<vmem>>, vector<16xi32>,
        tpu.vector_store %arg14[%swap3A_268], %select_n3A_267 {strides = array<i32>} : memref<128xi32, #tpu.memory_space<vmem>>, vector<16xi32>,
        %mul3A_270 = arith.constant 4096 : i32
        %mul3A_271 = arith.muli %scan3A_119, %mul3A_270 : i32
        %add3A_272 = vector.broadcast %mul3A_271 : i32 to vector<16xi32>
        %add3A_273 = arith.addi %add3A_272, %and3A_258 : vector<16xi32>
        %add3A_274 = arith.constant 131072 : i32
        %add3A_275 = vector.broadcast %add3A_274 : i32 to vector<16xi32>
        %add3A_276 = arith.addi %add3A_275, %iota3A : vector<16xi32>
        %select_n3A_277 = arith.select %lt3A_244, %add3A_273, %add3A_276 : vector<16xi1>, vector<16xi32>
        %swap3A_278 = arith.constant 16 : index
        %swap3A_279 = tpu.vector_load %arg15[%swap3A_278] {strides = array<i32>} : memref<128xi32, #tpu.memory_space<vmem>>, vector<16xi32>,
        tpu.vector_store %arg15[%swap3A_278], %select_n3A_277 {strides = array<i32>} : memref<128xi32, #tpu.memory_space<vmem>>, vector<16xi32>,
        %mul3A_280 = arith.constant 128 : i32
        %mul3A_281 = arith.muli %while3A_194, %mul3A_280 : i32
        %add3A_282 = arith.addi %reduce_sum3A_148, %mul3A_281 : i32
        %add3A_283 = arith.constant 32 : i32
        %add3A_284 = arith.addi %add3A_282, %add3A_283 : i32
        %add3A_285 = vector.broadcast %add3A_284 : i32 to vector<16xi32>
        %add3A_286 = arith.addi %add3A_285, %iota3A : vector<16xi32>
        %lt3A_287 = vector.broadcast %add3A_149 : i32 to vector<16xi32>
        %lt3A_288 = arith.cmpi slt, %add3A_286, %lt3A_287 : vector<16xi32>
        %sub3A_289 = arith.constant 1 : i32
        %sub3A_290 = arith.subi %add3A_149, %sub3A_289 : i32
        %min3A_291 = vector.broadcast %sub3A_290 : i32 to vector<16xi32>
        %min3A_292 = arith.minsi %add3A_286, %min3A_291 : vector<16xi32>
        %max3A_293 = arith.constant 0 : i32
        %max3A_294 = vector.broadcast %max3A_293 : i32 to vector<16xi32>
        %max3A_295 = arith.maxsi %min3A_292, %max3A_294 : vector<16xi32>
        %gather3A_296 = tpu.vector_load_idx %arg9[%max3A_295] : memref<6528xi32, #tpu.memory_space<vmem>>[vector<16xi32>], vector<16xi32>,
        %shift_right_arithmetic3A_297 = arith.constant 12 : i32
        %shift_right_arithmetic3A_298 = vector.broadcast %shift_right_arithmetic3A_297 : i32 to vector<16xi32>
        %shift_right_arithmetic3A_299 = arith.shrsi %gather3A_296, %shift_right_arithmetic3A_298 : vector<16xi32>
        %and3A_300 = arith.constant 4095 : i32
        %and3A_301 = vector.broadcast %and3A_300 : i32 to vector<16xi32>
        %and3A_302 = arith.andi %gather3A_296, %and3A_301 : vector<16xi32>
        %jit3A_303 = arith.constant 0 : i32
        %broadcast_in_dim3A_304 = vector.broadcast %jit3A_303 : i32 to vector<16xi32>
        %select_n3A_305 = arith.select %lt3A_288, %shift_right_arithmetic3A_299, %broadcast_in_dim3A_304 : vector<16xi1>, vector<16xi32>
        %swap3A_306 = arith.constant 32 : index
        %swap3A_307 = tpu.vector_load %arg13[%swap3A_306] {strides = array<i32>} : memref<128xi32, #tpu.memory_space<vmem>>, vector<16xi32>,
        tpu.vector_store %arg13[%swap3A_306], %select_n3A_305 {strides = array<i32>} : memref<128xi32, #tpu.memory_space<vmem>>, vector<16xi32>,
        %add3A_308 = arith.constant 4096 : i32
        %add3A_309 = vector.broadcast %add3A_308 : i32 to vector<16xi32>
        %add3A_310 = arith.addi %add3A_309, %iota3A : vector<16xi32>
        %select_n3A_311 = arith.select %lt3A_288, %and3A_302, %add3A_310 : vector<16xi1>, vector<16xi32>
        %swap3A_312 = arith.constant 32 : index
        %swap3A_313 = tpu.vector_load %arg14[%swap3A_312] {strides = array<i32>} : memref<128xi32, #tpu.memory_space<vmem>>, vector<16xi32>,
        tpu.vector_store %arg14[%swap3A_312], %select_n3A_311 {strides = array<i32>} : memref<128xi32, #tpu.memory_space<vmem>>, vector<16xi32>,
        %mul3A_314 = arith.constant 4096 : i32
        %mul3A_315 = arith.muli %scan3A_119, %mul3A_314 : i32
        %add3A_316 = vector.broadcast %mul3A_315 : i32 to vector<16xi32>
        %add3A_317 = arith.addi %add3A_316, %and3A_302 : vector<16xi32>
        %add3A_318 = arith.constant 131072 : i32
        %add3A_319 = vector.broadcast %add3A_318 : i32 to vector<16xi32>
        %add3A_320 = arith.addi %add3A_319, %iota3A : vector<16xi32>
        %select_n3A_321 = arith.select %lt3A_288, %add3A_317, %add3A_320 : vector<16xi1>, vector<16xi32>
        %swap3A_322 = arith.constant 32 : index
        %swap3A_323 = tpu.vector_load %arg15[%swap3A_322] {strides = array<i32>} : memref<128xi32, #tpu.memory_space<vmem>>, vector<16xi32>,
        tpu.vector_store %arg15[%swap3A_322], %select_n3A_321 {strides = array<i32>} : memref<128xi32, #tpu.memory_space<vmem>>, vector<16xi32>,
        %mul3A_324 = arith.constant 128 : i32
        %mul3A_325 = arith.muli %while3A_194, %mul3A_324 : i32
        %add3A_326 = arith.addi %reduce_sum3A_148, %mul3A_325 : i32
        %add3A_327 = arith.constant 48 : i32
        %add3A_328 = arith.addi %add3A_326, %add3A_327 : i32
        %add3A_329 = vector.broadcast %add3A_328 : i32 to vector<16xi32>
        %add3A_330 = arith.addi %add3A_329, %iota3A : vector<16xi32>
        %lt3A_331 = vector.broadcast %add3A_149 : i32 to vector<16xi32>
        %lt3A_332 = arith.cmpi slt, %add3A_330, %lt3A_331 : vector<16xi32>
        %sub3A_333 = arith.constant 1 : i32
        %sub3A_334 = arith.subi %add3A_149, %sub3A_333 : i32
        %min3A_335 = vector.broadcast %sub3A_334 : i32 to vector<16xi32>
        %min3A_336 = arith.minsi %add3A_330, %min3A_335 : vector<16xi32>
        %max3A_337 = arith.constant 0 : i32
        %max3A_338 = vector.broadcast %max3A_337 : i32 to vector<16xi32>
        %max3A_339 = arith.maxsi %min3A_336, %max3A_338 : vector<16xi32>
        %gather3A_340 = tpu.vector_load_idx %arg9[%max3A_339] : memref<6528xi32, #tpu.memory_space<vmem>>[vector<16xi32>], vector<16xi32>,
        %shift_right_arithmetic3A_341 = arith.constant 12 : i32
        %shift_right_arithmetic3A_342 = vector.broadcast %shift_right_arithmetic3A_341 : i32 to vector<16xi32>
        %shift_right_arithmetic3A_343 = arith.shrsi %gather3A_340, %shift_right_arithmetic3A_342 : vector<16xi32>
        %and3A_344 = arith.constant 4095 : i32
        %and3A_345 = vector.broadcast %and3A_344 : i32 to vector<16xi32>
        %and3A_346 = arith.andi %gather3A_340, %and3A_345 : vector<16xi32>
        %jit3A_347 = arith.constant 0 : i32
        %broadcast_in_dim3A_348 = vector.broadcast %jit3A_347 : i32 to vector<16xi32>
        %select_n3A_349 = arith.select %lt3A_332, %shift_right_arithmetic3A_343, %broadcast_in_dim3A_348 : vector<16xi1>, vector<16xi32>
        %swap3A_350 = arith.constant 48 : index
        %swap3A_351 = tpu.vector_load %arg13[%swap3A_350] {strides = array<i32>} : memref<128xi32, #tpu.memory_space<vmem>>, vector<16xi32>,
        tpu.vector_store %arg13[%swap3A_350], %select_n3A_349 {strides = array<i32>} : memref<128xi32, #tpu.memory_space<vmem>>, vector<16xi32>,
        %add3A_352 = arith.constant 4096 : i32
        %add3A_353 = vector.broadcast %add3A_352 : i32 to vector<16xi32>
        %add3A_354 = arith.addi %add3A_353, %iota3A : vector<16xi32>
        %select_n3A_355 = arith.select %lt3A_332, %and3A_346, %add3A_354 : vector<16xi1>, vector<16xi32>
        %swap3A_356 = arith.constant 48 : index
        %swap3A_357 = tpu.vector_load %arg14[%swap3A_356] {strides = array<i32>} : memref<128xi32, #tpu.memory_space<vmem>>, vector<16xi32>,
        tpu.vector_store %arg14[%swap3A_356], %select_n3A_355 {strides = array<i32>} : memref<128xi32, #tpu.memory_space<vmem>>, vector<16xi32>,
        %mul3A_358 = arith.constant 4096 : i32
        %mul3A_359 = arith.muli %scan3A_119, %mul3A_358 : i32
        %add3A_360 = vector.broadcast %mul3A_359 : i32 to vector<16xi32>
        %add3A_361 = arith.addi %add3A_360, %and3A_346 : vector<16xi32>
        %add3A_362 = arith.constant 131072 : i32
        %add3A_363 = vector.broadcast %add3A_362 : i32 to vector<16xi32>
        %add3A_364 = arith.addi %add3A_363, %iota3A : vector<16xi32>
        %select_n3A_365 = arith.select %lt3A_332, %add3A_361, %add3A_364 : vector<16xi1>, vector<16xi32>
        %swap3A_366 = arith.constant 48 : index
        %swap3A_367 = tpu.vector_load %arg15[%swap3A_366] {strides = array<i32>} : memref<128xi32, #tpu.memory_space<vmem>>, vector<16xi32>,
        tpu.vector_store %arg15[%swap3A_366], %select_n3A_365 {strides = array<i32>} : memref<128xi32, #tpu.memory_space<vmem>>, vector<16xi32>,
        %mul3A_368 = arith.constant 128 : i32
        %mul3A_369 = arith.muli %while3A_194, %mul3A_368 : i32
        %add3A_370 = arith.addi %reduce_sum3A_148, %mul3A_369 : i32
        %add3A_371 = arith.constant 64 : i32
        %add3A_372 = arith.addi %add3A_370, %add3A_371 : i32
        %add3A_373 = vector.broadcast %add3A_372 : i32 to vector<16xi32>
        %add3A_374 = arith.addi %add3A_373, %iota3A : vector<16xi32>
        %lt3A_375 = vector.broadcast %add3A_149 : i32 to vector<16xi32>
        %lt3A_376 = arith.cmpi slt, %add3A_374, %lt3A_375 : vector<16xi32>
        %sub3A_377 = arith.constant 1 : i32
        %sub3A_378 = arith.subi %add3A_149, %sub3A_377 : i32
        %min3A_379 = vector.broadcast %sub3A_378 : i32 to vector<16xi32>
        %min3A_380 = arith.minsi %add3A_374, %min3A_379 : vector<16xi32>
        %max3A_381 = arith.constant 0 : i32
        %max3A_382 = vector.broadcast %max3A_381 : i32 to vector<16xi32>
        %max3A_383 = arith.maxsi %min3A_380, %max3A_382 : vector<16xi32>
        %gather3A_384 = tpu.vector_load_idx %arg9[%max3A_383] : memref<6528xi32, #tpu.memory_space<vmem>>[vector<16xi32>], vector<16xi32>,
        %shift_right_arithmetic3A_385 = arith.constant 12 : i32
        %shift_right_arithmetic3A_386 = vector.broadcast %shift_right_arithmetic3A_385 : i32 to vector<16xi32>
        %shift_right_arithmetic3A_387 = arith.shrsi %gather3A_384, %shift_right_arithmetic3A_386 : vector<16xi32>
        %and3A_388 = arith.constant 4095 : i32
        %and3A_389 = vector.broadcast %and3A_388 : i32 to vector<16xi32>
        %and3A_390 = arith.andi %gather3A_384, %and3A_389 : vector<16xi32>
        %jit3A_391 = arith.constant 0 : i32
        %broadcast_in_dim3A_392 = vector.broadcast %jit3A_391 : i32 to vector<16xi32>
        %select_n3A_393 = arith.select %lt3A_376, %shift_right_arithmetic3A_387, %broadcast_in_dim3A_392 : vector<16xi1>, vector<16xi32>
        %swap3A_394 = arith.constant 64 : index
        %swap3A_395 = tpu.vector_load %arg13[%swap3A_394] {strides = array<i32>} : memref<128xi32, #tpu.memory_space<vmem>>, vector<16xi32>,
        tpu.vector_store %arg13[%swap3A_394], %select_n3A_393 {strides = array<i32>} : memref<128xi32, #tpu.memory_space<vmem>>, vector<16xi32>,
        %add3A_396 = arith.constant 4096 : i32
        %add3A_397 = vector.broadcast %add3A_396 : i32 to vector<16xi32>
        %add3A_398 = arith.addi %add3A_397, %iota3A : vector<16xi32>
        %select_n3A_399 = arith.select %lt3A_376, %and3A_390, %add3A_398 : vector<16xi1>, vector<16xi32>
        %swap3A_400 = arith.constant 64 : index
        %swap3A_401 = tpu.vector_load %arg14[%swap3A_400] {strides = array<i32>} : memref<128xi32, #tpu.memory_space<vmem>>, vector<16xi32>,
        tpu.vector_store %arg14[%swap3A_400], %select_n3A_399 {strides = array<i32>} : memref<128xi32, #tpu.memory_space<vmem>>, vector<16xi32>,
        %mul3A_402 = arith.constant 4096 : i32
        %mul3A_403 = arith.muli %scan3A_119, %mul3A_402 : i32
        %add3A_404 = vector.broadcast %mul3A_403 : i32 to vector<16xi32>
        %add3A_405 = arith.addi %add3A_404, %and3A_390 : vector<16xi32>
        %add3A_406 = arith.constant 131072 : i32
        %add3A_407 = vector.broadcast %add3A_406 : i32 to vector<16xi32>
        %add3A_408 = arith.addi %add3A_407, %iota3A : vector<16xi32>
        %select_n3A_409 = arith.select %lt3A_376, %add3A_405, %add3A_408 : vector<16xi1>, vector<16xi32>
        %swap3A_410 = arith.constant 64 : index
        %swap3A_411 = tpu.vector_load %arg15[%swap3A_410] {strides = array<i32>} : memref<128xi32, #tpu.memory_space<vmem>>, vector<16xi32>,
        tpu.vector_store %arg15[%swap3A_410], %select_n3A_409 {strides = array<i32>} : memref<128xi32, #tpu.memory_space<vmem>>, vector<16xi32>,
        %mul3A_412 = arith.constant 128 : i32
        %mul3A_413 = arith.muli %while3A_194, %mul3A_412 : i32
        %add3A_414 = arith.addi %reduce_sum3A_148, %mul3A_413 : i32
        %add3A_415 = arith.constant 80 : i32
        %add3A_416 = arith.addi %add3A_414, %add3A_415 : i32
        %add3A_417 = vector.broadcast %add3A_416 : i32 to vector<16xi32>
        %add3A_418 = arith.addi %add3A_417, %iota3A : vector<16xi32>
        %lt3A_419 = vector.broadcast %add3A_149 : i32 to vector<16xi32>
        %lt3A_420 = arith.cmpi slt, %add3A_418, %lt3A_419 : vector<16xi32>
        %sub3A_421 = arith.constant 1 : i32
        %sub3A_422 = arith.subi %add3A_149, %sub3A_421 : i32
        %min3A_423 = vector.broadcast %sub3A_422 : i32 to vector<16xi32>
        %min3A_424 = arith.minsi %add3A_418, %min3A_423 : vector<16xi32>
        %max3A_425 = arith.constant 0 : i32
        %max3A_426 = vector.broadcast %max3A_425 : i32 to vector<16xi32>
        %max3A_427 = arith.maxsi %min3A_424, %max3A_426 : vector<16xi32>
        %gather3A_428 = tpu.vector_load_idx %arg9[%max3A_427] : memref<6528xi32, #tpu.memory_space<vmem>>[vector<16xi32>], vector<16xi32>,
        %shift_right_arithmetic3A_429 = arith.constant 12 : i32
        %shift_right_arithmetic3A_430 = vector.broadcast %shift_right_arithmetic3A_429 : i32 to vector<16xi32>
        %shift_right_arithmetic3A_431 = arith.shrsi %gather3A_428, %shift_right_arithmetic3A_430 : vector<16xi32>
        %and3A_432 = arith.constant 4095 : i32
        %and3A_433 = vector.broadcast %and3A_432 : i32 to vector<16xi32>
        %and3A_434 = arith.andi %gather3A_428, %and3A_433 : vector<16xi32>
        %jit3A_435 = arith.constant 0 : i32
        %broadcast_in_dim3A_436 = vector.broadcast %jit3A_435 : i32 to vector<16xi32>
        %select_n3A_437 = arith.select %lt3A_420, %shift_right_arithmetic3A_431, %broadcast_in_dim3A_436 : vector<16xi1>, vector<16xi32>
        %swap3A_438 = arith.constant 80 : index
        %swap3A_439 = tpu.vector_load %arg13[%swap3A_438] {strides = array<i32>} : memref<128xi32, #tpu.memory_space<vmem>>, vector<16xi32>,
        tpu.vector_store %arg13[%swap3A_438], %select_n3A_437 {strides = array<i32>} : memref<128xi32, #tpu.memory_space<vmem>>, vector<16xi32>,
        %add3A_440 = arith.constant 4096 : i32
        %add3A_441 = vector.broadcast %add3A_440 : i32 to vector<16xi32>
        %add3A_442 = arith.addi %add3A_441, %iota3A : vector<16xi32>
        %select_n3A_443 = arith.select %lt3A_420, %and3A_434, %add3A_442 : vector<16xi1>, vector<16xi32>
        %swap3A_444 = arith.constant 80 : index
        %swap3A_445 = tpu.vector_load %arg14[%swap3A_444] {strides = array<i32>} : memref<128xi32, #tpu.memory_space<vmem>>, vector<16xi32>,
        tpu.vector_store %arg14[%swap3A_444], %select_n3A_443 {strides = array<i32>} : memref<128xi32, #tpu.memory_space<vmem>>, vector<16xi32>,
        %mul3A_446 = arith.constant 4096 : i32
        %mul3A_447 = arith.muli %scan3A_119, %mul3A_446 : i32
        %add3A_448 = vector.broadcast %mul3A_447 : i32 to vector<16xi32>
        %add3A_449 = arith.addi %add3A_448, %and3A_434 : vector<16xi32>
        %add3A_450 = arith.constant 131072 : i32
        %add3A_451 = vector.broadcast %add3A_450 : i32 to vector<16xi32>
        %add3A_452 = arith.addi %add3A_451, %iota3A : vector<16xi32>
        %select_n3A_453 = arith.select %lt3A_420, %add3A_449, %add3A_452 : vector<16xi1>, vector<16xi32>
        %swap3A_454 = arith.constant 80 : index
        %swap3A_455 = tpu.vector_load %arg15[%swap3A_454] {strides = array<i32>} : memref<128xi32, #tpu.memory_space<vmem>>, vector<16xi32>,
        tpu.vector_store %arg15[%swap3A_454], %select_n3A_453 {strides = array<i32>} : memref<128xi32, #tpu.memory_space<vmem>>, vector<16xi32>,
        %mul3A_456 = arith.constant 128 : i32
        %mul3A_457 = arith.muli %while3A_194, %mul3A_456 : i32
        %add3A_458 = arith.addi %reduce_sum3A_148, %mul3A_457 : i32
        %add3A_459 = arith.constant 96 : i32
        %add3A_460 = arith.addi %add3A_458, %add3A_459 : i32
        %add3A_461 = vector.broadcast %add3A_460 : i32 to vector<16xi32>
        %add3A_462 = arith.addi %add3A_461, %iota3A : vector<16xi32>
        %lt3A_463 = vector.broadcast %add3A_149 : i32 to vector<16xi32>
        %lt3A_464 = arith.cmpi slt, %add3A_462, %lt3A_463 : vector<16xi32>
        %sub3A_465 = arith.constant 1 : i32
        %sub3A_466 = arith.subi %add3A_149, %sub3A_465 : i32
        %min3A_467 = vector.broadcast %sub3A_466 : i32 to vector<16xi32>
        %min3A_468 = arith.minsi %add3A_462, %min3A_467 : vector<16xi32>
        %max3A_469 = arith.constant 0 : i32
        %max3A_470 = vector.broadcast %max3A_469 : i32 to vector<16xi32>
        %max3A_471 = arith.maxsi %min3A_468, %max3A_470 : vector<16xi32>
        %gather3A_472 = tpu.vector_load_idx %arg9[%max3A_471] : memref<6528xi32, #tpu.memory_space<vmem>>[vector<16xi32>], vector<16xi32>,
        %shift_right_arithmetic3A_473 = arith.constant 12 : i32
        %shift_right_arithmetic3A_474 = vector.broadcast %shift_right_arithmetic3A_473 : i32 to vector<16xi32>
        %shift_right_arithmetic3A_475 = arith.shrsi %gather3A_472, %shift_right_arithmetic3A_474 : vector<16xi32>
        %and3A_476 = arith.constant 4095 : i32
        %and3A_477 = vector.broadcast %and3A_476 : i32 to vector<16xi32>
        %and3A_478 = arith.andi %gather3A_472, %and3A_477 : vector<16xi32>
        %jit3A_479 = arith.constant 0 : i32
        %broadcast_in_dim3A_480 = vector.broadcast %jit3A_479 : i32 to vector<16xi32>
        %select_n3A_481 = arith.select %lt3A_464, %shift_right_arithmetic3A_475, %broadcast_in_dim3A_480 : vector<16xi1>, vector<16xi32>
        %swap3A_482 = arith.constant 96 : index
        %swap3A_483 = tpu.vector_load %arg13[%swap3A_482] {strides = array<i32>} : memref<128xi32, #tpu.memory_space<vmem>>, vector<16xi32>,
        tpu.vector_store %arg13[%swap3A_482], %select_n3A_481 {strides = array<i32>} : memref<128xi32, #tpu.memory_space<vmem>>, vector<16xi32>,
        %add3A_484 = arith.constant 4096 : i32
        %add3A_485 = vector.broadcast %add3A_484 : i32 to vector<16xi32>
        %add3A_486 = arith.addi %add3A_485, %iota3A : vector<16xi32>
        %select_n3A_487 = arith.select %lt3A_464, %and3A_478, %add3A_486 : vector<16xi1>, vector<16xi32>
        %swap3A_488 = arith.constant 96 : index
        %swap3A_489 = tpu.vector_load %arg14[%swap3A_488] {strides = array<i32>} : memref<128xi32, #tpu.memory_space<vmem>>, vector<16xi32>,
        tpu.vector_store %arg14[%swap3A_488], %select_n3A_487 {strides = array<i32>} : memref<128xi32, #tpu.memory_space<vmem>>, vector<16xi32>,
        %mul3A_490 = arith.constant 4096 : i32
        %mul3A_491 = arith.muli %scan3A_119, %mul3A_490 : i32
        %add3A_492 = vector.broadcast %mul3A_491 : i32 to vector<16xi32>
        %add3A_493 = arith.addi %add3A_492, %and3A_478 : vector<16xi32>
        %add3A_494 = arith.constant 131072 : i32
        %add3A_495 = vector.broadcast %add3A_494 : i32 to vector<16xi32>
        %add3A_496 = arith.addi %add3A_495, %iota3A : vector<16xi32>
        %select_n3A_497 = arith.select %lt3A_464, %add3A_493, %add3A_496 : vector<16xi1>, vector<16xi32>
        %swap3A_498 = arith.constant 96 : index
        %swap3A_499 = tpu.vector_load %arg15[%swap3A_498] {strides = array<i32>} : memref<128xi32, #tpu.memory_space<vmem>>, vector<16xi32>,
        tpu.vector_store %arg15[%swap3A_498], %select_n3A_497 {strides = array<i32>} : memref<128xi32, #tpu.memory_space<vmem>>, vector<16xi32>,
        %mul3A_500 = arith.constant 128 : i32
        %mul3A_501 = arith.muli %while3A_194, %mul3A_500 : i32
        %add3A_502 = arith.addi %reduce_sum3A_148, %mul3A_501 : i32
        %add3A_503 = arith.constant 112 : i32
        %add3A_504 = arith.addi %add3A_502, %add3A_503 : i32
        %add3A_505 = vector.broadcast %add3A_504 : i32 to vector<16xi32>
        %add3A_506 = arith.addi %add3A_505, %iota3A : vector<16xi32>
        %lt3A_507 = vector.broadcast %add3A_149 : i32 to vector<16xi32>
        %lt3A_508 = arith.cmpi slt, %add3A_506, %lt3A_507 : vector<16xi32>
        %sub3A_509 = arith.constant 1 : i32
        %sub3A_510 = arith.subi %add3A_149, %sub3A_509 : i32
        %min3A_511 = vector.broadcast %sub3A_510 : i32 to vector<16xi32>
        %min3A_512 = arith.minsi %add3A_506, %min3A_511 : vector<16xi32>
        %max3A_513 = arith.constant 0 : i32
        %max3A_514 = vector.broadcast %max3A_513 : i32 to vector<16xi32>
        %max3A_515 = arith.maxsi %min3A_512, %max3A_514 : vector<16xi32>
        %gather3A_516 = tpu.vector_load_idx %arg9[%max3A_515] : memref<6528xi32, #tpu.memory_space<vmem>>[vector<16xi32>], vector<16xi32>,
        %shift_right_arithmetic3A_517 = arith.constant 12 : i32
        %shift_right_arithmetic3A_518 = vector.broadcast %shift_right_arithmetic3A_517 : i32 to vector<16xi32>
        %shift_right_arithmetic3A_519 = arith.shrsi %gather3A_516, %shift_right_arithmetic3A_518 : vector<16xi32>
        %and3A_520 = arith.constant 4095 : i32
        %and3A_521 = vector.broadcast %and3A_520 : i32 to vector<16xi32>
        %and3A_522 = arith.andi %gather3A_516, %and3A_521 : vector<16xi32>
        %jit3A_523 = arith.constant 0 : i32
        %broadcast_in_dim3A_524 = vector.broadcast %jit3A_523 : i32 to vector<16xi32>
        %select_n3A_525 = arith.select %lt3A_508, %shift_right_arithmetic3A_519, %broadcast_in_dim3A_524 : vector<16xi1>, vector<16xi32>
        %swap3A_526 = arith.constant 112 : index
        %swap3A_527 = tpu.vector_load %arg13[%swap3A_526] {strides = array<i32>} : memref<128xi32, #tpu.memory_space<vmem>>, vector<16xi32>,
        tpu.vector_store %arg13[%swap3A_526], %select_n3A_525 {strides = array<i32>} : memref<128xi32, #tpu.memory_space<vmem>>, vector<16xi32>,
        %add3A_528 = arith.constant 4096 : i32
        %add3A_529 = vector.broadcast %add3A_528 : i32 to vector<16xi32>
        %add3A_530 = arith.addi %add3A_529, %iota3A : vector<16xi32>
        %select_n3A_531 = arith.select %lt3A_508, %and3A_522, %add3A_530 : vector<16xi1>, vector<16xi32>
        %swap3A_532 = arith.constant 112 : index
        %swap3A_533 = tpu.vector_load %arg14[%swap3A_532] {strides = array<i32>} : memref<128xi32, #tpu.memory_space<vmem>>, vector<16xi32>,
        tpu.vector_store %arg14[%swap3A_532], %select_n3A_531 {strides = array<i32>} : memref<128xi32, #tpu.memory_space<vmem>>, vector<16xi32>,
        %mul3A_534 = arith.constant 4096 : i32
        %mul3A_535 = arith.muli %scan3A_119, %mul3A_534 : i32
        %add3A_536 = vector.broadcast %mul3A_535 : i32 to vector<16xi32>
        %add3A_537 = arith.addi %add3A_536, %and3A_522 : vector<16xi32>
        %add3A_538 = arith.constant 131072 : i32
        %add3A_539 = vector.broadcast %add3A_538 : i32 to vector<16xi32>
        %add3A_540 = arith.addi %add3A_539, %iota3A : vector<16xi32>
        %select_n3A_541 = arith.select %lt3A_508, %add3A_537, %add3A_540 : vector<16xi1>, vector<16xi32>
        %swap3A_542 = arith.constant 112 : index
        %swap3A_543 = tpu.vector_load %arg15[%swap3A_542] {strides = array<i32>} : memref<128xi32, #tpu.memory_space<vmem>>, vector<16xi32>,
        tpu.vector_store %arg15[%swap3A_542], %select_n3A_541 {strides = array<i32>} : memref<128xi32, #tpu.memory_space<vmem>>, vector<16xi32>,
        "tpu.region"() ({
          %run_scoped3A = tpu.sem_alloc : memref<!tpu.dma_semaphore, #tpu.memory_space<semaphore_mem>>
          %dma_start3A = arith.constant 0 : i32
          %dma_start3A_545 = arith.constant 0 : i32
          %dma_start3A_546 = tpu.memref_slice %arg3[%dma_start3A, %dma_start3A_545] : memref<100000x128xf32, #tpu.memory_space<hbm>> -> memref<100000x128xf32, #tpu.memory_space<hbm>>
          tpu.enqueue_indirect_dma source(%dma_start3A_546 : memref<100000x128xf32, #tpu.memory_space<hbm>>) target(%arg16 : memref<128x128xf32, #tpu.memory_space<vmem>>) offsets(%arg13 : memref<128xi32, #tpu.memory_space<vmem>>) semaphore(%run_scoped3A : memref<!tpu.dma_semaphore, #tpu.memory_space<semaphore_mem>>)
          %dma_wait3A = arith.constant 0 : i32
          %dma_wait3A_547 = arith.constant 0 : i32
          %dma_wait3A_548 = tpu.memref_slice %arg3[%dma_wait3A, %dma_wait3A_547] : memref<100000x128xf32, #tpu.memory_space<hbm>> -> memref<100000x128xf32, #tpu.memory_space<hbm>>
          tpu.wait_indirect_dma semaphore(%run_scoped3A : memref<!tpu.dma_semaphore, #tpu.memory_space<semaphore_mem>>) src(%dma_wait3A_548 : memref<100000x128xf32, #tpu.memory_space<hbm>>) dst(%arg16 : memref<128x128xf32, #tpu.memory_space<vmem>>)
          tpu.yield
        }) : () -> ()
        "tpu.region"() ({
          %run_scoped3A = tpu.sem_alloc : memref<!tpu.dma_semaphore, #tpu.memory_space<semaphore_mem>>
          %dma_start3A = arith.constant 0 : i32
          %dma_start3A_545 = arith.constant 0 : i32
          %dma_start3A_546 = tpu.memref_slice %arg20[%dma_start3A, %dma_start3A_545] : memref<4224x128xf32, #tpu.memory_space<vmem_shared>> -> memref<4224x128xf32, #tpu.memory_space<vmem_shared>>
          tpu.enqueue_indirect_dma source(%arg16 : memref<128x128xf32, #tpu.memory_space<vmem>>) target(%dma_start3A_546 : memref<4224x128xf32, #tpu.memory_space<vmem_shared>>) offsets(%arg14 : memref<128xi32, #tpu.memory_space<vmem>>) semaphore(%run_scoped3A : memref<!tpu.dma_semaphore, #tpu.memory_space<semaphore_mem>>) {add = true}
          %dma_wait3A = arith.constant 0 : i32
          %dma_wait3A_547 = arith.constant 0 : i32
          %dma_wait3A_548 = tpu.memref_slice %arg20[%dma_wait3A, %dma_wait3A_547] : memref<4224x128xf32, #tpu.memory_space<vmem_shared>> -> memref<4224x128xf32, #tpu.memory_space<vmem_shared>>
          tpu.wait_indirect_dma semaphore(%run_scoped3A : memref<!tpu.dma_semaphore, #tpu.memory_space<semaphore_mem>>) src(%arg16 : memref<128x128xf32, #tpu.memory_space<vmem>>) dst(%dma_wait3A_548 : memref<4224x128xf32, #tpu.memory_space<vmem_shared>>)
          tpu.yield
        }) : () -> ()
        "tpu.region"() ({
          %run_scoped3A = tpu.sem_alloc : memref<!tpu.dma_semaphore, #tpu.memory_space<semaphore_mem>>
          %dma_start3A = arith.constant 0 : i32
          %dma_start3A_545 = tpu.memref_slice %arg21[%dma_start3A] : memref<131200xf32, #tpu.memory_space<vmem_shared>> -> memref<131200xf32, #tpu.memory_space<vmem_shared>>
          tpu.enqueue_indirect_dma source(%arg17 : memref<128xf32, #tpu.memory_space<vmem>>) target(%dma_start3A_545 : memref<131200xf32, #tpu.memory_space<vmem_shared>>) offsets(%arg15 : memref<128xi32, #tpu.memory_space<vmem>>) semaphore(%run_scoped3A : memref<!tpu.dma_semaphore, #tpu.memory_space<semaphore_mem>>) {add = true}
          %dma_wait3A = arith.constant 0 : i32
          %dma_wait3A_546 = tpu.memref_slice %arg21[%dma_wait3A] : memref<131200xf32, #tpu.memory_space<vmem_shared>> -> memref<131200xf32, #tpu.memory_space<vmem_shared>>
          tpu.wait_indirect_dma semaphore(%run_scoped3A : memref<!tpu.dma_semaphore, #tpu.memory_space<semaphore_mem>>) src(%arg17 : memref<128xf32, #tpu.memory_space<vmem>>) dst(%dma_wait3A_546 : memref<131200xf32, #tpu.memory_space<vmem_shared>>)
          tpu.yield
        }) : () -> ()
        %while3A_544 = arith.constant 0 : i32
        scf.yield %while3A_544 : i32
      }
      %barrier3A_185 = arith.constant 0 : index
      tpu.barrier barrier_id(%barrier3A_185)
      %mul3A_186 = arith.constant 256 : i32
      %mul3A_187 = arith.muli %arg1, %mul3A_186 : i32
      %add3A_188 = arith.addi %mul3A_54, %scan3A_119 : i32
      %mul3A_189 = arith.constant 4096 : i32
      %mul3A_190 = arith.muli %add3A_188, %mul3A_189 : i32
      %add3A_191 = arith.addi %mul3A_190, %mul3A_187 : i32
      "tpu.region"() ({
        %run_scoped3A = tpu.sem_alloc : memref<!tpu.dma_semaphore, #tpu.memory_space<semaphore_mem>>
        %dma_start3A = arith.constant 0 : i32
        %dma_start3A_194 = tpu.memref_slice %arg6[%add3A_191, %dma_start3A] : memref<262144x128xf32, #tpu.memory_space<hbm>> -> memref<256x128xf32, #tpu.memory_space<hbm>>
        %dma_start3A_195 = arith.constant 0 : i32
        %dma_start3A_196 = tpu.memref_slice %arg20[%mul3A_187, %dma_start3A_195] : memref<4224x128xf32, #tpu.memory_space<vmem_shared>> -> memref<256x128xf32, #tpu.memory_space<vmem_shared>>
        tpu.enqueue_dma source(%dma_start3A_196 : memref<256x128xf32, #tpu.memory_space<vmem_shared>>) target(%dma_start3A_194 : memref<256x128xf32, #tpu.memory_space<hbm>>) target_semaphore(%run_scoped3A : memref<!tpu.dma_semaphore, #tpu.memory_space<semaphore_mem>>)
        %dma_wait3A = arith.constant 0 : i32
        %dma_wait3A_197 = tpu.memref_slice %arg6[%add3A_191, %dma_wait3A] : memref<262144x128xf32, #tpu.memory_space<hbm>> -> memref<256x128xf32, #tpu.memory_space<hbm>>
        %dma_wait3A_198 = arith.constant 0 : i32
        %dma_wait3A_199 = tpu.memref_slice %arg20[%mul3A_187, %dma_wait3A_198] : memref<4224x128xf32, #tpu.memory_space<vmem_shared>> -> memref<256x128xf32, #tpu.memory_space<vmem_shared>>
        tpu.wait_dma2 semaphore(%run_scoped3A : memref<!tpu.dma_semaphore, #tpu.memory_space<semaphore_mem>>) src(%dma_wait3A_199 : memref<256x128xf32, #tpu.memory_space<vmem_shared>>) dst(%dma_wait3A_197 : memref<256x128xf32, #tpu.memory_space<hbm>>)
        tpu.yield
      }) : () -> ()
      "tpu.region"() ({
        %run_scoped3A = tpu.sem_alloc : memref<!tpu.dma_semaphore, #tpu.memory_space<semaphore_mem>>
        %dma_start3A = arith.constant 0 : i32
        %dma_start3A_194 = tpu.memref_slice %arg20[%mul3A_187, %dma_start3A] : memref<4224x128xf32, #tpu.memory_space<vmem_shared>> -> memref<256x128xf32, #tpu.memory_space<vmem_shared>>
        %dma_start3A_195 = arith.constant 0 : i32
        %dma_start3A_196 = tpu.memref_slice %arg20[%mul3A_187, %dma_start3A_195] : memref<4224x128xf32, #tpu.memory_space<vmem_shared>> -> memref<256x128xf32, #tpu.memory_space<vmem_shared>>
        tpu.enqueue_dma source(%arg18 : memref<256x128xf32, #tpu.memory_space<vmem>>) target(%dma_start3A_196 : memref<256x128xf32, #tpu.memory_space<vmem_shared>>) target_semaphore(%run_scoped3A : memref<!tpu.dma_semaphore, #tpu.memory_space<semaphore_mem>>)
        %dma_wait3A = arith.constant 0 : i32
        %dma_wait3A_197 = tpu.memref_slice %arg20[%mul3A_187, %dma_wait3A] : memref<4224x128xf32, #tpu.memory_space<vmem_shared>> -> memref<256x128xf32, #tpu.memory_space<vmem_shared>>
        %dma_wait3A_198 = arith.constant 0 : i32
        %dma_wait3A_199 = tpu.memref_slice %arg20[%mul3A_187, %dma_wait3A_198] : memref<4224x128xf32, #tpu.memory_space<vmem_shared>> -> memref<256x128xf32, #tpu.memory_space<vmem_shared>>
        tpu.wait_dma2 semaphore(%run_scoped3A : memref<!tpu.dma_semaphore, #tpu.memory_space<semaphore_mem>>) src(%arg18 : memref<256x128xf32, #tpu.memory_space<vmem>>) dst(%dma_wait3A_199 : memref<256x128xf32, #tpu.memory_space<vmem_shared>>)
        tpu.yield
      }) : () -> ()
      %barrier3A_192 = arith.constant 0 : index
      tpu.barrier barrier_id(%barrier3A_192)
      %scan3A_193 = arith.constant 0 : i32
      scf.yield %scan3A_193 : i32
    }
    %scan3A_109 = arith.constant 32 : i32
    %mul3A_110 = arith.constant 8192 : i32
    %mul3A_111 = arith.muli %arg1, %mul3A_110 : i32
    %mul3A_112 = arith.constant 32 : i32
    %mul3A_113 = arith.muli %arg0, %mul3A_112 : i32
    %mul3A_114 = arith.constant 4096 : i32
    %mul3A_115 = arith.muli %mul3A_113, %mul3A_114 : i32
    %mul3A_116 = arith.constant 8192 : i32
    %mul3A_117 = arith.muli %arg1, %mul3A_116 : i32
    %add3A_118 = arith.addi %mul3A_115, %mul3A_117 : i32
    "tpu.region"() ({
      %run_scoped3A = tpu.sem_alloc : memref<!tpu.dma_semaphore, #tpu.memory_space<semaphore_mem>>
      %dma_start3A = tpu.memref_slice %arg7[%add3A_118] : memref<262144xf32, #tpu.memory_space<hbm>> -> memref<8192xf32, #tpu.memory_space<hbm>>
      %dma_start3A_119 = tpu.memref_slice %arg21[%mul3A_111] : memref<131200xf32, #tpu.memory_space<vmem_shared>> -> memref<8192xf32, #tpu.memory_space<vmem_shared>>
      tpu.enqueue_dma source(%dma_start3A_119 : memref<8192xf32, #tpu.memory_space<vmem_shared>>) target(%dma_start3A : memref<8192xf32, #tpu.memory_space<hbm>>) target_semaphore(%run_scoped3A : memref<!tpu.dma_semaphore, #tpu.memory_space<semaphore_mem>>)
      %dma_wait3A = tpu.memref_slice %arg7[%add3A_118] : memref<262144xf32, #tpu.memory_space<hbm>> -> memref<8192xf32, #tpu.memory_space<hbm>>
      %dma_wait3A_120 = tpu.memref_slice %arg21[%mul3A_111] : memref<131200xf32, #tpu.memory_space<vmem_shared>> -> memref<8192xf32, #tpu.memory_space<vmem_shared>>
      tpu.wait_dma2 semaphore(%run_scoped3A : memref<!tpu.dma_semaphore, #tpu.memory_space<semaphore_mem>>) src(%dma_wait3A_120 : memref<8192xf32, #tpu.memory_space<vmem_shared>>) dst(%dma_wait3A : memref<8192xf32, #tpu.memory_space<hbm>>)
      tpu.yield
    }) : () -> ()
    return
  }
}

module attributes {stable_mosaic.version = 14 : i64} {
  func.func @_k1_body(%arg0: i32, %arg1: memref<2000x132xf32, #tpu.memory_space<vmem>>, %arg2: memref<128x128xf32, #tpu.memory_space<vmem>>, %arg3: memref<2000x1xi32, #tpu.memory_space<vmem>>, %arg4: memref<2000x128xf32, #tpu.memory_space<vmem>>) attributes {dimension_semantics = [#tpu.dimension_semantics<arbitrary>], iteration_bounds = array<i64: 50>, scalar_prefetch = 0 : i64, scratch_operands = 0 : i64, tpu.core_type = #tpu.core_type<tc>, window_params = [{transform_indices = @transform_0, window_bounds = array<i64: 2000, 132>}, {pipeline_mode = #tpu.pipeline_mode<synchronous>, transform_indices = @transform_1, window_bounds = array<i64: 128, 128>}, {transform_indices = @transform_2, window_bounds = array<i64: 2000, 1>}, {transform_indices = @transform_3, window_bounds = array<i64: 2000, 128>}]} {
    %get3A = arith.constant 0 : index
    %get3A_0 = arith.constant 0 : index
    %get3A_1 = vector.load %arg1[%get3A, %get3A_0] : memref<2000x132xf32, #tpu.memory_space<vmem>>, vector<2000x132xf32>
    %slice3A = vector.extract_strided_slice %get3A_1 {offsets = [0, 0], sizes = [2000, 1], strides = [1, 1]} : vector<2000x132xf32> to vector<2000x1xf32>
    %jit3A = arith.constant 0.000000e+00 : f32
    %jit3A_2 = arith.constant 6.300000e+01 : f32
    %max3A = vector.broadcast %jit3A : f32 to vector<2000x1xf32>
    %max3A_3 = arith.maximumf %max3A, %slice3A : vector<2000x1xf32>
    %min3A = vector.broadcast %jit3A_2 : f32 to vector<2000x1xf32>
    %min3A_4 = arith.minimumf %min3A, %max3A_3 : vector<2000x1xf32>
    %slice3A_5 = vector.extract_strided_slice %get3A_1 {offsets = [0, 1], sizes = [2000, 1], strides = [1, 1]} : vector<2000x132xf32> to vector<2000x1xf32>
    %jit3A_6 = arith.constant 0.000000e+00 : f32
    %jit3A_7 = arith.constant 6.300000e+01 : f32
    %max3A_8 = vector.broadcast %jit3A_6 : f32 to vector<2000x1xf32>
    %max3A_9 = arith.maximumf %max3A_8, %slice3A_5 : vector<2000x1xf32>
    %min3A_10 = vector.broadcast %jit3A_7 : f32 to vector<2000x1xf32>
    %min3A_11 = arith.minimumf %min3A_10, %max3A_9 : vector<2000x1xf32>
    %slice3A_12 = vector.extract_strided_slice %get3A_1 {offsets = [0, 2], sizes = [2000, 1], strides = [1, 1]} : vector<2000x132xf32> to vector<2000x1xf32>
    %jit3A_13 = arith.constant 0.000000e+00 : f32
    %jit3A_14 = arith.constant 6.300000e+01 : f32
    %max3A_15 = vector.broadcast %jit3A_13 : f32 to vector<2000x1xf32>
    %max3A_16 = arith.maximumf %max3A_15, %slice3A_12 : vector<2000x1xf32>
    %min3A_17 = vector.broadcast %jit3A_14 : f32 to vector<2000x1xf32>
    %min3A_18 = arith.minimumf %min3A_17, %max3A_16 : vector<2000x1xf32>
    %mul3A = arith.constant 6.400000e+01 : f32
    %mul3A_19 = vector.broadcast %mul3A : f32 to vector<2000x1xf32>
    %mul3A_20 = arith.mulf %min3A_4, %mul3A_19 : vector<2000x1xf32>
    %add3A = arith.addf %mul3A_20, %min3A_11 : vector<2000x1xf32>
    %mul3A_21 = arith.constant 6.400000e+01 : f32
    %mul3A_22 = vector.broadcast %mul3A_21 : f32 to vector<2000x1xf32>
    %mul3A_23 = arith.mulf %add3A, %mul3A_22 : vector<2000x1xf32>
    %add3A_24 = arith.addf %mul3A_23, %min3A_18 : vector<2000x1xf32>
    %convert_element_type3A = arith.fptosi %add3A_24 : vector<2000x1xf32> to vector<2000x1xi32>
    %swap3A = arith.constant 0 : index
    %swap3A_25 = arith.constant 0 : index
    %swap3A_26 = vector.load %arg3[%swap3A, %swap3A_25] : memref<2000x1xi32, #tpu.memory_space<vmem>>, vector<2000x1xi32>
    tpu.vector_store %arg3[%swap3A, %swap3A_25], %convert_element_type3A {strides = array<i32>} : memref<2000x1xi32, #tpu.memory_space<vmem>>, vector<2000x1xi32>,
    %slice3A_27 = vector.extract_strided_slice %get3A_1 {offsets = [0, 4], sizes = [2000, 128], strides = [1, 1]} : vector<2000x132xf32> to vector<2000x128xf32>
    %get3A_28 = arith.constant 0 : index
    %get3A_29 = arith.constant 0 : index
    %get3A_30 = vector.load %arg2[%get3A_28, %get3A_29] : memref<128x128xf32, #tpu.memory_space<vmem>>, vector<128x128xf32>
    %dot_general3A = arith.constant dense<0.000000e+00> : vector<2000x128xf32>
    %dot_general3A_31 = tpu.matmul %slice3A_27, %get3A_30, %dot_general3A {dimension_numbers = #tpu.dot_dimension_numbers<[1], [0], [0], [1], [0, 0, 1, 1], [], []>, transpose_lhs_hint = false} : vector<2000x128xf32>, vector<128x128xf32>, vector<2000x128xf32> -> vector<2000x128xf32>
    %swap3A_32 = arith.constant 0 : index
    %swap3A_33 = arith.constant 0 : index
    %swap3A_34 = vector.load %arg4[%swap3A_32, %swap3A_33] : memref<2000x128xf32, #tpu.memory_space<vmem>>, vector<2000x128xf32>
    tpu.vector_store %arg4[%swap3A_32, %swap3A_33], %dot_general3A_31 {strides = array<i32>} : memref<2000x128xf32, #tpu.memory_space<vmem>>, vector<2000x128xf32>,
    return
  }
  func.func @transform_0(%arg0: i32) -> (i32, i32) {
    %c0_i32 = arith.constant 0 : i32
    %c0_i32_0 = arith.constant 0 : i32
    return %arg0, %c0_i32 : i32, i32
  }
  func.func @transform_1(%arg0: i32) -> (i32, i32) {
    %c0_i32 = arith.constant 0 : i32
    %c0_i32_0 = arith.constant 0 : i32
    %c0_i32_1 = arith.constant 0 : i32
    return %c0_i32, %c0_i32_0 : i32, i32
  }
  func.func @transform_2(%arg0: i32) -> (i32, i32) {
    %c0_i32 = arith.constant 0 : i32
    %c0_i32_0 = arith.constant 0 : i32
    return %arg0, %c0_i32 : i32, i32
  }
  func.func @transform_3(%arg0: i32) -> (i32, i32) {
    %c0_i32 = arith.constant 0 : i32
    %c0_i32_0 = arith.constant 0 : i32
    return %arg0, %c0_i32 : i32, i32
  }
}

module attributes {stable_mosaic.version = 14 : i64} {
  func.func @_k4_body(%arg0: i32, %arg1: memref<2048x128xf32, #tpu.memory_space<vmem>>, %arg2: memref<2048x1xf32, #tpu.memory_space<vmem>>, %arg3: memref<1x128xf32, #tpu.memory_space<vmem>>, %arg4: memref<128x128xf32, #tpu.memory_space<vmem>>, %arg5: memref<1x128xf32, #tpu.memory_space<vmem>>, %arg6: memref<128x1xf32, #tpu.memory_space<vmem>>, %arg7: memref<1x1xf32, #tpu.memory_space<vmem>>, %arg8: memref<2048x1xf32, #tpu.memory_space<vmem>>) attributes {dimension_semantics = [#tpu.dimension_semantics<arbitrary>], iteration_bounds = array<i64: 128>, scalar_prefetch = 0 : i64, scratch_operands = 0 : i64, tpu.core_type = #tpu.core_type<tc>, window_params = [{transform_indices = @transform_0, window_bounds = array<i64: 2048, 128>}, {transform_indices = @transform_1, window_bounds = array<i64: 2048, 1>}, {pipeline_mode = #tpu.pipeline_mode<synchronous>, transform_indices = @transform_2, window_bounds = array<i64: 1, 128>}, {pipeline_mode = #tpu.pipeline_mode<synchronous>, transform_indices = @transform_3, window_bounds = array<i64: 128, 128>}, {pipeline_mode = #tpu.pipeline_mode<synchronous>, transform_indices = @transform_4, window_bounds = array<i64: 1, 128>}, {pipeline_mode = #tpu.pipeline_mode<synchronous>, transform_indices = @transform_5, window_bounds = array<i64: 128, 1>}, {pipeline_mode = #tpu.pipeline_mode<synchronous>, transform_indices = @transform_6, window_bounds = array<i64: 1, 1>}, {transform_indices = @transform_7, window_bounds = array<i64: 2048, 1>}]} {
    %get3A = arith.constant 0 : index
    %get3A_0 = arith.constant 0 : index
    %get3A_1 = vector.load %arg2[%get3A, %get3A_0] : memref<2048x1xf32, #tpu.memory_space<vmem>>, vector<2048x1xf32>
    %max3A = arith.constant 1.000000e+00 : f32
    %max3A_2 = vector.broadcast %max3A : f32 to vector<2048x1xf32>
    %max3A_3 = arith.maximumf %get3A_1, %max3A_2 : vector<2048x1xf32>
    %get3A_4 = arith.constant 0 : index
    %get3A_5 = arith.constant 0 : index
    %get3A_6 = vector.load %arg1[%get3A_4, %get3A_5] : memref<2048x128xf32, #tpu.memory_space<vmem>>, vector<2048x128xf32>
    %div3A = vector.broadcast %max3A_3 : vector<2048x1xf32> to vector<2048x128xf32>
    %div3A_7 = arith.divf %get3A_6, %div3A : vector<2048x128xf32>
    %get3A_8 = arith.constant 0 : index
    %get3A_9 = arith.constant 0 : index
    %get3A_10 = vector.load %arg3[%get3A_8, %get3A_9] : memref<1x128xf32, #tpu.memory_space<vmem>>, vector<1x128xf32>
    %add3A = vector.broadcast %get3A_10 : vector<1x128xf32> to vector<2048x128xf32>
    %add3A_11 = arith.addf %div3A_7, %add3A : vector<2048x128xf32>
    %max3A_12 = arith.constant 0.000000e+00 : f32
    %max3A_13 = vector.broadcast %max3A_12 : f32 to vector<2048x128xf32>
    %max3A_14 = arith.maximumf %add3A_11, %max3A_13 : vector<2048x128xf32>
    %get3A_15 = arith.constant 0 : index
    %get3A_16 = arith.constant 0 : index
    %get3A_17 = vector.load %arg4[%get3A_15, %get3A_16] : memref<128x128xf32, #tpu.memory_space<vmem>>, vector<128x128xf32>
    %dot_general3A = arith.constant dense<0.000000e+00> : vector<2048x128xf32>
    %dot_general3A_18 = tpu.matmul %max3A_14, %get3A_17, %dot_general3A {dimension_numbers = #tpu.dot_dimension_numbers<[1], [0], [0], [1], [0, 0, 1, 1], [], []>, transpose_lhs_hint = false} : vector<2048x128xf32>, vector<128x128xf32>, vector<2048x128xf32> -> vector<2048x128xf32>
    %get3A_19 = arith.constant 0 : index
    %get3A_20 = arith.constant 0 : index
    %get3A_21 = vector.load %arg5[%get3A_19, %get3A_20] : memref<1x128xf32, #tpu.memory_space<vmem>>, vector<1x128xf32>
    %add3A_22 = vector.broadcast %get3A_21 : vector<1x128xf32> to vector<2048x128xf32>
    %add3A_23 = arith.addf %dot_general3A_18, %add3A_22 : vector<2048x128xf32>
    %max3A_24 = arith.constant 0.000000e+00 : f32
    %max3A_25 = vector.broadcast %max3A_24 : f32 to vector<2048x128xf32>
    %max3A_26 = arith.maximumf %add3A_23, %max3A_25 : vector<2048x128xf32>
    %get3A_27 = arith.constant 0 : index
    %get3A_28 = arith.constant 0 : index
    %get3A_29 = vector.load %arg6[%get3A_27, %get3A_28] : memref<128x1xf32, #tpu.memory_space<vmem>>, vector<128x1xf32>
    %dot_general3A_30 = arith.constant dense<0.000000e+00> : vector<2048x1xf32>
    %dot_general3A_31 = tpu.matmul %max3A_26, %get3A_29, %dot_general3A_30 {dimension_numbers = #tpu.dot_dimension_numbers<[1], [0], [0], [1], [0, 0, 1, 1], [], []>, transpose_lhs_hint = false} : vector<2048x128xf32>, vector<128x1xf32>, vector<2048x1xf32> -> vector<2048x1xf32>
    %get3A_32 = arith.constant 0 : index
    %get3A_33 = arith.constant 0 : index
    %get3A_34 = vector.load %arg7[%get3A_32, %get3A_33] : memref<1x1xf32, #tpu.memory_space<vmem>>, vector<1x1xf32>
    %add3A_35 = vector.broadcast %get3A_34 : vector<1x1xf32> to vector<2048x1xf32>
    %add3A_36 = arith.addf %dot_general3A_31, %add3A_35 : vector<2048x1xf32>
    %swap3A = arith.constant 0 : index
    %swap3A_37 = arith.constant 0 : index
    %swap3A_38 = vector.load %arg8[%swap3A, %swap3A_37] : memref<2048x1xf32, #tpu.memory_space<vmem>>, vector<2048x1xf32>
    tpu.vector_store %arg8[%swap3A, %swap3A_37], %add3A_36 {strides = array<i32>} : memref<2048x1xf32, #tpu.memory_space<vmem>>, vector<2048x1xf32>,
    return
  }
  func.func @transform_0(%arg0: i32) -> (i32, i32) {
    %c0_i32 = arith.constant 0 : i32
    %c0_i32_0 = arith.constant 0 : i32
    return %arg0, %c0_i32 : i32, i32
  }
  func.func @transform_1(%arg0: i32) -> (i32, i32) {
    %c0_i32 = arith.constant 0 : i32
    %c0_i32_0 = arith.constant 0 : i32
    return %arg0, %c0_i32 : i32, i32
  }
  func.func @transform_2(%arg0: i32) -> (i32, i32) {
    %c0_i32 = arith.constant 0 : i32
    %c0_i32_0 = arith.constant 0 : i32
    %c0_i32_1 = arith.constant 0 : i32
    return %c0_i32, %c0_i32_0 : i32, i32
  }
  func.func @transform_3(%arg0: i32) -> (i32, i32) {
    %c0_i32 = arith.constant 0 : i32
    %c0_i32_0 = arith.constant 0 : i32
    %c0_i32_1 = arith.constant 0 : i32
    return %c0_i32, %c0_i32_0 : i32, i32
  }
  func.func @transform_4(%arg0: i32) -> (i32, i32) {
    %c0_i32 = arith.constant 0 : i32
    %c0_i32_0 = arith.constant 0 : i32
    %c0_i32_1 = arith.constant 0 : i32
    return %c0_i32, %c0_i32_0 : i32, i32
  }
  func.func @transform_5(%arg0: i32) -> (i32, i32) {
    %c0_i32 = arith.constant 0 : i32
    %c0_i32_0 = arith.constant 0 : i32
    %c0_i32_1 = arith.constant 0 : i32
    return %c0_i32, %c0_i32_0 : i32, i32
  }
  func.func @transform_6(%arg0: i32) -> (i32, i32) {
    %c0_i32 = arith.constant 0 : i32
    %c0_i32_0 = arith.constant 0 : i32
    %c0_i32_1 = arith.constant 0 : i32
    return %c0_i32, %c0_i32_0 : i32, i32
  }
  func.func @transform_7(%arg0: i32) -> (i32, i32) {
    %c0_i32 = arith.constant 0 : i32
    %c0_i32_0 = arith.constant 0 : i32
    return %arg0, %c0_i32 : i32, i32
  }
}

</mosaic_0001>

<sc_bundles>
// kernel: kernel.6.cloned.1.call-start
scs
__scs_entry_jumppad:
0x0: {  	(pc) =	sbr.rel $0x88, $3  }
0x1: {  	(tag) =	ssettag $0x0;
	lr =	simm.s32 $0x1  }
0x2: {  	[smem:$0x3F9A] =	sst lr;
	_ =	strace $0xD0000000  }
0x3: {  	_ = 	snop  }
0x4: {  	_ = 	snop  }
0x5: {  	_ = 	snop  }
0x6: {  	_ = 	snop  }
0x7: {  	_ = 	snop  }
__scs_overlays_trampoline_lowered:
0x8: {  	[smem:$0x3FA9] =	sst s0  }
0x9: {  	[smem:$0x3FAA] =	sst s1  }
0xa: {  	[smem:$0x3FAB] =	sst s2  }
0xb: {  	[smem:$0x3FAC] =	sst s3  }
0xc: {  	[smem:$0x3FAD] =	sst s4  }
0xd: {  	[smem:$0x3FAE] =	sst s5  }
0xe: {  	[smem:$0x3FAF] =	sst s6  }
0xf: {  	[smem:$0x3FB0] =	sst s7  }
0x10: {  	[smem:$0x3FB1] =	sst s8  }
0x11: {  	[smem:$0x3FB2] =	sst s9;
	s0 =	simm.s32 @!p0 $0x0  }
0x12: {  	s1 =	sld [smem:$0x3F98];
	s0 =	simm.s32 @p0 $0x1  }
0x13: {  	[smem:$0x3FB3] =	sst s0;
	s0 =	simm.s32 @!p1 $0x0  }
0x14: {  	s2 =	sld [smem:$0x3F97];
	s0 =	simm.s32 @p1 $0x1  }
0x15: {  	[smem:$0x3FB4] =	sst s0;
	s0 =	simm.s32 @!p2 $0x0  }
0x16: {  	s3 =	sld [smem:$0x3FDB];
	s0 =	simm.s32 @p2 $0x1  }
0x17: {  	s4 =	simm.s32 $0x1BF5;
	[smem:$0x3FB6] =	sst s0  }
0x18: {  	s0 =	sld [smem:$0x3F99];
	_ =	swait.ge [sflag:s4], $0x0  }
0x19: {  	s7 =	sld [smem:$0x3F9A]  }
0x1a: {  	s8 =	sadd.s32 $0xFFFFE003, lr  }
0x1b: {  	s9 =	sadd.s32 $0xFFFFFEF7, lr;
	s5 =	simm.s32 $0xFFFFFFFF;
	p2 =	slt.u32 s8, $0xFFFFF086  }
0x1c: {  	p1 =	slt.u32 s9, $0xF7A;
	s5 =	simm.s32 @!p2 $0x0  }
0x1d: {  	s5 =	simm.s32 @p1 $0x1;
	p0 =	seq.s32 s7, s2  }
0x1e: {  	s7 =	smul.u32 @!p0 $0xF7A, s2;
	p2 =	seq.s32 @!p0 s5, $0x0  }
0x1f: {  	s9 =	smul.u32 $0xF7A, s1;
	s8 =	simm.s32 @!p0 $0x1BF5;
	p2 =	por !p2, p0  }
0x20: {  	[sflag:s8] =	ssyncset.s32 @!p0 $0xFFFFF086;
	s6 =	sadd.s32 @!p0 s3, s7;
	s7 =	simm.s32 @!p0 $0x108  }
0x21: {  	s3 =	sadd.s32 s3, s9;
	s6 =	sadd.s32 @!p0 $0x88, s6;
	s7 =	simm.s32 @p2 $0x1082  }
0x22: {  	[simem:s7], [sflag:s8] =	dma.local @!p0 [hbm:s6], $0xF7A  }
0x23: {  	s9 =	sor.u32 $0xD0000000, s2;
	s6 =	simm.s32 $0x108;
	_ =	swait.ge @!p0 [sflag:s8], $0x0  }
0x24: {  	s3 =	sadd.s32 $0x88, s3;
	s6 =	simm.s32 @!p1 $0x1082;
	[sflag:s4] =	ssyncset.s32 $0xFFFFF086  }
0x25: {  	[simem:s6], [sflag:s4] =	dma.local [hbm:s3], $0xF7A  }
0x26: {  	[smem:$0x3F9A] =	sst s1;
	(tag) =	ssettag s2;
	_ =	strace s9  }
0x27: {  	s1 =	sld [smem:$0x3FAA]  }
0x28: {  	s2 =	sld [smem:$0x3FAB]  }
0x29: {  	s4 =	sld [smem:$0x3FAD]  }
0x2a: {  	p0 =	seq.s32 s5, $0x0;
	s5 =	sld [smem:$0x3FAE]  }
0x2b: {  	s6 =	sld [smem:$0x3FAF]  }
0x2c: {  	s7 =	sld [smem:$0x3FB0]  }
0x2d: {  	s3 =	simm.s32 $0x108;
	s8 =	sld [smem:$0x3FB1]  }
0x2e: {  	s3 =	simm.s32 @!p0 $0x1082;
	s9 =	sld [smem:$0x3FB2]  }
0x2f: {  	lr =	sadd.s32 s0, s3;
	s0 =	sld [smem:$0x3FA9]  }
0x30: {  	s3 =	sld [smem:$0x3FAC]  }
0x31: {  	[smem:$0x3FB5] =	sst s10  }
0x32: {  	s10 =	sld [smem:$0x3FB3];
	_ =	sdelay $0x3  }
0x33: {  	p0 =	seq.s32 s10, $0x1;
	s10 =	sld [smem:$0x3FB5];
	_ =	sdelay $0x3  }
0x34: {  	[smem:$0x3FB5] =	sst s10  }
0x35: {  	s10 =	sld [smem:$0x3FB4];
	_ =	sdelay $0x3  }
0x36: {  	p1 =	seq.s32 s10, $0x1;
	s10 =	sld [smem:$0x3FB5];
	_ =	sdelay $0x3  }
0x37: {  	[smem:$0x3FB5] =	sst s10  }
0x38: {  	s10 =	sld [smem:$0x3FB6]  }
0x39: {  	_ = 	snop;
	(pc) =	sbr.ind lr, $3  }
0x3a: {  	_ = 	snop  }
0x3b: {  	_ = 	snop  }
0x3c: {  	p2 =	seq.s32 s10, $0x1;
	s10 =	sld [smem:$0x3FB5]  }
0x3d: {  	_ =	shalt  }
0x3e: {  	_ =	shalt  }
0x3f: {  	_ =	shalt  }
0x40: {  	_ =	shalt  }
0x41: {  	_ =	shalt  }
0x42: {  	_ =	shalt  }
0x43: {  	_ =	shalt  }
0x44: {  	_ =	shalt  }
0x45: {  	_ =	shalt  }
0x46: {  	_ =	shalt  }
0x47: {  	_ =	shalt  }
0x48: {  	_ =	shalt  }
0x49: {  	_ =	shalt  }
0x4a: {  	_ =	shalt  }
0x4b: {  	_ =	shalt  }
0x4c: {  	_ =	shalt  }
0x4d: {  	_ =	shalt  }
0x4e: {  	_ =	shalt  }
0x4f: {  	_ =	shalt  }
0x50: {  	_ =	shalt  }
0x51: {  	_ =	shalt  }
0x52: {  	_ =	shalt  }
0x53: {  	_ =	shalt  }
0x54: {  	_ =	shalt  }
0x55: {  	_ =	shalt  }
0x56: {  	_ =	shalt  }
0x57: {  	_ =	shalt  }
0x58: {  	_ =	shalt  }
0x59: {  	_ =	shalt  }
0x5a: {  	_ =	shalt  }
0x5b: {  	_ =	shalt  }
0x5c: {  	_ =	shalt  }
0x5d: {  	_ =	shalt  }
0x5e: {  	_ =	shalt  }
0x5f: {  	_ =	shalt  }
0x60: {  	_ =	shalt  }
0x61: {  	_ =	shalt  }
0x62: {  	_ =	shalt  }
0x63: {  	_ =	shalt  }
0x64: {  	_ =	shalt  }
0x65: {  	_ =	shalt  }
0x66: {  	_ =	shalt  }
0x67: {  	_ =	shalt  }
0x68: {  	_ =	shalt  }
0x69: {  	_ =	shalt  }
0x6a: {  	_ =	shalt  }
0x6b: {  	_ =	shalt  }
0x6c: {  	_ =	shalt  }
0x6d: {  	_ =	shalt  }
0x6e: {  	_ =	shalt  }
0x6f: {  	_ =	shalt  }
0x70: {  	_ =	shalt  }
0x71: {  	_ =	shalt  }
0x72: {  	_ =	shalt  }
0x73: {  	_ =	shalt  }
0x74: {  	_ =	shalt  }
0x75: {  	_ =	shalt  }
0x76: {  	_ =	shalt  }
0x77: {  	_ =	shalt  }
0x78: {  	_ =	shalt  }
0x79: {  	_ =	shalt  }
0x7a: {  	_ =	shalt  }
0x7b: {  	_ =	shalt  }
0x7c: {  	_ =	shalt  }
0x7d: {  	_ =	shalt  }
0x7e: {  	_ =	shalt  }
0x7f: {  	_ =	shalt  }
0x80: {  	_ =	shalt  }
0x81: {  	_ =	shalt  }
0x82: {  	_ =	shalt  }
0x83: {  	_ =	shalt  }
0x84: {  	_ =	shalt  }
0x85: {  	_ =	shalt  }
0x86: {  	_ =	shalt  }
0x87: {  	_ =	shalt  }
.Lfunc_end0:
.L_simem_size_0:
called_computation_lowered:
.L_overlay_start_0:
0x88: {  	s2 =	sld [smem:$0x3FD9]  }
0x89: {  	s3 =	sld [smem:$0x3FFE];
	_ =	sdelay $0x1  }
0x8a: {  	s1 =	srdreg.scid  }
0x8b: {  	s0 =	sand.u32 $0x1, s1  }
0x8c: {  	s17 =	sshll.u32 s0, $0xA;
	s2 =	sadd.s32 s3, s2  }
0x8d: {  	s2 =	sadd.s32 s2, s17  }
0x8e: {  	[smem:$0x3FC1] =	sst s2  }
0x8f: {  	_ = 	snop  }
0x90: {  	s2 =	sld [smem:$0x3FD0];
	(tm) =	ssettm $0x1  }
0x91: {  	s18 =	sld [smem:$0x3FFB];
	_ =	sdelay $0x3  }
0x92: {  	_ =	strace s18  }
0x93: {  	s3 =	sld [smem:$0x3FFC];
	_ =	sdelay $0x3  }
0x94: {  	_ =	strace s3  }
0x95: {  	s3 =	sld [smem:$0x3FFD];
	_ =	sdelay $0x3  }
0x96: {  	_ =	strace s3  }
0x97: {  	_ =	strace $0x8FFFFFFF  }
0x98: {  	s19 =	sld [smem:$0x3FDB];
	_ =	sdelay $0x1  }
0x99: {  	s4 =	simm.s32 $_scs_section_size  }
0x9a: {  	s5 =	simm.s32 $_size__tile_overlayer_lowered;
	s6 =	simm.s32 $_tile_overlayer_lowered  }
0x9b: {  	s22 =	simm.s32 $0x1BFF;
	s21 =	sshll.u32 s6, $0x1;
	s3 =	sadd.s32 s4, s19  }
0x9c: {  	s7 =	simm.s32 $0x0;
	s20 =	sshll.u32 s5, $0x1;
	s5 =	sadd.s32 s21, s3  }
0x9d: {  	[timem:s7], [sflag:s22] =	dma.local [hbm:s5], s20  }
0x9e: {  	_ =	swait.ge [sflag:s22], s20  }
0x9f: {  	s4 =	ssub.s32 $0x0, s20;
	[sflag:s22] =	ssyncset.done $0x0  }
0xa0: {  	[sflag:s22] =	ssyncadd.s32 s4;
	_ =	sdelay $0x1  }
0xa1: {  	s23 =	simm.s32 $0x1B8B  }
0xa2: {  	_ =	swait.ge [sflag:s23], $0x1  }
0xa3: {  	[sflag:s23] =	ssyncset.done $0x0  }
0xa4: {  	s25 =	simm.s32 $0x1B8E;
	s24 =	sld [smem:$0x3FFE];
	[sflag:s23] =	ssyncadd.s32 $0xFFFFFFFF  }
0xa5: {  	s26 =	simm.s32 $execute0_lowered;
	[smem:$0x3FD2] =	sst s25  }
0xa6: {  	s5 =	sshll.u32 s26, $0x1;
	_ =	strace $0x80000046;
	[dreg:$0x1] =	wrdreg $0xFFFFFFFF  }
0xa7: {  	s28 =	simm.s32 $_size_execute0_lowered;
	s3 =	sadd.s32 s3, s5;
	[dreg:$0x0] =	wrdreg $0x0  }
0xa8: {  	s5 =	sshll.u32 s28, $0x1;
	[dreg:$0x2] =	wrdreg s3  }
0xa9: {  	[dreg:$0x3] =	wrdreg s5  }
0xaa: {  	[dreg:$0x4] =	wrdreg $0xC0  }
0xab: {  	_ =	task [dreg:s7], $0x5FFFF  }
0xac: {  	[dreg:$0x1] =	wrdreg $0xFFFFFFFF  }
0xad: {  	[dreg:$0x0] =	wrdreg $0x60  }
0xae: {  	[dreg:$0x2] =	wrdreg s24  }
0xaf: {  	[dreg:$0x3] =	wrdreg s2  }
0xb0: {  	[dreg:$0x4] =	wrdreg $0x116800  }
0xb1: {  	[dreg:$0x5] =	wrdreg $0x19A800  }
0xb2: {  	[dreg:$0x6] =	wrdreg $0x9  }
0xb3: {  	_ =	task.clear_ibuf [dreg:s7], $0x7FFFF;
	_ =	strace $0x90000046  }
0xb4: {  	s29 =	simm.s32 $0x9;
	_ =	strace $0x80000048  }
0xb5: {  	_ =	swait.ge [sflag:s29], $0x1  }
0xb6: {  	[sflag:s29] =	ssyncadd.s32 $0xFFFFFFFF  }
0xb7: {  	_ =	strace $0x90000048  }
0xb8: {  	_ =	sfence  }
0xb9: {  	s30 =	sld [smem:$0x0];
	_ =	sdelay $0x2  }
0xba: {  	s31 =	sshll.u32 s1, $0xD;
	s1 =	sshrl.u32 s1, $0x2  }
0xbb: {  	s3 =	sand.u32 $0x4000, s31;
	s1 =	sadd.s32 s1, s30  }
0xbc: {  	s0 =	sor.u32 s3, s0;
	s1 =	sshll.u32 s1, $0x11  }
0xbd: {  	s0 =	sor.u32 s1, s0  }
0xbe: {  	s0 =	sadd.s32 $0x8F2B, s0  }
0xbf: {  	[sflag:s0] =	ssyncadd.remote.s32 $0x1  }
0xc0: {  	_ =	sfence.sel $0xFFFF  }
0xc1: {  	[dreg:$0x0] =	wrdreg $0xFFFFFFFF;
	(pc) =	sbr.abs _section_cstart, $3  }
0xc2: {  	[dreg:$0x1] =	wrdreg $0xFFFFFFFF  }
0xc3: {  	_ =	task.clear_ibuf [dreg:s7], $0x2FFFF;
	_ =	strace $0x9FFFFFFF  }
0xc4: {  	(tm) =	ssettm $0x7FFFFFFF  }
0xc5: {  	_ =	shalt  }
tec
execute0_lowered:
.L_overlay_start_1:
0x0: {  	(tag) =	ssettag $0x1  }
0x1: {  	s0 =	rddreg [dreg:$0x0]  }
0x2: {  	s2 =	rddreg [dreg:$0x2];
	s4 =	simm.s32 $0x0  }
0x3: {  	[smem:$0x7FF] =	sst s4  }
0x4: {  	s3 =	rddreg [dreg:$0x3];
	v0 =	vimm.s32 $0x0;
	_ =	strace $0x80000047  }
0x5: {  	(xrf1) =	vunique.msk.u32 $0xffff, v0;
	_ =	sdelay $0xd  }
0x6: {  	vm0 =	vmmov $0x7fff;
	_, v1, _ =	vpop (xrf1)  }
0x7: {  	v1 =	vsel vm0, $0x0, v1  }
0x8: {  	(xrf0) =	vadd.scan.msk.s32 $0xffff, v1;
	_ =	sdelay $0x5  }
0x9: {  	v1, _, _ =	vpop (xrf0)  }
0xa: {  	(v2sf) =	vpush v1, $0xF;
	_ =	sdelay $0x1  }
0xb: {  	s5 =	stileid.u32;
	s7 =	srdreg.scid;
	s17 =	simm.s32 $0x7600  }
0xc: {  	s19 =	simm.s32 $0x3280;
	s20 =	simm.s32 $0x3300;
	s21 =	simm.s32 $0x1900  }
0xd: {  	s28 =	simm.s32 $0x3500;
	s29 =	simm.s32 $0x7580;
	s30 =	simm.s32 $0x0  }
0xe: {  	s6 =	smul.u32 $0x1900, s5;
	s8 =	sand.u32 $0x1, s7;
	s7 =	sadd.s32 $0x494C00, s0  }
0xf: {  	s15 =	sshll.u32 s5, $0xD;
	s10 =	sadd.s32 $0x4000, s0;
	s22 =	sshll.u32 s5, $0xC  }
0x10: {  	s12 =	smul.u32 $0x8020, s5;
	s26 =	sshll.u32 s5, $0xF;
	s9 =	sshll.u32 s8, $0x11  }
0x11: {  	[dreg:$0x5] =	wrdreg s10;
	s11 =	ssub.s32 $0x2, s8;
	s13 =	sadd.s32 s22, s0  }
0x12: {  	s31 =	sadd.s32 s15, s3;
	s22 =	simm.s32 $0x80;
	s1 =	sshrl.u32 s6, $0x3  }
0x13: {  	s9 =	sor.u32 s15, s9;
	s23 =	sshrl.u32 s11, $0x1;
	s24 =	sshrl.u32 s12, $0x2  }
0x14: {  	s12 =	sadd.s32 s26, s2;
	s13 =	sadd.s32 $0xC600, s13;
	s26 =	simm.s32 $0x3480  }
0x15: {  	s1 =	sadd.s32 s1, s0;
	s9 =	sshrl.u32 s9, $0x3;
	s16 =	ssub.s32 s11, s23  }
.Ltmp0:
0x16: {  	s11 =	sshll.u32 s8, $0x5;
	s23 =	simm.s32 $0x3400;
	(pc) =	sbr.rel .LBB2_1-.Ltmp0, $4  }
0x17: {  	s0 =	sadd.s32 s9, s0;
	s1 =	sadd.s32 $0xE00, s1;
	s15 =	smax.u32 s16, $0x1  }
0x18: {  	v4 =	vlaneseq.u32;
	[dreg:$0x6] =	wrdreg s1;
	s1 =	sadd.s32 s24, s3;
	s25 =	spop (v2sf)  }
0x19: {  	v3 =	vimm.f32 $1.000000000e+00;
	v5 =	vmul.u32 $0x1000, v4;
	v6 =	vor.u32 $0x1000, v4;
	s16 =	simm.s32 $0x1;
	[dreg:$0x7] =	wrdreg s1;
	s1 =	ssub.s32 $0x10, s25  }
0x1a: {  	v7 =	vor.u32 $0x20000, v4;
	s14 =	sadd.s32 $0x4600, s0;
	s24 =	simm.s32 $0x3580;
	v1 =	vmov s11;
	s25 =	sshrl.u32 s31, $0x3;
	v2 =	vmov s1  }
.LBB2_12:
0x1b: {  	s30 =	sadd.s32 $0x1, s30  }
0x1c: {  	p0 =	sne.s32 s30, s15  }
.Ltmp1:
0x1d: {  	_ = 	snop;
	(pc) =	sbr.rel @!p0 .LBB2_13-.Ltmp1, $4  }
0x1e: {  	[hbm:s14], [sflag:s0] =	dma.local [spmem:s25], $0x400  }
0x1f: {  	_ =	swait.ge [sflag:s16], $0x400  }
0x20: {  	[sflag:s16] =	ssyncset.done $0x0  }
0x21: {  	[sflag:s16] =	ssyncadd.s32 $0xFFFFFC00  }
.LBB2_1:
0x22: {  	s0 =	rddreg [dreg:$0x6]  }
0x23: {  	[tilespmem:s4], [sflag:$0x1] =	stream.linear.gather [hbm4b:s0+s4], $0x1900, $0x38;
	[tilespmem:$0x1BA88] =	vst v63  }
0x24: {  	_ =	swait.ge [sflag:s16], $0x1900  }
0x25: {  	[sflag:s16] =	ssyncset.done $0x0  }
0x26: {  	[sflag:s16] =	ssyncadd.s32 $0xFFFFE700  }
0x27: {  	s10 =	rddreg [dreg:$0x1]  }
0x28: {  	[tilespmem:s17], [sflag:$0x1] =	stream.linear.gather [hbm4b:s10+s4], $0x8000, $0x38;
	[tilespmem:$0x1BA88] =	vst v63  }
0x29: {  	_ =	swait.ge [sflag:s16], $0x8000  }
0x2a: {  	[sflag:s16] =	ssyncset.done $0x0  }
0x2b: {  	s1 =	simm.s32 $0xF600;
	s18 =	rddreg [dreg:$0x5];
	[sflag:s16] =	ssyncadd.s32 $0xFFFF8000  }
0x2c: {  	[tilespmem:s1], [sflag:$0x1] =	stream.linear.gather [hbm4b:s18+s4], $0x2080, $0x38;
	[tilespmem:$0x1BA88] =	vst v63  }
0x2d: {  	_ =	swait.ge [sflag:s16], $0x2080  }
0x2e: {  	[sflag:s16] =	ssyncset.done $0x0  }
0x2f: {  	[sflag:s16] =	ssyncadd.s32 $0xFFFFDF80  }
0x30: {  	[tilespmem:$0x7580] =	vst v3  }
0x31: {  	[tilespmem:$0x7590] =	vst v3  }
0x32: {  	[tilespmem:$0x75A0] =	vst v3  }
0x33: {  	[tilespmem:$0x75B0] =	vst v3  }
0x34: {  	[tilespmem:$0x75C0] =	vst v3  }
0x35: {  	[tilespmem:$0x75D0] =	vst v3  }
0x36: {  	[tilespmem:$0x75E0] =	vst v3  }
0x37: {  	s31 =	rddreg [dreg:$0x7];
	[tilespmem:$0x75F0] =	vst v3  }
0x38: {  	[spmem:s31] =	stream.linear.scatter [tilespmem:s1], [sflag:$0x1], $0x2008, $0x38;
	[tilespmem:$0x1BA88] =	vst v63  }
0x39: {  	_ =	swait.ge [sflag:s16], $0x2008  }
0x3a: {  	[sflag:s16] =	ssyncset.done $0x0  }
0x3b: {  	[sflag:s16] =	ssyncadd.s32 $0xFFFFDFF8  }
0x3c: {  	[tilespmem:$0x3280] =	vst v0  }
0x3d: {  	s0 =	simm.s32 $0x40;
	s1 =	simm.s32 $0x0;
	[tilespmem:$0x3290] =	vst v0  }
.LBB2_2:
0x3e: {  	p0 =	sne.s32 s0, $0x63C0;
	v8 =	vld [tilespmem:s1+$0x0];
	_ =	sdelay $0x4  }
0x3f: {  	v9 =	vshra.s32 v8, $0xC  }
0x40: {  	v9 =	vsub.s32 v9, v1  }
0x41: {  	v8 =	vor.u32 v8, v9  }
0x42: {  	vm1 =	vlt.s32 v9, $0x20;
	vm0 =	vgt.s32 v8, $0xFFFFFFFF  }
0x43: {  	v8 =	vxor.u32 $0x80000000, v9;
	vm0 =	vmand vm1, vm0  }
0x44: {  	v8 =	vnsel vm0, $0x87FFFFFF, v8  }
0x45: {  	(xrf1) =	vsort.ascd.msk.u32 $0xffff, v8, v9;
	_ =	sdelay $0xd  }
0x46: {  	v8, _, _ =	vpop (xrf1)  }
0x47: {  	v9 =	vxor.u32 $0x80000000, v8  }
0x48: {  	vm0 =	vlt.s32 v9, $0x7FFFFFF  }
0x49: {  	(xrf1) =	vunique.msk.u32 vm0, v9;
	_ =	sdelay $0xd  }
0x4a: {  	_, v9, vm1 =	vpop (xrf1)  }
0x4b: {  	vm0 =	vmand vm0, vm1  }
0x4c: {  	v8 =	vand.u32 $0x1F, v8;
	_ =	sdelay $0x4  }
0x4d: {  	v10 =	vld.idx.msk [tilespmem:v8+s19+$0x0], vm0;
	_ =	sdelay $0x3  }
.Ltmp2:
0x4e: {  	(pc) =	sbr.rel @p0 .LBB2_2-.Ltmp2, $4  }
0x4f: {  	_ = 	snop  }
0x50: {  	v10 =	vadd.s32 v2, v10  }
0x51: {  	v9 =	vadd.s32 v9, v10  }
0x52: {  	s1 =	sshra.s32 s0, $0x2;
	s0 =	sadd.s32 $0x40, s0;
	[tilespmem:v8+s19+$0x0] =	vst.idx.msk vm0, v9  }
0x53: {  	v8 =	vld [tilespmem:s1+$0x0];
	_ =	sdelay $0x4  }
0x54: {  	v9 =	vshra.s32 v8, $0xC  }
0x55: {  	v9 =	vsub.s32 v9, v1  }
0x56: {  	v8 =	vor.u32 v8, v9  }
0x57: {  	vm1 =	vlt.s32 v9, $0x20;
	vm0 =	vgt.s32 v8, $0xFFFFFFFF  }
0x58: {  	v8 =	vxor.u32 $0x80000000, v9;
	vm0 =	vmand vm1, vm0  }
0x59: {  	v8 =	vnsel vm0, $0x87FFFFFF, v8  }
0x5a: {  	(xrf1) =	vsort.ascd.msk.u32 $0xffff, v8, v9;
	_ =	sdelay $0xd  }
0x5b: {  	v8, _, _ =	vpop (xrf1)  }
0x5c: {  	v9 =	vxor.u32 $0x80000000, v8  }
0x5d: {  	vm10 =	vlt.s32 v9, $0x7FFFFFF  }
0x5e: {  	(xrf1) =	vunique.msk.u32 vm10, v9;
	_ =	sdelay $0xd  }
0x5f: {  	_, v9, vm11 =	vpop (xrf1)  }
0x60: {  	vm0 =	vmand vm10, vm11  }
0x61: {  	v8 =	vand.u32 $0x1F, v8;
	_ =	sdelay $0x4  }
0x62: {  	v10 =	vld.idx.msk [tilespmem:v8+s19+$0x0], vm0;
	_ =	sdelay $0x4  }
0x63: {  	v10 =	vadd.s32 v2, v10  }
0x64: {  	v9 =	vadd.s32 v9, v10  }
0x65: {  	[tilespmem:v8+s19+$0x0] =	vst.idx.msk vm0, v9  }
0x66: {  	v8 =	vld [tilespmem:$0x3280];
	_ =	sdelay $0x2  }
0x67: {  	v9 =	vld [tilespmem:$0x3290];
	_ =	sdelay $0x1  }
0x68: {  	(xrf0) =	vadd.scan.msk.s32 $0xffff, v8;
	_ =	sdelay $0x2  }
0x69: {  	(xrf0) =	vadd.scan.msk.s32 $0xffff, v9;
	_ =	sdelay $0x2  }
0x6a: {  	v10, _, _ =	vpop (xrf0)  }
0x6b: {  	v11 =	vbroadcast v10, $0xF  }
0x6c: {  	v8 =	vsub.s32 v10, v8  }
0x6d: {  	v10, _, _ =	vpop (xrf0);
	[tilespmem:$0x3300] =	vst v8;
	v9 =	vsub.s32 v11, v9  }
0x6e: {  	[tilespmem:$0x3380] =	vst v8;
	v8 =	vadd.s32 v10, v9  }
0x6f: {  	[tilespmem:$0x3310] =	vst v8  }
0x70: {  	s0 =	simm.s32 $0x0;
	[tilespmem:$0x3390] =	vst v8  }
0x71: {  	v8 =	vld [tilespmem:s0+$0x0];
	_ =	sdelay $0x4  }
0x72: {  	v9 =	vshra.s32 v8, $0xC  }
0x73: {  	v10 =	vmov s6;
	v9 =	vsub.s32 v9, v1  }
0x74: {  	v10 =	vshll.u32 v10, $0xC;
	v11 =	vor.u32 v8, v9  }
0x75: {  	v10 =	vor.u32 v5, v10;
	vm13 =	vlt.s32 v9, $0x20;
	vm12 =	vgt.s32 v11, $0xFFFFFFFF  }
0x76: {  	v8 =	vand.u32 $0xFFF, v8;
	v9 =	vxor.u32 $0x80000000, v9;
	vm0 =	vmand vm13, vm12  }
0x77: {  	v8 =	vor.u32 v10, v8;
	v9 =	vnsel vm0, $0x87FFFFFF, v9  }
0x78: {  	(xrf1) =	vsort.ascd.msk.u32 $0xffff, v9, v8;
	_ =	sdelay $0xd  }
0x79: {  	v8, v9, _ =	vpop (xrf1)  }
0x7a: {  	v10 =	vxor.u32 $0x80000000, v8  }
0x7b: {  	vm14 =	vlt.s32 v10, $0x7FFFFFF  }
0x7c: {  	(xrf1) =	vunique.msk.u32 vm14, v10;
	_ =	sdelay $0x3  }
0x7d: {  	v8 =	vand.u32 $0x1F, v8;
	_ =	sdelay $0x4  }
0x7e: {  	v10 =	vld.idx.msk [tilespmem:v8+s20+$0x0], vm14;
	_ =	sdelay $0x4  }
0x7f: {  	v10 =	vadd.s32 v2, v10;
	_, v11, vm15 =	vpop (xrf1)  }
0x80: {  	v10 =	vadd.s32 v11, v10  }
0x81: {  	vm1 =	vmand vm14, vm15;
	v11 =	vadd.s32 $0xFFFFFFFF, v10;
	_ =	sdelay $0x4  }
0x82: {  	[tilespmem:v11+s21+$0x0] =	vst.idx.msk vm14, v9  }
0x83: {  	s31 =	simm.s32 $0x10;
	[tilespmem:v8+s20+$0x0] =	vst.idx.msk vm1, v10  }
0x84: {  	s1 =	simm.s32 $0x80;
	s0 =	smov.u32 s6;
	v8 =	vld [tilespmem:s31+$0x0]  }
.LBB2_4:
0x85: {  	p0 =	sne.s32 s1, $0x63C0;
	_ =	sdelay $0x3  }
0x86: {  	s0 =	sadd.s32 $0x10, s0;
	v9 =	vshra.s32 v8, $0xC  }
0x87: {  	v10 =	vmov s0;
	v9 =	vsub.s32 v9, v1  }
0x88: {  	v10 =	vshll.u32 v10, $0xC;
	v11 =	vor.u32 v8, v9  }
0x89: {  	v10 =	vor.u32 v5, v10;
	vm1 =	vlt.s32 v9, $0x20;
	vm0 =	vgt.s32 v11, $0xFFFFFFFF  }
0x8a: {  	v8 =	vand.u32 $0xFFF, v8;
	v9 =	vxor.u32 $0x80000000, v9;
	vm0 =	vmand vm1, vm0  }
0x8b: {  	v8 =	vor.u32 v10, v8;
	v9 =	vnsel vm0, $0x87FFFFFF, v9  }
0x8c: {  	(xrf1) =	vsort.ascd.msk.u32 $0xffff, v9, v8;
	_ =	sdelay $0xd  }
0x8d: {  	v8, v9, _ =	vpop (xrf1)  }
0x8e: {  	v10 =	vxor.u32 $0x80000000, v8  }
0x8f: {  	vm0 =	vlt.s32 v10, $0x7FFFFFF  }
0x90: {  	(xrf1) =	vunique.msk.u32 vm0, v10;
	_ =	sdelay $0x2  }
0x91: {  	v8 =	vand.u32 $0x1F, v8;
	_ =	sdelay $0x4  }
0x92: {  	v10 =	vld.idx.msk [tilespmem:v8+s20+$0x0], vm0;
	_ =	sdelay $0x5  }
0x93: {  	v10 =	vadd.s32 v2, v10;
	_, v11, vm1 =	vpop (xrf1)  }
0x94: {  	v10 =	vadd.s32 v11, v10  }
0x95: {  	vm1 =	vmand vm0, vm1;
	v11 =	vadd.s32 $0xFFFFFFFF, v10;
	_ =	sdelay $0x2  }
.Ltmp3:
0x96: {  	(pc) =	sbr.rel @p0 .LBB2_4-.Ltmp3, $4  }
0x97: {  	_ = 	snop  }
0x98: {  	[tilespmem:v11+s21+$0x0] =	vst.idx.msk vm0, v9  }
0x99: {  	s8 =	sshra.s32 s1, $0x2;
	[tilespmem:v8+s20+$0x0] =	vst.idx.msk vm1, v10  }
0x9a: {  	s1 =	sadd.s32 $0x40, s1;
	v8 =	vld [tilespmem:s8+$0x0]  }
0x9b: {  	_ =	sdelay $0x3  }
0x9c: {  	s0 =	sadd.s32 $0x10, s0;
	v9 =	vshra.s32 v8, $0xC  }
0x9d: {  	v10 =	vmov s0;
	v9 =	vsub.s32 v9, v1  }
0x9e: {  	v10 =	vshll.u32 v10, $0xC;
	v11 =	vor.u32 v8, v9  }
0x9f: {  	v10 =	vor.u32 v5, v10;
	vm1 =	vlt.s32 v9, $0x20;
	vm0 =	vgt.s32 v11, $0xFFFFFFFF  }
0xa0: {  	v8 =	vand.u32 $0xFFF, v8;
	v9 =	vxor.u32 $0x80000000, v9;
	vm0 =	vmand vm1, vm0  }
0xa1: {  	v8 =	vor.u32 v10, v8;
	v9 =	vnsel vm0, $0x87FFFFFF, v9  }
0xa2: {  	(xrf1) =	vsort.ascd.msk.u32 $0xffff, v9, v8;
	_ =	sdelay $0xd  }
0xa3: {  	v8, v9, _ =	vpop (xrf1)  }
0xa4: {  	v61 =	vxor.u32 $0x80000000, v8  }
0xa5: {  	vm14 =	vlt.s32 v61, $0x7FFFFFF  }
0xa6: {  	(xrf1) =	vunique.msk.u32 vm14, v61;
	_ =	sdelay $0x3  }
0xa7: {  	v8 =	vand.u32 $0x1F, v8;
	_ =	sdelay $0x4  }
0xa8: {  	v62 =	vld.idx.msk [tilespmem:v8+s20+$0x0], vm14;
	_ =	sdelay $0x4  }
0xa9: {  	v10 =	vadd.s32 v2, v62;
	_, v63, vm15 =	vpop (xrf1)  }
0xaa: {  	v10 =	vadd.s32 v63, v10  }
0xab: {  	vm1 =	vmand vm14, vm15;
	v11 =	vadd.s32 $0xFFFFFFFF, v10;
	_ =	sdelay $0x4  }
0xac: {  	[tilespmem:v11+s21+$0x0] =	vst.idx.msk vm14, v9  }
0xad: {  	[tilespmem:v8+s20+$0x0] =	vst.idx.msk vm1, v10  }
0xae: {  	[spmem:s12] =	stream.linear.scatter [tilespmem:s17], [sflag:$0x1], $0x8000, $0x38;
	[tilespmem:$0x1BA88] =	vst v63  }
.Ltmp4:
0xaf: {  	_ =	swait.ge [sflag:s16], $0x8000;
	(pc) =	sbr.rel .LBB2_6-.Ltmp4, $4  }
0xb0: {  	[sflag:s16] =	ssyncset.done $0x0  }
0xb1: {  	[sflag:s16] =	ssyncadd.s32 $0xFFFF8000  }
0xb2: {  	[bflag:$0x0] =	sbarrier.arrive $0xFFFF  }
0xb3: {  	s31 =	simm.s32 $0x0  }
.LBB2_10:
0xb4: {  	v11 =	vadd.s32 s8, v4;
	[sflag:s16] =	ssyncadd.s32 @p0 $0xFFFFC000  }
0xb5: {  	vm0 =	vlt.s32 v11, v10;
	[spmem:s2] =	stream.indirect.scatter.add.f32 @p0 [tilespmem:s24], [sflag:$0x1], $0x80, s26, s22, $0xb8;
	[tilespmem:$0x1BA88] =	vst v63  }
0xb6: {  	v12 =	vsel vm0, v11, v10;
	_ =	swait.ge @p0 [sflag:s16], $0x4000  }
0xb7: {  	vm0 =	vgt.s32 v12, $0x0;
	[sflag:s16] =	ssyncset.done @p0 $0x0  }
0xb8: {  	v12 =	vnsel vm0, $0x0, v12;
	[sflag:s16] =	ssyncadd.s32 @p0 $0xFFFFC000  }
0xb9: {  	[spmem:s3] =	stream.indirect.scatter.add.f32 @p0 [tilespmem:s29], [sflag:$0x1], $0x1, s28, s22, $0xb8;
	[tilespmem:$0x1BA88] =	vst v63  }
0xba: {  	_ =	swait.ge @p0 [sflag:s16], $0x80  }
0xbb: {  	[sflag:s16] =	ssyncset.done @p0 $0x0  }
0xbc: {  	[sflag:s16] =	ssyncadd.s32 @p0 $0xFFFFFF80  }
0xbd: {  	s1 =	sadd.s32 $0xFFFFFFA0, s0;
	v12 =	vld.idx.msk [tilespmem:v12+s21+$0x0], $0xffff  }
0xbe: {  	v13 =	vadd.s32 s1, v4  }
0xbf: {  	vm13 =	vlt.s32 v13, v10  }
0xc0: {  	v14 =	vsel vm13, v13, v10  }
0xc1: {  	vm0 =	vgt.s32 v14, $0x0  }
0xc2: {  	vm14 =	vlt.s32 v11, v9;
	v14 =	vnsel vm0, $0x0, v14;
	v31 =	vshra.s32 v12, $0xC  }
0xc3: {  	v12 =	vand.u32 $0xFFF, v12;
	v11 =	vnsel vm14, $0x0, v31  }
0xc4: {  	v15 =	vor.u32 v8, v12;
	v12 =	vsel vm14, v12, v6;
	[tilespmem:$0x3400] =	vst v11  }
0xc5: {  	v32 =	vsel vm14, v15, v7;
	[tilespmem:$0x3480] =	vst v12  }
0xc6: {  	[tilespmem:$0x3500] =	vst v32  }
0xc7: {  	s18 =	sadd.s32 $0xFFFFFFB0, s0;
	v11 =	vld.idx.msk [tilespmem:v14+s21+$0x0], $0xffff  }
0xc8: {  	v33 =	vadd.s32 s18, v4  }
0xc9: {  	vm15 =	vlt.s32 v33, v10  }
0xca: {  	v34 =	vsel vm15, v33, v10  }
0xcb: {  	vm0 =	vgt.s32 v34, $0x0  }
0xcc: {  	vm4 =	vlt.s32 v13, v9;
	v14 =	vnsel vm0, $0x0, v34;
	v35 =	vshra.s32 v11, $0xC  }
0xcd: {  	v11 =	vand.u32 $0xFFF, v11;
	v13 =	vnsel vm4, $0x0, v35  }
0xce: {  	v36 =	vor.u32 v8, v11;
	v11 =	vsel vm4, v11, v6;
	[tilespmem:$0x3410] =	vst v13  }
0xcf: {  	v37 =	vsel vm4, v36, v7;
	[tilespmem:$0x3490] =	vst v11  }
0xd0: {  	[tilespmem:$0x3510] =	vst v37  }
0xd1: {  	s8 =	sadd.s32 $0xFFFFFFC0, s0;
	v11 =	vld.idx.msk [tilespmem:v14+s21+$0x0], $0xffff  }
0xd2: {  	v38 =	vadd.s32 s8, v4  }
0xd3: {  	vm5 =	vlt.s32 v38, v10  }
0xd4: {  	v39 =	vsel vm5, v38, v10  }
0xd5: {  	vm0 =	vgt.s32 v39, $0x0  }
0xd6: {  	vm6 =	vlt.s32 v33, v9;
	v14 =	vnsel vm0, $0x0, v39;
	v40 =	vshra.s32 v11, $0xC  }
0xd7: {  	v11 =	vand.u32 $0xFFF, v11;
	v12 =	vnsel vm6, $0x0, v40  }
0xd8: {  	v41 =	vor.u32 v8, v11;
	v11 =	vsel vm6, v11, v6;
	[tilespmem:$0x3420] =	vst v12  }
0xd9: {  	v42 =	vsel vm6, v41, v7;
	[tilespmem:$0x34A0] =	vst v11  }
0xda: {  	[tilespmem:$0x3520] =	vst v42  }
0xdb: {  	s9 =	sadd.s32 $0xFFFFFFD0, s0;
	v11 =	vld.idx.msk [tilespmem:v14+s21+$0x0], $0xffff  }
0xdc: {  	v43 =	vadd.s32 s9, v4  }
0xdd: {  	vm7 =	vlt.s32 v43, v10  }
0xde: {  	v44 =	vsel vm7, v43, v10  }
0xdf: {  	vm0 =	vgt.s32 v44, $0x0  }
0xe0: {  	vm8 =	vlt.s32 v38, v9;
	v14 =	vnsel vm0, $0x0, v44;
	v45 =	vshra.s32 v11, $0xC  }
0xe1: {  	v11 =	vand.u32 $0xFFF, v11;
	v13 =	vnsel vm8, $0x0, v45  }
0xe2: {  	v46 =	vor.u32 v8, v11;
	v11 =	vsel vm8, v11, v6;
	[tilespmem:$0x3430] =	vst v13  }
0xe3: {  	v47 =	vsel vm8, v46, v7;
	[tilespmem:$0x34B0] =	vst v11  }
0xe4: {  	[tilespmem:$0x3530] =	vst v47  }
0xe5: {  	s10 =	sadd.s32 $0xFFFFFFE0, s0;
	v11 =	vld.idx.msk [tilespmem:v14+s21+$0x0], $0xffff  }
0xe6: {  	v48 =	vadd.s32 s10, v4  }
0xe7: {  	vm9 =	vlt.s32 v48, v10  }
0xe8: {  	v49 =	vsel vm9, v48, v10  }
0xe9: {  	vm0 =	vgt.s32 v49, $0x0  }
0xea: {  	vm10 =	vlt.s32 v43, v9;
	v14 =	vnsel vm0, $0x0, v49;
	v50 =	vshra.s32 v11, $0xC  }
0xeb: {  	v11 =	vand.u32 $0xFFF, v11;
	v12 =	vnsel vm10, $0x0, v50  }
0xec: {  	v51 =	vor.u32 v8, v11;
	v11 =	vsel vm10, v11, v6;
	[tilespmem:$0x3440] =	vst v12  }
0xed: {  	v52 =	vsel vm10, v51, v7;
	[tilespmem:$0x34C0] =	vst v11  }
0xee: {  	[tilespmem:$0x3540] =	vst v52  }
0xef: {  	s18 =	sadd.s32 $0xFFFFFFF0, s0;
	v11 =	vld.idx.msk [tilespmem:v14+s21+$0x0], $0xffff  }
0xf0: {  	v53 =	vadd.s32 s18, v4  }
0xf1: {  	vm11 =	vlt.s32 v53, v10  }
0xf2: {  	v54 =	vsel vm11, v53, v10  }
0xf3: {  	vm0 =	vgt.s32 v54, $0x0  }
0xf4: {  	vm12 =	vlt.s32 v48, v9;
	v14 =	vnsel vm0, $0x0, v54;
	v55 =	vshra.s32 v11, $0xC  }
0xf5: {  	v11 =	vand.u32 $0xFFF, v11;
	v13 =	vnsel vm12, $0x0, v55  }
0xf6: {  	v56 =	vor.u32 v8, v11;
	v11 =	vsel vm12, v11, v6;
	[tilespmem:$0x3450] =	vst v13  }
0xf7: {  	v57 =	vsel vm12, v56, v7;
	[tilespmem:$0x34D0] =	vst v11  }
0xf8: {  	[tilespmem:$0x3550] =	vst v57  }
0xf9: {  	v11 =	vld.idx.msk [tilespmem:v14+s21+$0x0], $0xffff  }
0xfa: {  	v58 =	vadd.s32 s0, v4  }
0xfb: {  	vm13 =	vlt.s32 v58, v10  }
0xfc: {  	v10 =	vsel vm13, v58, v10  }
0xfd: {  	vm0 =	vgt.s32 v10, $0x0  }
0xfe: {  	vm14 =	vlt.s32 v53, v9;
	v10 =	vnsel vm0, $0x0, v10;
	v59 =	vshra.s32 v11, $0xC  }
0xff: {  	v11 =	vand.u32 $0xFFF, v11;
	v12 =	vnsel vm14, $0x0, v59  }
0x100: {  	v60 =	vor.u32 v8, v11;
	v11 =	vsel vm14, v11, v6;
	[tilespmem:$0x3460] =	vst v12  }
0x101: {  	v61 =	vsel vm14, v60, v7;
	[tilespmem:$0x34E0] =	vst v11  }
0x102: {  	[tilespmem:$0x3560] =	vst v61  }
0x103: {  	v10 =	vld.idx.msk [tilespmem:v10+s21+$0x0], $0xffff;
	_ =	sdelay $0x4  }
0x104: {  	vm15 =	vlt.s32 v58, v9;
	v62 =	vshra.s32 v10, $0xC  }
0x105: {  	v10 =	vand.u32 $0xFFF, v10;
	v9 =	vnsel vm15, $0x0, v62  }
0x106: {  	v8 =	vor.u32 v8, v10;
	v63 =	vsel vm15, v10, v6;
	[tilespmem:$0x3470] =	vst v9  }
0x107: {  	v8 =	vsel vm15, v8, v7;
	[tilespmem:$0x34F0] =	vst v63  }
0x108: {  	[tilespmem:$0x3570] =	vst v8  }
0x109: {  	[tilespmem:s24], [sflag:$0x1] =	stream.indirect.gather [hbm4b:s7+s22], $0x80, s23, s22, $0xb8;
	[tilespmem:$0x1BA88] =	vst v63  }
0x10a: {  	_ =	swait.ge [sflag:s16], $0x4000  }
0x10b: {  	[sflag:s16] =	ssyncset.done $0x0  }
0x10c: {  	[sflag:s16] =	ssyncadd.s32 $0xFFFFC000  }
0x10d: {  	[spmem:s2] =	stream.indirect.scatter.add.f32 [tilespmem:s24], [sflag:$0x1], $0x80, s26, s22, $0xb8;
	[tilespmem:$0x1BA88] =	vst v63  }
0x10e: {  	_ =	swait.ge [sflag:s16], $0x4000  }
0x10f: {  	[sflag:s16] =	ssyncset.done $0x0  }
0x110: {  	[sflag:s16] =	ssyncadd.s32 $0xFFFFC000  }
0x111: {  	[spmem:s3] =	stream.indirect.scatter.add.f32 [tilespmem:s29], [sflag:$0x1], $0x1, s28, s22, $0xb8;
	[tilespmem:$0x1BA88] =	vst v63  }
0x112: {  	_ =	swait.ge [sflag:s16], $0x80  }
0x113: {  	[sflag:s16] =	ssyncset.done $0x0  }
0x114: {  	[sflag:s16] =	ssyncadd.s32 $0xFFFFFF80  }
.LBB2_11:
0x115: {  	s0 =	sadd.s32 s11, s31  }
0x116: {  	[bflag:$0x0] =	sbarrier.arrive $0xFFFF;
	s1 =	sshll.u32 s5, $0x6;
	s0 =	sshll.u32 s0, $0x10  }
0x117: {  	s18 =	sshrl.u32 s12, $0x3;
	s8 =	sadd.s32 s0, s13;
	s0 =	sor.u32 $0x1C01, s1  }
0x118: {  	[hbm:s8], [sflag:s0] =	dma.local [spmem:s18], $0x1000  }
0x119: {  	_ =	swait.ge [sflag:s16], $0x1000  }
0x11a: {  	s31 =	sadd.s32 $0x1, s31;
	[sflag:s16] =	ssyncset.done $0x0  }
0x11b: {  	p0 =	sne.s32 s31, $0x20;
	[sflag:s16] =	ssyncadd.s32 $0xFFFFF000  }
0x11c: {  	[spmem:s12] =	stream.linear.scatter [tilespmem:s17], [sflag:$0x1], $0x8000, $0x38;
	[tilespmem:$0x1BA88] =	vst v63  }
.Ltmp5:
0x11d: {  	_ =	swait.ge [sflag:s16], $0x8000;
	(pc) =	sbr.rel @!p0 .LBB2_12-.Ltmp5, $3  }
0x11e: {  	[sflag:s16] =	ssyncset.done $0x0  }
0x11f: {  	[sflag:s16] =	ssyncadd.s32 $0xFFFF8000  }
0x120: {  	[bflag:$0x0] =	sbarrier.arrive $0xFFFF;
	_ =	sdelay $0x1  }
.LBB2_6:
0x121: {  	p0 =	slt.u32 s31, $0x10;
	s0 =	simm.s32 $0x3280  }
0x122: {  	s0 =	simm.s32 @!p0 $0x3290  }
0x123: {  	v8 =	vld [tilespmem:s0+$0x0];
	_ =	sdelay $0x1  }
0x124: {  	s10 =	sand.u32 $0xF, s31  }
0x125: {  	v9 =	vmov s10  }
0x126: {  	vm0 =	veq.s32 v9, v4  }
0x127: {  	v8 =	vnsel vm0, $0x0, v8  }
0x128: {  	(xrf0) =	vadd.scan.msk.s32 $0xffff, v8;
	_ =	sdelay $0x4  }
0x129: {  	s0 =	simm.s32 $0x3380  }
0x12a: {  	s0 =	simm.s32 @!p0 $0x3390;
	v63, _, _ =	vpop (xrf0)  }
0x12b: {  	v8 =	vld [tilespmem:s0+$0x0];
	(v2sf) =	vpush v63, $0xF;
	_ =	sdelay $0x4  }
0x12c: {  	v8 =	vnsel vm0, $0x0, v8  }
0x12d: {  	(xrf0) =	vadd.scan.msk.s32 $0xffff, v8;
	_ =	sdelay $0x5  }
0x12e: {  	v8, _, _ =	vpop (xrf0)  }
0x12f: {  	(v2sf) =	vpush v8, $0xF;
	_ =	sdelay $0x1  }
0x130: {  	s0 =	spop (v2sf)  }
0x131: {  	s1 =	sadd.s32 $0x7F, s0  }
0x132: {  	s8 =	sand.u32 $0x7F, s1  }
0x133: {  	s18 =	sshra.s32 s1, $0x1F;
	p6 =	slt.s32 s1, $0x1;
	p1 =	sne.s32 s8, $0x0  }
0x134: {  	s18 =	sshrl.u32 s18, $0x19;
	p0 =	por !p6, !p1  }
0x135: {  	s8 =	simm.s32 $0x1;
	s1 =	sadd.s32 s18, s1;
	p0 =	por !p0, !p0  }
0x136: {  	s1 =	sshra.s32 s1, $0x7;
	s8 =	simm.s32 @!p0 $0x0  }
0x137: {  	s1 =	ssub.s32 s1, s8  }
0x138: {  	p0 =	slt.s32 s1, $0x1  }
.Ltmp6:
0x139: {  	_ = 	snop;
	(pc) =	sbr.rel @p0 .LBB2_11-.Ltmp6, $2  }
0x13a: {  	_ =	sdelay $0x2  }
0x13b: {  	s8 =	spop (v2sf)  }
0x13c: {  	p1 =	sne.s32 s1, $0x1  }
.Ltmp7:
0x13d: {  	_ = 	snop;
	(pc) =	sbr.rel @!p1 .LBB2_10-.Ltmp7, $4  }
0x13e: {  	_ = 	snop  }
0x13f: {  	s18 =	sadd.s32 s0, s8  }
0x140: {  	s10 =	sshll.u32 s31, $0xC;
	s0 =	sadd.s32 $0x70, s8;
	s9 =	sadd.s32 $0xFFFFFFFF, s18  }
0x141: {  	s1 =	sadd.s32 $0xFFFFFFFF, s1;
	p0 =	por $0x0, $0x0;
	v9 =	vmov s18;
	v8 =	vmov s10;
	s8 =	sadd.s32 $0xFFFFFF90, s0;
	v10 =	vmov s9  }
0x142: {  	v11 =	vadd.s32 s8, v4  }
0x143: {  	vm0 =	vlt.s32 v11, v10  }
0x144: {  	v12 =	vsel vm0, v11, v10  }
0x145: {  	vm0 =	vgt.s32 v12, $0x0  }
0x146: {  	v12 =	vnsel vm0, $0x0, v12;
	_ =	sdelay $0x4  }
0x147: {  	s9 =	sadd.s32 $0xFFFFFFA0, s0;
	v12 =	vld.idx.msk [tilespmem:v12+s21+$0x0], $0xffff  }
0x148: {  	v13 =	vadd.s32 s9, v4  }
0x149: {  	vm13 =	vlt.s32 v13, v10  }
0x14a: {  	v14 =	vsel vm13, v13, v10  }
0x14b: {  	vm0 =	vgt.s32 v14, $0x0  }
0x14c: {  	vm14 =	vlt.s32 v11, v9;
	v14 =	vnsel vm0, $0x0, v14;
	v11 =	vshra.s32 v12, $0xC  }
0x14d: {  	v12 =	vand.u32 $0xFFF, v12;
	v11 =	vnsel vm14, $0x0, v11  }
0x14e: {  	v15 =	vor.u32 v8, v12;
	v12 =	vsel vm14, v12, v6;
	[tilespmem:$0x3400] =	vst v11  }
0x14f: {  	v11 =	vsel vm14, v15, v7;
	[tilespmem:$0x3480] =	vst v12  }
0x150: {  	[tilespmem:$0x3500] =	vst v11  }
0x151: {  	s10 =	sadd.s32 $0xFFFFFFB0, s0;
	v11 =	vld.idx.msk [tilespmem:v14+s21+$0x0], $0xffff  }
0x152: {  	v31 =	vadd.s32 s10, v4  }
0x153: {  	vm15 =	vlt.s32 v31, v10  }
0x154: {  	v32 =	vsel vm15, v31, v10  }
0x155: {  	vm0 =	vgt.s32 v32, $0x0  }
0x156: {  	vm4 =	vlt.s32 v13, v9;
	v14 =	vnsel vm0, $0x0, v32;
	v33 =	vshra.s32 v11, $0xC  }
0x157: {  	v11 =	vand.u32 $0xFFF, v11;
	v13 =	vnsel vm4, $0x0, v33  }
0x158: {  	v34 =	vor.u32 v8, v11;
	v11 =	vsel vm4, v11, v6;
	[tilespmem:$0x3410] =	vst v13  }
0x159: {  	v35 =	vsel vm4, v34, v7;
	[tilespmem:$0x3490] =	vst v11  }
0x15a: {  	[tilespmem:$0x3510] =	vst v35  }
0x15b: {  	s18 =	sadd.s32 $0xFFFFFFC0, s0;
	v11 =	vld.idx.msk [tilespmem:v14+s21+$0x0], $0xffff  }
0x15c: {  	v36 =	vadd.s32 s18, v4  }
0x15d: {  	vm5 =	vlt.s32 v36, v10  }
0x15e: {  	v37 =	vsel vm5, v36, v10  }
0x15f: {  	vm0 =	vgt.s32 v37, $0x0  }
0x160: {  	vm6 =	vlt.s32 v31, v9;
	v14 =	vnsel vm0, $0x0, v37;
	v38 =	vshra.s32 v11, $0xC  }
0x161: {  	v11 =	vand.u32 $0xFFF, v11;
	v12 =	vnsel vm6, $0x0, v38  }
0x162: {  	v39 =	vor.u32 v8, v11;
	v11 =	vsel vm6, v11, v6;
	[tilespmem:$0x3420] =	vst v12  }
0x163: {  	v40 =	vsel vm6, v39, v7;
	[tilespmem:$0x34A0] =	vst v11  }
0x164: {  	[tilespmem:$0x3520] =	vst v40  }
0x165: {  	s9 =	sadd.s32 $0xFFFFFFD0, s0;
	v11 =	vld.idx.msk [tilespmem:v14+s21+$0x0], $0xffff  }
0x166: {  	v41 =	vadd.s32 s9, v4  }
0x167: {  	vm7 =	vlt.s32 v41, v10  }
0x168: {  	v42 =	vsel vm7, v41, v10  }
0x169: {  	vm0 =	vgt.s32 v42, $0x0  }
0x16a: {  	vm8 =	vlt.s32 v36, v9;
	v14 =	vnsel vm0, $0x0, v42;
	v43 =	vshra.s32 v11, $0xC  }
0x16b: {  	v11 =	vand.u32 $0xFFF, v11;
	v13 =	vnsel vm8, $0x0, v43  }
0x16c: {  	v44 =	vor.u32 v8, v11;
	v11 =	vsel vm8, v11, v6;
	[tilespmem:$0x3430] =	vst v13  }
0x16d: {  	v45 =	vsel vm8, v44, v7;
	[tilespmem:$0x34B0] =	vst v11  }
0x16e: {  	[tilespmem:$0x3530] =	vst v45  }
0x16f: {  	s10 =	sadd.s32 $0xFFFFFFE0, s0;
	v11 =	vld.idx.msk [tilespmem:v14+s21+$0x0], $0xffff  }
0x170: {  	v46 =	vadd.s32 s10, v4  }
0x171: {  	vm9 =	vlt.s32 v46, v10  }
0x172: {  	v47 =	vsel vm9, v46, v10  }
0x173: {  	vm0 =	vgt.s32 v47, $0x0  }
0x174: {  	vm10 =	vlt.s32 v41, v9;
	v14 =	vnsel vm0, $0x0, v47;
	v48 =	vshra.s32 v11, $0xC  }
0x175: {  	v11 =	vand.u32 $0xFFF, v11;
	v12 =	vnsel vm10, $0x0, v48  }
0x176: {  	v49 =	vor.u32 v8, v11;
	v11 =	vsel vm10, v11, v6;
	[tilespmem:$0x3440] =	vst v12  }
0x177: {  	v50 =	vsel vm10, v49, v7;
	[tilespmem:$0x34C0] =	vst v11  }
0x178: {  	[tilespmem:$0x3540] =	vst v50  }
0x179: {  	s18 =	sadd.s32 $0xFFFFFFF0, s0;
	v11 =	vld.idx.msk [tilespmem:v14+s21+$0x0], $0xffff  }
0x17a: {  	v51 =	vadd.s32 s18, v4  }
0x17b: {  	vm11 =	vlt.s32 v51, v10  }
0x17c: {  	v52 =	vsel vm11, v51, v10  }
0x17d: {  	vm0 =	vgt.s32 v52, $0x0  }
0x17e: {  	vm12 =	vlt.s32 v46, v9;
	v14 =	vnsel vm0, $0x0, v52;
	v53 =	vshra.s32 v11, $0xC  }
0x17f: {  	v11 =	vand.u32 $0xFFF, v11;
	v13 =	vnsel vm12, $0x0, v53  }
0x180: {  	v54 =	vor.u32 v8, v11;
	v11 =	vsel vm12, v11, v6;
	[tilespmem:$0x3450] =	vst v13  }
0x181: {  	v55 =	vsel vm12, v54, v7;
	[tilespmem:$0x34D0] =	vst v11  }
0x182: {  	[tilespmem:$0x3550] =	vst v55  }
0x183: {  	v11 =	vld.idx.msk [tilespmem:v14+s21+$0x0], $0xffff  }
0x184: {  	v56 =	vadd.s32 s0, v4  }
0x185: {  	vm13 =	vlt.s32 v56, v10  }
0x186: {  	v57 =	vsel vm13, v56, v10  }
0x187: {  	vm0 =	vgt.s32 v57, $0x0  }
0x188: {  	vm14 =	vlt.s32 v51, v9;
	v14 =	vnsel vm0, $0x0, v57;
	v58 =	vshra.s32 v11, $0xC  }
0x189: {  	v11 =	vand.u32 $0xFFF, v11;
	v12 =	vnsel vm14, $0x0, v58  }
0x18a: {  	v59 =	vor.u32 v8, v11;
	v11 =	vsel vm14, v11, v6;
	[tilespmem:$0x3460] =	vst v12  }
0x18b: {  	v60 =	vsel vm14, v59, v7;
	[tilespmem:$0x34E0] =	vst v11  }
0x18c: {  	[tilespmem:$0x3560] =	vst v60  }
0x18d: {  	v11 =	vld.idx.msk [tilespmem:v14+s21+$0x0], $0xffff;
	_ =	sdelay $0x4  }
0x18e: {  	vm15 =	vlt.s32 v56, v9;
	v61 =	vshra.s32 v11, $0xC  }
0x18f: {  	v11 =	vand.u32 $0xFFF, v11;
	v12 =	vnsel vm15, $0x0, v61  }
0x190: {  	p1 =	sne.s32 s1, $0x1;
	v62 =	vor.u32 v8, v11;
	v11 =	vsel vm15, v11, v6;
	[tilespmem:$0x3470] =	vst v12  }
.Ltmp8:
0x191: {  	v63 =	vsel vm15, v62, v7;
	[tilespmem:$0x34F0] =	vst v11;
	(pc) =	sbr.rel @!p1 .LBB2_10-.Ltmp8, $4  }
0x192: {  	[tilespmem:$0x3570] =	vst v63  }
0x193: {  	[tilespmem:s24], [sflag:$0x1] =	stream.indirect.gather [hbm4b:s7+s22], $0x80, s23, s22, $0xb8;
	[tilespmem:$0x1BA88] =	vst v63  }
0x194: {  	s1 =	sadd.s32 $0xFFFFFFFF, s1;
	s0 =	sadd.s32 $0x80, s0;
	_ =	swait.ge [sflag:s16], $0x4000  }
0x195: {  	p0 =	por $0x1, $0x1;
	s8 =	sadd.s32 $0xFFFFFF90, s0;
	[sflag:s16] =	ssyncset.done $0x0  }
.LBB2_9:
0x196: {  	p1 =	sne.s32 s1, $0x1;
	s1 =	sadd.s32 $0xFFFFFFFF, s1;
	v11 =	vadd.s32 s8, v4;
	[sflag:s16] =	ssyncadd.s32 $0xFFFFC000  }
0x197: {  	vm0 =	vlt.s32 v11, v10;
	[spmem:s2] =	stream.indirect.scatter.add.f32 [tilespmem:s24], [sflag:$0x1], $0x80, s26, s22, $0xb8;
	[tilespmem:$0x1BA88] =	vst v63  }
0x198: {  	v12 =	vsel vm0, v11, v10;
	_ =	swait.ge [sflag:s16], $0x4000  }
0x199: {  	vm0 =	vgt.s32 v12, $0x0;
	[sflag:s16] =	ssyncset.done $0x0  }
0x19a: {  	v12 =	vnsel vm0, $0x0, v12;
	[sflag:s16] =	ssyncadd.s32 $0xFFFFC000  }
0x19b: {  	[spmem:s3] =	stream.indirect.scatter.add.f32 [tilespmem:s29], [sflag:$0x1], $0x1, s28, s22, $0xb8;
	[tilespmem:$0x1BA88] =	vst v63  }
0x19c: {  	_ =	swait.ge [sflag:s16], $0x80  }
0x19d: {  	[sflag:s16] =	ssyncset.done $0x0  }
0x19e: {  	[sflag:s16] =	ssyncadd.s32 $0xFFFFFF80  }
0x19f: {  	s8 =	sadd.s32 $0xFFFFFFA0, s0;
	v12 =	vld.idx.msk [tilespmem:v12+s21+$0x0], $0xffff  }
0x1a0: {  	v13 =	vadd.s32 s8, v4  }
0x1a1: {  	vm0 =	vlt.s32 v13, v10  }
0x1a2: {  	v14 =	vsel vm0, v13, v10  }
0x1a3: {  	vm0 =	vgt.s32 v14, $0x0  }
0x1a4: {  	v14 =	vnsel vm0, $0x0, v14  }
0x1a5: {  	vm0 =	vlt.s32 v11, v9;
	v11 =	vshra.s32 v12, $0xC;
	v12 =	vand.u32 $0xFFF, v12  }
0x1a6: {  	v11 =	vnsel vm0, $0x0, v11;
	v15 =	vsel vm0, v12, v6;
	v12 =	vor.u32 v8, v12  }
0x1a7: {  	[tilespmem:$0x3400] =	vst v11;
	v11 =	vsel vm0, v12, v7  }
0x1a8: {  	[tilespmem:$0x3500] =	vst v11  }
0x1a9: {  	[tilespmem:$0x3480] =	vst v15  }
0x1aa: {  	s8 =	sadd.s32 $0xFFFFFFB0, s0;
	v11 =	vld.idx.msk [tilespmem:v14+s21+$0x0], $0xffff  }
0x1ab: {  	v12 =	vadd.s32 s8, v4  }
0x1ac: {  	vm0 =	vlt.s32 v12, v10  }
0x1ad: {  	v14 =	vsel vm0, v12, v10  }
0x1ae: {  	vm0 =	vgt.s32 v14, $0x0  }
0x1af: {  	v14 =	vnsel vm0, $0x0, v14  }
0x1b0: {  	vm0 =	vlt.s32 v13, v9;
	v13 =	vshra.s32 v11, $0xC;
	v11 =	vand.u32 $0xFFF, v11  }
0x1b1: {  	v13 =	vnsel vm0, $0x0, v13;
	v15 =	vsel vm0, v11, v6;
	v11 =	vor.u32 v8, v11  }
0x1b2: {  	v11 =	vsel vm0, v11, v7;
	[tilespmem:$0x3410] =	vst v13  }
0x1b3: {  	[tilespmem:$0x3510] =	vst v11  }
0x1b4: {  	[tilespmem:$0x3490] =	vst v15  }
0x1b5: {  	s8 =	sadd.s32 $0xFFFFFFC0, s0;
	v11 =	vld.idx.msk [tilespmem:v14+s21+$0x0], $0xffff  }
0x1b6: {  	v13 =	vadd.s32 s8, v4  }
0x1b7: {  	vm0 =	vlt.s32 v13, v10  }
0x1b8: {  	v14 =	vsel vm0, v13, v10  }
0x1b9: {  	vm0 =	vgt.s32 v14, $0x0  }
0x1ba: {  	v14 =	vnsel vm0, $0x0, v14  }
0x1bb: {  	vm0 =	vlt.s32 v12, v9;
	v12 =	vshra.s32 v11, $0xC;
	v11 =	vand.u32 $0xFFF, v11  }
0x1bc: {  	v12 =	vnsel vm0, $0x0, v12;
	v15 =	vsel vm0, v11, v6;
	v11 =	vor.u32 v8, v11  }
0x1bd: {  	v11 =	vsel vm0, v11, v7;
	[tilespmem:$0x3420] =	vst v12  }
0x1be: {  	[tilespmem:$0x3520] =	vst v11  }
0x1bf: {  	[tilespmem:$0x34A0] =	vst v15  }
0x1c0: {  	s8 =	sadd.s32 $0xFFFFFFD0, s0;
	v11 =	vld.idx.msk [tilespmem:v14+s21+$0x0], $0xffff  }
0x1c1: {  	v12 =	vadd.s32 s8, v4  }
0x1c2: {  	vm0 =	vlt.s32 v12, v10  }
0x1c3: {  	v14 =	vsel vm0, v12, v10  }
0x1c4: {  	vm0 =	vgt.s32 v14, $0x0  }
0x1c5: {  	v14 =	vnsel vm0, $0x0, v14  }
0x1c6: {  	vm0 =	vlt.s32 v13, v9;
	v13 =	vshra.s32 v11, $0xC;
	v11 =	vand.u32 $0xFFF, v11  }
0x1c7: {  	v13 =	vnsel vm0, $0x0, v13;
	v15 =	vsel vm0, v11, v6;
	v11 =	vor.u32 v8, v11  }
0x1c8: {  	v11 =	vsel vm0, v11, v7;
	[tilespmem:$0x3430] =	vst v13  }
0x1c9: {  	[tilespmem:$0x3530] =	vst v11  }
0x1ca: {  	[tilespmem:$0x34B0] =	vst v15  }
0x1cb: {  	s8 =	sadd.s32 $0xFFFFFFE0, s0;
	v11 =	vld.idx.msk [tilespmem:v14+s21+$0x0], $0xffff  }
0x1cc: {  	v13 =	vadd.s32 s8, v4  }
0x1cd: {  	vm0 =	vlt.s32 v13, v10  }
0x1ce: {  	v14 =	vsel vm0, v13, v10  }
0x1cf: {  	vm0 =	vgt.s32 v14, $0x0  }
0x1d0: {  	v14 =	vnsel vm0, $0x0, v14  }
0x1d1: {  	vm0 =	vlt.s32 v12, v9;
	v12 =	vshra.s32 v11, $0xC;
	v11 =	vand.u32 $0xFFF, v11  }
0x1d2: {  	v12 =	vnsel vm0, $0x0, v12;
	v15 =	vsel vm0, v11, v6;
	v11 =	vor.u32 v8, v11  }
0x1d3: {  	v11 =	vsel vm0, v11, v7;
	[tilespmem:$0x3440] =	vst v12  }
0x1d4: {  	[tilespmem:$0x3540] =	vst v11  }
0x1d5: {  	[tilespmem:$0x34C0] =	vst v15  }
0x1d6: {  	s8 =	sadd.s32 $0xFFFFFFF0, s0;
	v11 =	vld.idx.msk [tilespmem:v14+s21+$0x0], $0xffff  }
0x1d7: {  	v12 =	vadd.s32 s8, v4  }
0x1d8: {  	vm0 =	vlt.s32 v12, v10  }
0x1d9: {  	v14 =	vsel vm0, v12, v10  }
0x1da: {  	vm0 =	vgt.s32 v14, $0x0  }
0x1db: {  	v14 =	vnsel vm0, $0x0, v14  }
0x1dc: {  	vm0 =	vlt.s32 v13, v9;
	v13 =	vshra.s32 v11, $0xC;
	v11 =	vand.u32 $0xFFF, v11  }
0x1dd: {  	v13 =	vnsel vm0, $0x0, v13;
	v15 =	vsel vm0, v11, v6;
	v11 =	vor.u32 v8, v11  }
0x1de: {  	v11 =	vsel vm0, v11, v7;
	[tilespmem:$0x3450] =	vst v13  }
0x1df: {  	[tilespmem:$0x3550] =	vst v11  }
0x1e0: {  	[tilespmem:$0x34D0] =	vst v15  }
0x1e1: {  	v11 =	vld.idx.msk [tilespmem:v14+s21+$0x0], $0xffff  }
0x1e2: {  	v13 =	vadd.s32 s0, v4  }
0x1e3: {  	vm0 =	vlt.s32 v13, v10  }
0x1e4: {  	v14 =	vsel vm0, v13, v10  }
0x1e5: {  	vm0 =	vgt.s32 v14, $0x0  }
0x1e6: {  	v14 =	vnsel vm0, $0x0, v14  }
0x1e7: {  	vm0 =	vlt.s32 v12, v9;
	v12 =	vshra.s32 v11, $0xC;
	v11 =	vand.u32 $0xFFF, v11  }
0x1e8: {  	v12 =	vnsel vm0, $0x0, v12;
	v15 =	vsel vm0, v11, v6;
	v11 =	vor.u32 v8, v11  }
0x1e9: {  	v11 =	vsel vm0, v11, v7;
	[tilespmem:$0x3460] =	vst v12  }
0x1ea: {  	[tilespmem:$0x3560] =	vst v11  }
0x1eb: {  	[tilespmem:$0x34E0] =	vst v15  }
0x1ec: {  	v11 =	vld.idx.msk [tilespmem:v14+s21+$0x0], $0xffff;
	_ =	sdelay $0x5  }
0x1ed: {  	vm0 =	vlt.s32 v13, v9;
	v12 =	vshra.s32 v11, $0xC;
	v11 =	vand.u32 $0xFFF, v11  }
0x1ee: {  	v12 =	vnsel vm0, $0x0, v12;
	v13 =	vsel vm0, v11, v6;
	v11 =	vor.u32 v8, v11  }
0x1ef: {  	v11 =	vsel vm0, v11, v7;
	[tilespmem:$0x3470] =	vst v12  }
.Ltmp9:
0x1f0: {  	[tilespmem:$0x3570] =	vst v11;
	(pc) =	sbr.rel @p1 .LBB2_9-.Ltmp9, $4  }
0x1f1: {  	[tilespmem:$0x34F0] =	vst v13  }
0x1f2: {  	[tilespmem:s24], [sflag:$0x1] =	stream.indirect.gather [hbm4b:s7+s22], $0x80, s23, s22, $0xb8;
	[tilespmem:$0x1BA88] =	vst v63  }
0x1f3: {  	s0 =	sadd.s32 $0x80, s0;
	_ =	swait.ge [sflag:s16], $0x4000  }
0x1f4: {  	s8 =	sadd.s32 $0xFFFFFF90, s0;
	[sflag:s16] =	ssyncset.done $0x0  }
.Ltmp10:
0x1f5: {  	_ = 	snop;
	(pc) =	sbr.rel .LBB2_10-.Ltmp10, $1  }
0x1f6: {  	_ =	sdelay $0x3  }
.LBB2_13:
0x1f7: {  	_ =	sfence.sel $0x180000  }
0x1f8: {  	[bflag:$0x0] =	sbarrier.arrive $0xFFFF  }
0x1f9: {  	_ =	strace $0x90000047  }
0x1fa: {  	[bflag:$0x2] =	sbarrier.arrive $0xFFFF  }
0x1fb: {  	p0 =	sne.s32 s5, $0x0;
	s0 =	rddreg [dreg:$0x4]  }
0x1fc: {  	s0 =	sadd.s32 @!p0 $0x100000, s0  }
0x1fd: {  	[sflag:s0] =	ssyncadd.tile.s32 @!p0 $0x1;
	_ =	shalt  }
.Lfunc_end2:
_tile_overlayer_lowered:
.L_overlay_start_2:
0x1fe: {  	(tag) =	ssettag $0x2  }
0x1ff: {  	s0 =	rddreg [dreg:$0x0];
	s2 =	stileid.u32  }
0x200: {  	s1 =	rddreg [dreg:$0x1];
	p0 =	sne.s32 s2, $0x0  }
0x201: {  	s3 =	rddreg [dreg:$0x2];
	[bflag:$0x3] =	sbarrier.arrive $0xFFFF;
	s2 =	simm.s32 @!p0 $0x1C01  }
0x202: {  	[timem:s3], [sflag:s2] =	dma.local @!p0 [hbm:s0], s1  }
0x203: {  	s0 =	simm.s32 @!p0 $0x1  }
0x204: {  	_ =	swait.ge @!p0 [sflag:s0], s1  }
0x205: {  	s1 =	ssub.s32 @!p0 $0x0, s1;
	[sflag:s0] =	ssyncset.done @!p0 $0x0  }
0x206: {  	[sflag:s0] =	ssyncadd.s32 @!p0 s1  }
0x207: {  	[bflag:$0x3] =	sbarrier.arrive $0xFFFF  }
0x208: {  	_ =	shalt  }

// kernel: kernel.9.cloned.1.call-start
scs
__scs_entry_jumppad:
0x0: {  	(pc) =	sbr.rel $0x88, $3  }
0x1: {  	(tag) =	ssettag $0x0;
	lr =	simm.s32 $0x1  }
0x2: {  	[smem:$0x3F9A] =	sst lr;
	_ =	strace $0xD0000000  }
0x3: {  	_ = 	snop  }
0x4: {  	_ = 	snop  }
0x5: {  	_ = 	snop  }
0x6: {  	_ = 	snop  }
0x7: {  	_ = 	snop  }
__scs_overlays_trampoline_lowered:
0x8: {  	[smem:$0x3FA9] =	sst s0  }
0x9: {  	[smem:$0x3FAA] =	sst s1  }
0xa: {  	[smem:$0x3FAB] =	sst s2  }
0xb: {  	[smem:$0x3FAC] =	sst s3  }
0xc: {  	[smem:$0x3FAD] =	sst s4  }
0xd: {  	[smem:$0x3FAE] =	sst s5  }
0xe: {  	[smem:$0x3FAF] =	sst s6  }
0xf: {  	[smem:$0x3FB0] =	sst s7  }
0x10: {  	[smem:$0x3FB1] =	sst s8  }
0x11: {  	[smem:$0x3FB2] =	sst s9;
	s0 =	simm.s32 @!p0 $0x0  }
0x12: {  	s1 =	sld [smem:$0x3F98];
	s0 =	simm.s32 @p0 $0x1  }
0x13: {  	[smem:$0x3FB3] =	sst s0;
	s0 =	simm.s32 @!p1 $0x0  }
0x14: {  	s2 =	sld [smem:$0x3F97];
	s0 =	simm.s32 @p1 $0x1  }
0x15: {  	[smem:$0x3FB4] =	sst s0;
	s0 =	simm.s32 @!p2 $0x0  }
0x16: {  	s3 =	sld [smem:$0x3FDB];
	s0 =	simm.s32 @p2 $0x1  }
0x17: {  	s4 =	simm.s32 $0x1BF5;
	[smem:$0x3FB6] =	sst s0  }
0x18: {  	s0 =	sld [smem:$0x3F99];
	_ =	swait.ge [sflag:s4], $0x0  }
0x19: {  	s7 =	sld [smem:$0x3F9A]  }
0x1a: {  	s8 =	sadd.s32 $0xFFFFE003, lr  }
0x1b: {  	s9 =	sadd.s32 $0xFFFFFEF7, lr;
	s5 =	simm.s32 $0xFFFFFFFF;
	p2 =	slt.u32 s8, $0xFFFFF086  }
0x1c: {  	p1 =	slt.u32 s9, $0xF7A;
	s5 =	simm.s32 @!p2 $0x0  }
0x1d: {  	s5 =	simm.s32 @p1 $0x1;
	p0 =	seq.s32 s7, s2  }
0x1e: {  	s7 =	smul.u32 @!p0 $0xF7A, s2;
	p2 =	seq.s32 @!p0 s5, $0x0  }
0x1f: {  	s9 =	smul.u32 $0xF7A, s1;
	s8 =	simm.s32 @!p0 $0x1BF5;
	p2 =	por !p2, p0  }
0x20: {  	[sflag:s8] =	ssyncset.s32 @!p0 $0xFFFFF086;
	s6 =	sadd.s32 @!p0 s3, s7;
	s7 =	simm.s32 @!p0 $0x108  }
0x21: {  	s3 =	sadd.s32 s3, s9;
	s6 =	sadd.s32 @!p0 $0x88, s6;
	s7 =	simm.s32 @p2 $0x1082  }
0x22: {  	[simem:s7], [sflag:s8] =	dma.local @!p0 [hbm:s6], $0xF7A  }
0x23: {  	s9 =	sor.u32 $0xD0000000, s2;
	s6 =	simm.s32 $0x108;
	_ =	swait.ge @!p0 [sflag:s8], $0x0  }
0x24: {  	s3 =	sadd.s32 $0x88, s3;
	s6 =	simm.s32 @!p1 $0x1082;
	[sflag:s4] =	ssyncset.s32 $0xFFFFF086  }
0x25: {  	[simem:s6], [sflag:s4] =	dma.local [hbm:s3], $0xF7A  }
0x26: {  	[smem:$0x3F9A] =	sst s1;
	(tag) =	ssettag s2;
	_ =	strace s9  }
0x27: {  	s1 =	sld [smem:$0x3FAA]  }
0x28: {  	s2 =	sld [smem:$0x3FAB]  }
0x29: {  	s4 =	sld [smem:$0x3FAD]  }
0x2a: {  	p0 =	seq.s32 s5, $0x0;
	s5 =	sld [smem:$0x3FAE]  }
0x2b: {  	s6 =	sld [smem:$0x3FAF]  }
0x2c: {  	s7 =	sld [smem:$0x3FB0]  }
0x2d: {  	s3 =	simm.s32 $0x108;
	s8 =	sld [smem:$0x3FB1]  }
0x2e: {  	s3 =	simm.s32 @!p0 $0x1082;
	s9 =	sld [smem:$0x3FB2]  }
0x2f: {  	lr =	sadd.s32 s0, s3;
	s0 =	sld [smem:$0x3FA9]  }
0x30: {  	s3 =	sld [smem:$0x3FAC]  }
0x31: {  	[smem:$0x3FB5] =	sst s10  }
0x32: {  	s10 =	sld [smem:$0x3FB3];
	_ =	sdelay $0x3  }
0x33: {  	p0 =	seq.s32 s10, $0x1;
	s10 =	sld [smem:$0x3FB5];
	_ =	sdelay $0x3  }
0x34: {  	[smem:$0x3FB5] =	sst s10  }
0x35: {  	s10 =	sld [smem:$0x3FB4];
	_ =	sdelay $0x3  }
0x36: {  	p1 =	seq.s32 s10, $0x1;
	s10 =	sld [smem:$0x3FB5];
	_ =	sdelay $0x3  }
0x37: {  	[smem:$0x3FB5] =	sst s10  }
0x38: {  	s10 =	sld [smem:$0x3FB6]  }
0x39: {  	_ = 	snop;
	(pc) =	sbr.ind lr, $3  }
0x3a: {  	_ = 	snop  }
0x3b: {  	_ = 	snop  }
0x3c: {  	p2 =	seq.s32 s10, $0x1;
	s10 =	sld [smem:$0x3FB5]  }
0x3d: {  	_ =	shalt  }
0x3e: {  	_ =	shalt  }
0x3f: {  	_ =	shalt  }
0x40: {  	_ =	shalt  }
0x41: {  	_ =	shalt  }
0x42: {  	_ =	shalt  }
0x43: {  	_ =	shalt  }
0x44: {  	_ =	shalt  }
0x45: {  	_ =	shalt  }
0x46: {  	_ =	shalt  }
0x47: {  	_ =	shalt  }
0x48: {  	_ =	shalt  }
0x49: {  	_ =	shalt  }
0x4a: {  	_ =	shalt  }
0x4b: {  	_ =	shalt  }
0x4c: {  	_ =	shalt  }
0x4d: {  	_ =	shalt  }
0x4e: {  	_ =	shalt  }
0x4f: {  	_ =	shalt  }
0x50: {  	_ =	shalt  }
0x51: {  	_ =	shalt  }
0x52: {  	_ =	shalt  }
0x53: {  	_ =	shalt  }
0x54: {  	_ =	shalt  }
0x55: {  	_ =	shalt  }
0x56: {  	_ =	shalt  }
0x57: {  	_ =	shalt  }
0x58: {  	_ =	shalt  }
0x59: {  	_ =	shalt  }
0x5a: {  	_ =	shalt  }
0x5b: {  	_ =	shalt  }
0x5c: {  	_ =	shalt  }
0x5d: {  	_ =	shalt  }
0x5e: {  	_ =	shalt  }
0x5f: {  	_ =	shalt  }
0x60: {  	_ =	shalt  }
0x61: {  	_ =	shalt  }
0x62: {  	_ =	shalt  }
0x63: {  	_ =	shalt  }
0x64: {  	_ =	shalt  }
0x65: {  	_ =	shalt  }
0x66: {  	_ =	shalt  }
0x67: {  	_ =	shalt  }
0x68: {  	_ =	shalt  }
0x69: {  	_ =	shalt  }
0x6a: {  	_ =	shalt  }
0x6b: {  	_ =	shalt  }
0x6c: {  	_ =	shalt  }
0x6d: {  	_ =	shalt  }
0x6e: {  	_ =	shalt  }
0x6f: {  	_ =	shalt  }
0x70: {  	_ =	shalt  }
0x71: {  	_ =	shalt  }
0x72: {  	_ =	shalt  }
0x73: {  	_ =	shalt  }
0x74: {  	_ =	shalt  }
0x75: {  	_ =	shalt  }
0x76: {  	_ =	shalt  }
0x77: {  	_ =	shalt  }
0x78: {  	_ =	shalt  }
0x79: {  	_ =	shalt  }
0x7a: {  	_ =	shalt  }
0x7b: {  	_ =	shalt  }
0x7c: {  	_ =	shalt  }
0x7d: {  	_ =	shalt  }
0x7e: {  	_ =	shalt  }
0x7f: {  	_ =	shalt  }
0x80: {  	_ =	shalt  }
0x81: {  	_ =	shalt  }
0x82: {  	_ =	shalt  }
0x83: {  	_ =	shalt  }
0x84: {  	_ =	shalt  }
0x85: {  	_ =	shalt  }
0x86: {  	_ =	shalt  }
0x87: {  	_ =	shalt  }
.Lfunc_end0:
.L_simem_size_0:
called_computation.1_lowered:
.L_overlay_start_0:
0x88: {  	s2 =	sld [smem:$0x3FD9]  }
0x89: {  	s3 =	sld [smem:$0x3FFE];
	_ =	sdelay $0x1  }
0x8a: {  	s1 =	srdreg.scid  }
0x8b: {  	s0 =	sand.u32 $0x1, s1  }
0x8c: {  	s16 =	sshll.u32 s0, $0xA;
	s2 =	sadd.s32 s3, s2  }
0x8d: {  	s2 =	sadd.s32 s2, s16  }
0x8e: {  	[smem:$0x3FC1] =	sst s2  }
0x8f: {  	_ = 	snop  }
0x90: {  	(tm) =	ssettm $0x1  }
0x91: {  	s17 =	sld [smem:$0x3FFB];
	_ =	sdelay $0x3  }
0x92: {  	_ =	strace s17  }
0x93: {  	s2 =	sld [smem:$0x3FFC];
	_ =	sdelay $0x3  }
0x94: {  	_ =	strace s2  }
0x95: {  	s2 =	sld [smem:$0x3FFD];
	_ =	sdelay $0x3  }
0x96: {  	_ =	strace s2  }
0x97: {  	_ =	strace $0x8FFFFFFF  }
0x98: {  	s18 =	sld [smem:$0x3FDB];
	_ =	sdelay $0x1  }
0x99: {  	s19 =	simm.s32 $_scs_section_size  }
0x9a: {  	s4 =	simm.s32 $_size__tile_overlayer_lowered;
	s5 =	simm.s32 $_tile_overlayer_lowered  }
0x9b: {  	s22 =	simm.s32 $0x1BFF;
	s21 =	sshll.u32 s5, $0x1;
	s2 =	sadd.s32 s19, s18  }
0x9c: {  	s6 =	simm.s32 $0x0;
	s20 =	sshll.u32 s4, $0x1;
	s4 =	sadd.s32 s21, s2  }
0x9d: {  	[timem:s6], [sflag:s22] =	dma.local [hbm:s4], s20  }
0x9e: {  	_ =	swait.ge [sflag:s22], s20  }
0x9f: {  	s3 =	ssub.s32 $0x0, s20;
	[sflag:s22] =	ssyncset.done $0x0  }
0xa0: {  	[sflag:s22] =	ssyncadd.s32 s3;
	_ =	sdelay $0x1  }
0xa1: {  	s23 =	simm.s32 $0x1B8B  }
0xa2: {  	_ =	swait.ge [sflag:s23], $0x1  }
0xa3: {  	[sflag:s23] =	ssyncset.done $0x0  }
0xa4: {  	s25 =	simm.s32 $0x1B8E;
	s24 =	sld [smem:$0x3FFE];
	[sflag:s23] =	ssyncadd.s32 $0xFFFFFFFF  }
0xa5: {  	s26 =	simm.s32 $execute0_lowered;
	[smem:$0x3FD2] =	sst s25  }
0xa6: {  	s4 =	sshll.u32 s26, $0x1;
	_ =	strace $0x80000049;
	[dreg:$0x1] =	wrdreg $0xFFFFFFFF  }
0xa7: {  	s28 =	simm.s32 $_size_execute0_lowered;
	s2 =	sadd.s32 s2, s4;
	[dreg:$0x0] =	wrdreg $0x0  }
0xa8: {  	s4 =	sshll.u32 s28, $0x1;
	[dreg:$0x2] =	wrdreg s2  }
0xa9: {  	[dreg:$0x3] =	wrdreg s4  }
0xaa: {  	[dreg:$0x4] =	wrdreg $0xC0  }
0xab: {  	_ =	task [dreg:s6], $0x5FFFF  }
0xac: {  	[dreg:$0x1] =	wrdreg $0xFFFFFFFF  }
0xad: {  	[dreg:$0x0] =	wrdreg $0x60  }
0xae: {  	[dreg:$0x2] =	wrdreg s24  }
0xaf: {  	[dreg:$0x3] =	wrdreg $0x9  }
0xb0: {  	_ =	task.clear_ibuf [dreg:s6], $0x4FFFF;
	_ =	strace $0x90000049  }
0xb1: {  	s29 =	simm.s32 $0x9;
	_ =	strace $0x8000004B  }
0xb2: {  	_ =	swait.ge [sflag:s29], $0x1  }
0xb3: {  	[sflag:s29] =	ssyncadd.s32 $0xFFFFFFFF  }
0xb4: {  	_ =	strace $0x9000004B  }
0xb5: {  	_ =	sfence  }
0xb6: {  	s30 =	sld [smem:$0x0];
	_ =	sdelay $0x2  }
0xb7: {  	s31 =	sshll.u32 s1, $0xD;
	s1 =	sshrl.u32 s1, $0x2  }
0xb8: {  	s3 =	sand.u32 $0x4000, s31;
	s1 =	sadd.s32 s1, s30  }
0xb9: {  	s0 =	sor.u32 s3, s0;
	s1 =	sshll.u32 s1, $0x11  }
0xba: {  	s0 =	sor.u32 s1, s0  }
0xbb: {  	s0 =	sadd.s32 $0x8F2B, s0  }
0xbc: {  	[sflag:s0] =	ssyncadd.remote.s32 $0x1  }
0xbd: {  	_ =	sfence.sel $0xFFFF  }
0xbe: {  	[dreg:$0x0] =	wrdreg $0xFFFFFFFF;
	(pc) =	sbr.abs _section_cstart, $3  }
0xbf: {  	[dreg:$0x1] =	wrdreg $0xFFFFFFFF  }
0xc0: {  	_ =	task.clear_ibuf [dreg:s6], $0x2FFFF;
	_ =	strace $0x9FFFFFFF  }
0xc1: {  	(tm) =	ssettm $0x7FFFFFFF  }
tec
execute0_lowered:
.L_overlay_start_1:
0x0: {  	(tag) =	ssettag $0x1  }
0x1: {  	s1 =	srdreg.scid  }
0x2: {  	s0 =	stileid.u32;
	s4 =	rddreg [dreg:$0x0];
	s2 =	simm.s32 $0x0  }
0x3: {  	s8 =	simm.s32 $0x80;
	s9 =	simm.s32 $0xC80;
	s10 =	simm.s32 $0xD00  }
0x4: {  	s11 =	simm.s32 $0xD80;
	s3 =	sand.u32 $0x1, s1;
	s5 =	sshll.u32 s0, $0x1  }
0x5: {  	s12 =	simm.s32 $0x0;
	s1 =	rddreg [dreg:$0x1];
	s5 =	sor.u32 s3, s5  }
0x6: {  	[smem:$0x7FF] =	sst s2;
	s6 =	ssub.s32 $0x2, s3;
	s5 =	smul.u32 $0x190, s5  }
0x7: {  	_ =	strace $0x8000004A;
	s3 =	sadd.s32 $0x4000, s4;
	s7 =	sshrl.u32 s6, $0x1  }
0x8: {  	s6 =	ssub.s32 s6, s7;
	s7 =	simm.s32 $0x1;
	s5 =	sadd.s32 s5, s4  }
0x9: {  	s6 =	smax.u32 s6, $0x1;
	s4 =	sadd.s32 $0xE00, s5;
	s5 =	sadd.s32 $0xC000, s5  }
.LBB2_1:
0xa: {  	[tilespmem:s2], [sflag:$0x1] =	stream.linear.gather [hbm4b:s4+s2], $0xC80, $0x38;
	[tilespmem:$0x1A00] =	vst v63  }
0xb: {  	_ =	swait.ge [sflag:s7], $0xC80  }
0xc: {  	[sflag:s7] =	ssyncset.done $0x0  }
0xd: {  	s13 =	simm.s32 $0x0;
	[sflag:s7] =	ssyncadd.s32 $0xFFFFF380  }
0xe: {  	v0 =	vld [tilespmem:s13+$0x0];
	_ =	sdelay $0x4  }
0xf: {  	vm0 =	vgt.s32 v0, $0x0  }
0x10: {  	v0 =	vnsel vm0, $0x0, v0  }
0x11: {  	[tilespmem:$0xC80] =	vst v0  }
0x12: {  	v0 =	vld [tilespmem:s13+$0x10];
	_ =	sdelay $0x4  }
0x13: {  	vm0 =	vgt.s32 v0, $0x0  }
0x14: {  	v0 =	vnsel vm0, $0x0, v0  }
0x15: {  	[tilespmem:$0xC90] =	vst v0  }
0x16: {  	v0 =	vld [tilespmem:s13+$0x20];
	_ =	sdelay $0x4  }
0x17: {  	vm0 =	vgt.s32 v0, $0x0  }
0x18: {  	v0 =	vnsel vm0, $0x0, v0  }
0x19: {  	[tilespmem:$0xCA0] =	vst v0  }
0x1a: {  	v0 =	vld [tilespmem:s13+$0x30];
	_ =	sdelay $0x4  }
0x1b: {  	vm0 =	vgt.s32 v0, $0x0  }
0x1c: {  	v0 =	vnsel vm0, $0x0, v0  }
0x1d: {  	[tilespmem:$0xCB0] =	vst v0  }
0x1e: {  	v0 =	vld [tilespmem:s13+$0x40];
	_ =	sdelay $0x4  }
0x1f: {  	vm0 =	vgt.s32 v0, $0x0  }
0x20: {  	v0 =	vnsel vm0, $0x0, v0  }
0x21: {  	[tilespmem:$0xCC0] =	vst v0  }
0x22: {  	v0 =	vld [tilespmem:s13+$0x50];
	_ =	sdelay $0x4  }
0x23: {  	vm0 =	vgt.s32 v0, $0x0  }
0x24: {  	v0 =	vnsel vm0, $0x0, v0  }
0x25: {  	[tilespmem:$0xCD0] =	vst v0  }
0x26: {  	v0 =	vld [tilespmem:s13+$0x60];
	_ =	sdelay $0x4  }
0x27: {  	vm0 =	vgt.s32 v0, $0x0  }
0x28: {  	v0 =	vnsel vm0, $0x0, v0  }
0x29: {  	[tilespmem:$0xCE0] =	vst v0  }
0x2a: {  	v0 =	vld [tilespmem:s13+$0x70];
	_ =	sdelay $0x4  }
0x2b: {  	vm0 =	vgt.s32 v0, $0x0  }
0x2c: {  	v0 =	vnsel vm0, $0x0, v0  }
0x2d: {  	[tilespmem:$0xCF0] =	vst v0  }
0x2e: {  	[tilespmem:s10], [sflag:$0x1] =	stream.indirect.gather [hbm4b:s3+s8], $0x1, s9, s8, $0xb8;
	[tilespmem:$0x1A00] =	vst v63  }
0x2f: {  	_ =	swait.ge [sflag:s7], $0x80  }
0x30: {  	[sflag:s7] =	ssyncset.done $0x0  }
0x31: {  	[sflag:s7] =	ssyncadd.s32 $0xFFFFFF80  }
0x32: {  	v0 =	vld [tilespmem:$0xD00];
	_ =	sdelay $0x4  }
0x33: {  	[tilespmem:s13+$0xD80] =	vst v0  }
0x34: {  	v0 =	vld [tilespmem:$0xD10];
	_ =	sdelay $0x4  }
0x35: {  	[tilespmem:s13+$0xD90] =	vst v0  }
0x36: {  	v0 =	vld [tilespmem:$0xD20];
	_ =	sdelay $0x4  }
0x37: {  	[tilespmem:s13+$0xDA0] =	vst v0  }
0x38: {  	v0 =	vld [tilespmem:$0xD30];
	_ =	sdelay $0x4  }
0x39: {  	[tilespmem:s13+$0xDB0] =	vst v0  }
0x3a: {  	v0 =	vld [tilespmem:$0xD40];
	_ =	sdelay $0x4  }
0x3b: {  	[tilespmem:s13+$0xDC0] =	vst v0  }
0x3c: {  	v0 =	vld [tilespmem:$0xD50];
	_ =	sdelay $0x4  }
0x3d: {  	[tilespmem:s13+$0xDD0] =	vst v0  }
0x3e: {  	v1 =	vld [tilespmem:$0xD60];
	_ =	sdelay $0x3  }
0x3f: {  	s16 =	simm.s32 $0x80  }
0x40: {  	v0 =	vld [tilespmem:s16+$0x0];
	[tilespmem:s13+$0xDE0] =	vst v1  }
0x41: {  	v1 =	vld [tilespmem:$0xD70];
	_ =	sdelay $0x3  }
0x42: {  	s14 =	simm.s32 $0x400;
	vm0 =	vgt.s32 v0, $0x0  }
.LBB2_2:
0x43: {  	p0 =	sne.s32 s14, $0x3000;
	v0 =	vnsel vm0, $0x0, v0;
	[tilespmem:s13+$0xDF0] =	vst v1;
	s15 =	smov.u32 s14;
	s14 =	sadd.s32 $0x200, s14  }
0x44: {  	s13 =	smov.u32 s16;
	[tilespmem:$0xC80] =	vst v0  }
0x45: {  	v0 =	vld [tilespmem:s13+$0x10];
	_ =	sdelay $0x4  }
0x46: {  	vm0 =	vgt.s32 v0, $0x0  }
0x47: {  	v0 =	vnsel vm0, $0x0, v0  }
0x48: {  	[tilespmem:$0xC90] =	vst v0  }
0x49: {  	v0 =	vld [tilespmem:s13+$0x20];
	_ =	sdelay $0x4  }
0x4a: {  	vm0 =	vgt.s32 v0, $0x0  }
0x4b: {  	v0 =	vnsel vm0, $0x0, v0  }
0x4c: {  	[tilespmem:$0xCA0] =	vst v0  }
0x4d: {  	v0 =	vld [tilespmem:s13+$0x30];
	_ =	sdelay $0x4  }
0x4e: {  	vm0 =	vgt.s32 v0, $0x0  }
0x4f: {  	v0 =	vnsel vm0, $0x0, v0  }
0x50: {  	[tilespmem:$0xCB0] =	vst v0  }
0x51: {  	v0 =	vld [tilespmem:s13+$0x40];
	_ =	sdelay $0x4  }
0x52: {  	vm0 =	vgt.s32 v0, $0x0  }
0x53: {  	v0 =	vnsel vm0, $0x0, v0  }
0x54: {  	[tilespmem:$0xCC0] =	vst v0  }
0x55: {  	v0 =	vld [tilespmem:s13+$0x50];
	_ =	sdelay $0x4  }
0x56: {  	vm0 =	vgt.s32 v0, $0x0  }
0x57: {  	v0 =	vnsel vm0, $0x0, v0  }
0x58: {  	[tilespmem:$0xCD0] =	vst v0  }
0x59: {  	v0 =	vld [tilespmem:s13+$0x60];
	_ =	sdelay $0x4  }
0x5a: {  	vm0 =	vgt.s32 v0, $0x0  }
0x5b: {  	v0 =	vnsel vm0, $0x0, v0  }
0x5c: {  	[tilespmem:$0xCE0] =	vst v0  }
0x5d: {  	v0 =	vld [tilespmem:s13+$0x70];
	_ =	sdelay $0x4  }
0x5e: {  	vm0 =	vgt.s32 v0, $0x0  }
0x5f: {  	v0 =	vnsel vm0, $0x0, v0  }
0x60: {  	[tilespmem:$0xCF0] =	vst v0  }
0x61: {  	[tilespmem:s10], [sflag:$0x1] =	stream.indirect.gather [hbm4b:s3+s8], $0x1, s9, s8, $0xb8;
	[tilespmem:$0x1A00] =	vst v63  }
0x62: {  	_ =	swait.ge [sflag:s7], $0x80  }
0x63: {  	[sflag:s7] =	ssyncset.done $0x0  }
0x64: {  	[sflag:s7] =	ssyncadd.s32 $0xFFFFFF80  }
0x65: {  	v0 =	vld [tilespmem:$0xD00];
	_ =	sdelay $0x4  }
0x66: {  	[tilespmem:s13+$0xD80] =	vst v0  }
0x67: {  	v0 =	vld [tilespmem:$0xD10];
	_ =	sdelay $0x4  }
0x68: {  	[tilespmem:s13+$0xD90] =	vst v0  }
0x69: {  	v0 =	vld [tilespmem:$0xD20];
	_ =	sdelay $0x4  }
0x6a: {  	[tilespmem:s13+$0xDA0] =	vst v0  }
0x6b: {  	v0 =	vld [tilespmem:$0xD30];
	_ =	sdelay $0x4  }
0x6c: {  	[tilespmem:s13+$0xDB0] =	vst v0  }
0x6d: {  	v0 =	vld [tilespmem:$0xD40];
	_ =	sdelay $0x4  }
0x6e: {  	[tilespmem:s13+$0xDC0] =	vst v0  }
0x6f: {  	v0 =	vld [tilespmem:$0xD50];
	_ =	sdelay $0x4  }
0x70: {  	[tilespmem:s13+$0xDD0] =	vst v0  }
0x71: {  	v1 =	vld [tilespmem:$0xD60];
	_ =	sdelay $0x3  }
0x72: {  	s16 =	sshra.s32 s15, $0x2  }
0x73: {  	v0 =	vld [tilespmem:s16+$0x0];
	[tilespmem:s13+$0xDE0] =	vst v1  }
.Ltmp0:
0x74: {  	v1 =	vld [tilespmem:$0xD70];
	(pc) =	sbr.rel @p0 .LBB2_2-.Ltmp0, $2  }
0x75: {  	_ =	sdelay $0x2  }
0x76: {  	vm0 =	vgt.s32 v0, $0x0  }
0x77: {  	v0 =	vnsel vm0, $0x0, v0;
	[tilespmem:s13+$0xDF0] =	vst v1  }
0x78: {  	[tilespmem:$0xC80] =	vst v0  }
0x79: {  	v0 =	vld [tilespmem:s16+$0x10];
	_ =	sdelay $0x4  }
0x7a: {  	vm9 =	vgt.s32 v0, $0x0  }
0x7b: {  	v0 =	vnsel vm9, $0x0, v0  }
0x7c: {  	[tilespmem:$0xC90] =	vst v0  }
0x7d: {  	v0 =	vld [tilespmem:s16+$0x20];
	_ =	sdelay $0x4  }
0x7e: {  	vm10 =	vgt.s32 v0, $0x0  }
0x7f: {  	v0 =	vnsel vm10, $0x0, v0  }
0x80: {  	[tilespmem:$0xCA0] =	vst v0  }
0x81: {  	v0 =	vld [tilespmem:s16+$0x30];
	_ =	sdelay $0x4  }
0x82: {  	vm11 =	vgt.s32 v0, $0x0  }
0x83: {  	v0 =	vnsel vm11, $0x0, v0  }
0x84: {  	[tilespmem:$0xCB0] =	vst v0  }
0x85: {  	v0 =	vld [tilespmem:s16+$0x40];
	_ =	sdelay $0x4  }
0x86: {  	vm12 =	vgt.s32 v0, $0x0  }
0x87: {  	v0 =	vnsel vm12, $0x0, v0  }
0x88: {  	[tilespmem:$0xCC0] =	vst v0  }
0x89: {  	v0 =	vld [tilespmem:s16+$0x50];
	_ =	sdelay $0x4  }
0x8a: {  	vm13 =	vgt.s32 v0, $0x0  }
0x8b: {  	v0 =	vnsel vm13, $0x0, v0  }
0x8c: {  	[tilespmem:$0xCD0] =	vst v0  }
0x8d: {  	v0 =	vld [tilespmem:s16+$0x60];
	_ =	sdelay $0x4  }
0x8e: {  	vm14 =	vgt.s32 v0, $0x0  }
0x8f: {  	v0 =	vnsel vm14, $0x0, v0  }
0x90: {  	[tilespmem:$0xCE0] =	vst v0  }
0x91: {  	v0 =	vld [tilespmem:s16+$0x70];
	_ =	sdelay $0x4  }
0x92: {  	vm15 =	vgt.s32 v0, $0x0  }
0x93: {  	v0 =	vnsel vm15, $0x0, v0  }
0x94: {  	[tilespmem:$0xCF0] =	vst v0  }
0x95: {  	[tilespmem:s10], [sflag:$0x1] =	stream.indirect.gather [hbm4b:s3+s8], $0x1, s9, s8, $0xb8;
	[tilespmem:$0x1A00] =	vst v63  }
0x96: {  	_ =	swait.ge [sflag:s7], $0x80  }
0x97: {  	[sflag:s7] =	ssyncset.done $0x0  }
0x98: {  	[sflag:s7] =	ssyncadd.s32 $0xFFFFFF80  }
0x99: {  	v63 =	vld [tilespmem:$0xD00];
	_ =	sdelay $0x4  }
0x9a: {  	[tilespmem:s16+$0xD80] =	vst v63  }
0x9b: {  	v0 =	vld [tilespmem:$0xD10];
	_ =	sdelay $0x4  }
0x9c: {  	[tilespmem:s16+$0xD90] =	vst v0  }
0x9d: {  	v0 =	vld [tilespmem:$0xD20];
	_ =	sdelay $0x4  }
0x9e: {  	[tilespmem:s16+$0xDA0] =	vst v0  }
0x9f: {  	v0 =	vld [tilespmem:$0xD30];
	_ =	sdelay $0x4  }
0xa0: {  	[tilespmem:s16+$0xDB0] =	vst v0  }
0xa1: {  	v0 =	vld [tilespmem:$0xD40];
	_ =	sdelay $0x4  }
0xa2: {  	[tilespmem:s16+$0xDC0] =	vst v0  }
0xa3: {  	v0 =	vld [tilespmem:$0xD50];
	_ =	sdelay $0x4  }
0xa4: {  	[tilespmem:s16+$0xDD0] =	vst v0  }
0xa5: {  	v0 =	vld [tilespmem:$0xD60];
	_ =	sdelay $0x4  }
0xa6: {  	[tilespmem:s16+$0xDE0] =	vst v0  }
0xa7: {  	v0 =	vld [tilespmem:$0xD70];
	_ =	sdelay $0x2  }
0xa8: {  	s12 =	sadd.s32 $0x1, s12  }
0xa9: {  	p0 =	sne.s32 s12, s6  }
.Ltmp1:
0xaa: {  	[tilespmem:s16+$0xDF0] =	vst v0;
	(pc) =	sbr.rel @p0 .LBB2_1-.Ltmp1, $4  }
0xab: {  	[hbm4b:s5+s2] =	stream.linear.scatter [tilespmem:s11], [sflag:$0x1], $0xC80, $0x38;
	[tilespmem:$0x1A00] =	vst v63  }
0xac: {  	_ =	swait.ge [sflag:s7], $0xC80  }
0xad: {  	[sflag:s7] =	ssyncset.done $0x0  }
0xae: {  	[sflag:s7] =	ssyncadd.s32 $0xFFFFF380  }
0xaf: {  	_ =	sfence.sel $0x180000  }
0xb0: {  	[bflag:$0x0] =	sbarrier.arrive $0xFFFF  }
0xb1: {  	p0 =	sne.s32 s0, $0x0;
	_ =	strace $0x9000004A  }
0xb2: {  	s0 =	sadd.s32 @!p0 $0x100000, s1;
	[bflag:$0x2] =	sbarrier.arrive $0xFFFF  }
0xb3: {  	[sflag:s0] =	ssyncadd.tile.s32 @!p0 $0x1;
	_ =	shalt  }
.Lfunc_end2:
_tile_overlayer_lowered:
.L_overlay_start_2:
0xb4: {  	(tag) =	ssettag $0x2  }
0xb5: {  	s0 =	rddreg [dreg:$0x0];
	s2 =	stileid.u32  }
0xb6: {  	s1 =	rddreg [dreg:$0x1];
	p0 =	sne.s32 s2, $0x0  }
0xb7: {  	s3 =	rddreg [dreg:$0x2];
	[bflag:$0x3] =	sbarrier.arrive $0xFFFF;
	s2 =	simm.s32 @!p0 $0x1C01  }
0xb8: {  	[timem:s3], [sflag:s2] =	dma.local @!p0 [hbm:s0], s1  }
0xb9: {  	s0 =	simm.s32 @!p0 $0x1  }
0xba: {  	_ =	swait.ge @!p0 [sflag:s0], s1  }
0xbb: {  	s1 =	ssub.s32 @!p0 $0x0, s1;
	[sflag:s0] =	ssyncset.done @!p0 $0x0  }
0xbc: {  	[sflag:s0] =	ssyncadd.s32 @!p0 s1  }
0xbd: {  	[bflag:$0x3] =	sbarrier.arrive $0xFFFF  }
0xbe: {  	_ =	shalt  }

</sc_bundles>
